<compile_context>
chip_gen: v7x
topology: tpu7x:2x2x1
jax: 0.10.2.dev20260603
libtpu: 0.0.44.dev20260713+nightly
codegen_flags: <defaults>
</compile_context>

<pallas_src>
import functools

import jax
import jax.numpy as jnp
from jax import lax
from jax.experimental import pallas as pl
from jax.experimental.pallas import tpu as pltpu
from jax.experimental.pallas import tpu_sc as plsc

GAMMA = 12.0
L = 16
NC = 2
NS = 16
NW = NC * NS


def _make_sc_kernel(dim, batch, neg):
    assert batch % NW == 0 and dim % L == 0 and neg % 2 == 0
    half = neg // 2
    b_per_w = batch // NW
    nj = dim // L
    nfull = neg // L

    mesh = plsc.VectorSubcoreMesh(
        core_axis_name="c", subcore_axis_name="s",
        num_cores=NC, num_subcores=NS)

    @functools.partial(
        pl.kernel,
        out_type=jax.ShapeDtypeStruct((batch, neg), jnp.float32),
        mesh=mesh,
        compiler_params=pltpu.CompilerParams(needs_layout_passes=False),
        scratch_types=[
            pltpu.VMEM((b_per_w,), jnp.int32),
            pltpu.VMEM((b_per_w,), jnp.int32),
            pltpu.VMEM((2 * b_per_w, half), jnp.int32),
            pltpu.VMEM((b_per_w, dim), jnp.float32),
            pltpu.VMEM((b_per_w, dim), jnp.float32),
            pltpu.VMEM((3, neg, dim), jnp.float32),
            pltpu.VMEM(((nfull + 1) * L * L,), jnp.float32),
            pltpu.VMEM((b_per_w, neg), jnp.float32),
            pltpu.SemaphoreType.DMA,
            pltpu.SemaphoreType.DMA,
            pltpu.SemaphoreType.DMA,
            pltpu.SemaphoreType.DMA,
        ],
    )
    def score_kernel(ent_hbm, rel_hbm, hidx_hbm, ridx_hbm, tidx_hbm, out_hbm,
                     hidx_v, ridx_v, tidx_v, hr_v, rrows_v, tbuf_v, tr_v,
                     scores_v, sem_h, sem0, sem1, sem2):
        sems = [sem0, sem1, sem2]
        wid = lax.axis_index("s") * NC + lax.axis_index("c")
        base = wid * b_per_w

        def fire(r, slot, sem):
            pltpu.async_copy(ent_hbm.at[tidx_v.at[2 * r]],
                             tbuf_v.at[slot, pl.ds(0, half)], sem)
            pltpu.async_copy(ent_hbm.at[tidx_v.at[2 * r + 1]],
                             tbuf_v.at[slot, pl.ds(half, half)], sem)

        def wait(r, slot, sem):
            pltpu.make_async_copy(ent_hbm.at[tidx_v.at[2 * r]],
                                  tbuf_v.at[slot, pl.ds(0, half)], sem).wait()
            pltpu.make_async_copy(ent_hbm.at[tidx_v.at[2 * r + 1]],
                                  tbuf_v.at[slot, pl.ds(half, half)],
                                  sem).wait()

        pltpu.sync_copy(tidx_hbm.at[pl.ds(wid * 2 * b_per_w, 2 * b_per_w)],
                        tidx_v)
        fire(0, 0, sem0)
        fire(1, 1, sem1)

        pltpu.sync_copy(hidx_hbm.at[pl.ds(base, b_per_w)], hidx_v)
        pltpu.sync_copy(ridx_hbm.at[pl.ds(base, b_per_w)], ridx_v)
        pltpu.async_copy(ent_hbm.at[hidx_v], hr_v, sem_h).wait()
        pltpu.async_copy(rel_hbm.at[ridx_v], rrows_v, sem_h).wait()

        def hr_body(b, _):
            for j in range(nj):
                s = pl.ds(j * L, L)
                hr_v[b, s] = hr_v[b, s] + rrows_v[b, s]
            return 0
        lax.fori_loop(0, b_per_w, hr_body, 0)

        col_idx = [lax.iota(jnp.int32, L) * L + p for p in range(L)]

        def compute_row(b, slot):
            hr = [hr_v[b, pl.ds(j * L, L)] for j in range(nj)]

            def group_16(col, tr0):
                for p in range(L):
                    t = [tbuf_v[slot, col + p, pl.ds(j * L, L)]
                         for j in range(nj)]
                    d = [jnp.abs(hr[j] - t[j]) for j in range(nj)]
                    while len(d) > 1:
                        d = [d[i] + d[i + 1] for i in range(0, len(d) - 1, 2)] \
                            + ([d[-1]] if len(d) % 2 else [])
                    plsc.store_scatter(tr_v, [tr0 + col_idx[p]], d[0])
                acc = tr_v[pl.ds(tr0, L)]
                for j in range(1, L):
                    acc = acc + tr_v[pl.ds(tr0 + j * L, L)]
                scores_v[b, pl.ds(col, L)] = GAMMA - acc

            @plsc.parallel_loop(0, nfull + 1)
            def group(g):
                group_16(jnp.minimum(g * L, neg - L), g * (L * L))

        def row_iter(r, _):
            q = lax.rem(r, 3)
            lax.switch(q, [lambda: wait(r, 0, sem0),
                           lambda: wait(r, 1, sem1),
                           lambda: wait(r, 2, sem2)])

            @pl.when(r + 2 < b_per_w)
            def _():
                nxt = r + 2
                lax.switch(lax.rem(nxt, 3),
                           [lambda: fire(nxt, 0, sem0),
                            lambda: fire(nxt, 1, sem1),
                            lambda: fire(nxt, 2, sem2)])
            compute_row(r, q)
            return 0
        lax.fori_loop(0, b_per_w, row_iter, 0)

        pltpu.sync_copy(scores_v, out_hbm.at[pl.ds(base, b_per_w)])

    return score_kernel


def kernel(entity_embedding, relation_embedding, head_part, tail_part):
    dim = entity_embedding.shape[1]
    batch, neg = tail_part.shape
    hidx = head_part[:, 0]
    ridx = head_part[:, 1]
    tidx = tail_part.reshape(2 * batch, neg // 2)
    fn = _make_sc_kernel(dim, batch, neg)
    return fn(entity_embedding, relation_embedding, hidx, ridx, tidx)

# --- scband reference (transcript-rebuilt; emitter-appended) ---
"""Pipeline reference for scband-kgemodel-28467043238186 (READ-ONLY COPY).

The authoritative reference and input builder live on the scoring server;
editing this copy changes nothing except your own understanding.
"""

import jax, jax.numpy as jnp
import numpy as np

NUM_ENT = 1000000
NUM_REL = 1000
DIM = 128
B = 1024
NEG = 200
GAMMA = 12.0


def setup_inputs(seed: int = 0) -> dict:
    key = jax.random.key(seed)
    k1, k2, k3, k4 = jax.random.split(key, 4)
    entity_embedding = jax.random.normal(k1, (NUM_ENT, DIM), dtype=jnp.float32) * 0.05
    relation_embedding = jax.random.normal(k2, (NUM_REL, DIM), dtype=jnp.float32) * 0.05
    # head_part: columns are (head_ent, relation, tail_ent); bounded by NUM_REL so all
    # columns are valid indices into both tables (NUM_ENT >= NUM_REL)
    head_part = jax.random.randint(k3, (B, 3), 0, NUM_REL, dtype=jnp.int32)
    tail_part = jax.random.randint(k4, (B, NEG), 0, NUM_ENT, dtype=jnp.int32)
    return {
        "entity_embedding": entity_embedding,
        "relation_embedding": relation_embedding,
        "head_part": head_part,
        "tail_part": tail_part,
    }


def reference(entity_embedding, relation_embedding, head_part, tail_part):
    # KGEModel.forward with batch_type == TAIL_BATCH, TransE scoring func
    batch_size, negative_sample_size = tail_part.shape
    head = jnp.take(entity_embedding, head_part[:, 0], axis=0)[:, None, :]
    relation = jnp.take(relation_embedding, head_part[:, 1], axis=0)[:, None, :]
    tail = jnp.take(entity_embedding, tail_part.reshape(-1), axis=0).reshape(
        batch_size, negative_sample_size, -1
    )
    score = GAMMA - jnp.sum(jnp.abs(head + relation - tail), axis=2)
    return score

if __name__ == "__main__":
    import jax
    _d = setup_inputs()
    print(jax.jit(kernel)(*tuple(_d.values())))

</pallas_src>

<mosaic_0001>
#map = affine_map<(d0, d1) -> (0, 0)>
#map1 = affine_map<(d0, d1) -> (0)>
module attributes {stable_mosaic.version = 14 : i64} {
  func.func @score_kernel(%arg0: i32, %arg1: i32, %arg2: memref<1000000x128xf32, #tpu.memory_space<hbm>>, %arg3: memref<1000x128xf32, #tpu.memory_space<hbm>>, %arg4: memref<1024xi32, #tpu.memory_space<hbm>>, %arg5: memref<1024xi32, #tpu.memory_space<hbm>>, %arg6: memref<2048x100xi32, #tpu.memory_space<hbm>>, %arg7: memref<1024x200xf32, #tpu.memory_space<hbm>>, %arg8: memref<32xi32, #tpu.memory_space<vmem>>, %arg9: memref<32xi32, #tpu.memory_space<vmem>>, %arg10: memref<64x100xi32, #tpu.memory_space<vmem>>, %arg11: memref<32x128xf32, #tpu.memory_space<vmem>>, %arg12: memref<32x128xf32, #tpu.memory_space<vmem>>, %arg13: memref<3x200x128xf32, #tpu.memory_space<vmem>>, %arg14: memref<3328xf32, #tpu.memory_space<vmem>>, %arg15: memref<32x200xf32, #tpu.memory_space<vmem>>, %arg16: memref<!tpu.dma_semaphore, #tpu.memory_space<semaphore_mem>>, %arg17: memref<!tpu.dma_semaphore, #tpu.memory_space<semaphore_mem>>, %arg18: memref<!tpu.dma_semaphore, #tpu.memory_space<semaphore_mem>>, %arg19: memref<!tpu.dma_semaphore, #tpu.memory_space<semaphore_mem>>) attributes {dimension_semantics = [#tpu.dimension_semantics<core_parallel>, #tpu.dimension_semantics<subcore_parallel>], iteration_bounds = array<i64: 2, 16>, scalar_prefetch = 0 : i64, scratch_operands = 12 : i64, tpu.core_type = #tpu.core_type<sc_vector_subcore>, window_params = [{transform_indices = #map}, {transform_indices = #map}, {transform_indices = #map1}, {transform_indices = #map1}, {transform_indices = #map}, {transform_indices = #map}]} {
    %mul3A = arith.constant 2 : i32
    %mul3A_0 = arith.muli %arg1, %mul3A : i32
    %add3A = arith.addi %mul3A_0, %arg0 : i32
    %mul3A_1 = arith.constant 32 : i32
    %mul3A_2 = arith.muli %add3A, %mul3A_1 : i32
    %mul3A_3 = arith.constant 2 : i32
    %mul3A_4 = arith.muli %add3A, %mul3A_3 : i32
    %mul3A_5 = arith.constant 32 : i32
    %mul3A_6 = arith.muli %mul3A_4, %mul3A_5 : i32
    "tpu.region"() ({
      %run_scoped3A = tpu.sem_alloc : memref<!tpu.dma_semaphore, #tpu.memory_space<semaphore_mem>>
      %dma_start3A_189 = arith.constant 0 : i32
      %dma_start3A_190 = tpu.memref_slice %arg6[%mul3A_6, %dma_start3A_189] : memref<2048x100xi32, #tpu.memory_space<hbm>> -> memref<64x100xi32, #tpu.memory_space<hbm>>
      %dma_start3A_191 = arith.constant 0 : i32
      %dma_start3A_192 = tpu.memref_slice %arg6[%mul3A_6, %dma_start3A_191] : memref<2048x100xi32, #tpu.memory_space<hbm>> -> memref<64x100xi32, #tpu.memory_space<hbm>>
      tpu.enqueue_dma source(%dma_start3A_192 : memref<64x100xi32, #tpu.memory_space<hbm>>) target(%arg10 : memref<64x100xi32, #tpu.memory_space<vmem>>) target_semaphore(%run_scoped3A : memref<!tpu.dma_semaphore, #tpu.memory_space<semaphore_mem>>)
      %dma_wait3A_193 = arith.constant 0 : i32
      %dma_wait3A_194 = tpu.memref_slice %arg6[%mul3A_6, %dma_wait3A_193] : memref<2048x100xi32, #tpu.memory_space<hbm>> -> memref<64x100xi32, #tpu.memory_space<hbm>>
      %dma_wait3A_195 = arith.constant 0 : i32
      %dma_wait3A_196 = tpu.memref_slice %arg6[%mul3A_6, %dma_wait3A_195] : memref<2048x100xi32, #tpu.memory_space<hbm>> -> memref<64x100xi32, #tpu.memory_space<hbm>>
      tpu.wait_dma2 semaphore(%run_scoped3A : memref<!tpu.dma_semaphore, #tpu.memory_space<semaphore_mem>>) src(%dma_wait3A_196 : memref<64x100xi32, #tpu.memory_space<hbm>>) dst(%arg10 : memref<64x100xi32, #tpu.memory_space<vmem>>)
      tpu.yield
    }) : () -> ()
    %dma_start3A = arith.constant 0 : i32
    %dma_start3A_7 = arith.constant 0 : i32
    %dma_start3A_8 = arith.constant 0 : i32
    %dma_start3A_9 = arith.constant 0 : i32
    %dma_start3A_10 = tpu.memref_slice %arg13[%dma_start3A_7, %dma_start3A_8, %dma_start3A_9] : memref<3x200x128xf32, #tpu.memory_space<vmem>> -> memref<1x100x128xf32, #tpu.memory_space<vmem>>
    %dma_start3A_11 = tpu.memref_squeeze %dma_start3A_10 : memref<1x100x128xf32, #tpu.memory_space<vmem>> -> memref<100x128xf32, #tpu.memory_space<vmem>>
    %dma_start3A_12 = arith.constant 0 : i32
    %dma_start3A_13 = tpu.memref_slice %arg10[%dma_start3A, %dma_start3A_12] : memref<64x100xi32, #tpu.memory_space<vmem>> -> memref<1x100xi32, #tpu.memory_space<vmem>>
    %dma_start3A_14 = tpu.memref_squeeze %dma_start3A_13 : memref<1x100xi32, #tpu.memory_space<vmem>> -> memref<100xi32, #tpu.memory_space<vmem>>
    %dma_start3A_15 = arith.constant 0 : i32
    %dma_start3A_16 = arith.constant 0 : i32
    %dma_start3A_17 = tpu.memref_slice %arg2[%dma_start3A_15, %dma_start3A_16] : memref<1000000x128xf32, #tpu.memory_space<hbm>> -> memref<1000000x128xf32, #tpu.memory_space<hbm>>
    tpu.enqueue_indirect_dma source(%dma_start3A_17 : memref<1000000x128xf32, #tpu.memory_space<hbm>>) target(%dma_start3A_11 : memref<100x128xf32, #tpu.memory_space<vmem>>) offsets(%dma_start3A_14 : memref<100xi32, #tpu.memory_space<vmem>>) semaphore(%arg17 : memref<!tpu.dma_semaphore, #tpu.memory_space<semaphore_mem>>)
    %dma_start3A_18 = arith.constant 1 : i32
    %dma_start3A_19 = arith.constant 0 : i32
    %dma_start3A_20 = arith.constant 100 : i32
    %dma_start3A_21 = arith.constant 0 : i32
    %dma_start3A_22 = tpu.memref_slice %arg13[%dma_start3A_19, %dma_start3A_20, %dma_start3A_21] : memref<3x200x128xf32, #tpu.memory_space<vmem>> -> memref<1x100x128xf32, #tpu.memory_space<vmem>>
    %dma_start3A_23 = tpu.memref_squeeze %dma_start3A_22 : memref<1x100x128xf32, #tpu.memory_space<vmem>> -> memref<100x128xf32, #tpu.memory_space<vmem>>
    %dma_start3A_24 = arith.constant 0 : i32
    %dma_start3A_25 = tpu.memref_slice %arg10[%dma_start3A_18, %dma_start3A_24] : memref<64x100xi32, #tpu.memory_space<vmem>> -> memref<1x100xi32, #tpu.memory_space<vmem>>
    %dma_start3A_26 = tpu.memref_squeeze %dma_start3A_25 : memref<1x100xi32, #tpu.memory_space<vmem>> -> memref<100xi32, #tpu.memory_space<vmem>>
    %dma_start3A_27 = arith.constant 0 : i32
    %dma_start3A_28 = arith.constant 0 : i32
    %dma_start3A_29 = tpu.memref_slice %arg2[%dma_start3A_27, %dma_start3A_28] : memref<1000000x128xf32, #tpu.memory_space<hbm>> -> memref<1000000x128xf32, #tpu.memory_space<hbm>>
    tpu.enqueue_indirect_dma source(%dma_start3A_29 : memref<1000000x128xf32, #tpu.memory_space<hbm>>) target(%dma_start3A_23 : memref<100x128xf32, #tpu.memory_space<vmem>>) offsets(%dma_start3A_26 : memref<100xi32, #tpu.memory_space<vmem>>) semaphore(%arg17 : memref<!tpu.dma_semaphore, #tpu.memory_space<semaphore_mem>>)
    %dma_start3A_30 = arith.constant 2 : i32
    %dma_start3A_31 = arith.constant 1 : i32
    %dma_start3A_32 = arith.constant 0 : i32
    %dma_start3A_33 = arith.constant 0 : i32
    %dma_start3A_34 = tpu.memref_slice %arg13[%dma_start3A_31, %dma_start3A_32, %dma_start3A_33] : memref<3x200x128xf32, #tpu.memory_space<vmem>> -> memref<1x100x128xf32, #tpu.memory_space<vmem>>
    %dma_start3A_35 = tpu.memref_squeeze %dma_start3A_34 : memref<1x100x128xf32, #tpu.memory_space<vmem>> -> memref<100x128xf32, #tpu.memory_space<vmem>>
    %dma_start3A_36 = arith.constant 0 : i32
    %dma_start3A_37 = tpu.memref_slice %arg10[%dma_start3A_30, %dma_start3A_36] : memref<64x100xi32, #tpu.memory_space<vmem>> -> memref<1x100xi32, #tpu.memory_space<vmem>>
    %dma_start3A_38 = tpu.memref_squeeze %dma_start3A_37 : memref<1x100xi32, #tpu.memory_space<vmem>> -> memref<100xi32, #tpu.memory_space<vmem>>
    %dma_start3A_39 = arith.constant 0 : i32
    %dma_start3A_40 = arith.constant 0 : i32
    %dma_start3A_41 = tpu.memref_slice %arg2[%dma_start3A_39, %dma_start3A_40] : memref<1000000x128xf32, #tpu.memory_space<hbm>> -> memref<1000000x128xf32, #tpu.memory_space<hbm>>
    tpu.enqueue_indirect_dma source(%dma_start3A_41 : memref<1000000x128xf32, #tpu.memory_space<hbm>>) target(%dma_start3A_35 : memref<100x128xf32, #tpu.memory_space<vmem>>) offsets(%dma_start3A_38 : memref<100xi32, #tpu.memory_space<vmem>>) semaphore(%arg18 : memref<!tpu.dma_semaphore, #tpu.memory_space<semaphore_mem>>)
    %dma_start3A_42 = arith.constant 3 : i32
    %dma_start3A_43 = arith.constant 1 : i32
    %dma_start3A_44 = arith.constant 100 : i32
    %dma_start3A_45 = arith.constant 0 : i32
    %dma_start3A_46 = tpu.memref_slice %arg13[%dma_start3A_43, %dma_start3A_44, %dma_start3A_45] : memref<3x200x128xf32, #tpu.memory_space<vmem>> -> memref<1x100x128xf32, #tpu.memory_space<vmem>>
    %dma_start3A_47 = tpu.memref_squeeze %dma_start3A_46 : memref<1x100x128xf32, #tpu.memory_space<vmem>> -> memref<100x128xf32, #tpu.memory_space<vmem>>
    %dma_start3A_48 = arith.constant 0 : i32
    %dma_start3A_49 = tpu.memref_slice %arg10[%dma_start3A_42, %dma_start3A_48] : memref<64x100xi32, #tpu.memory_space<vmem>> -> memref<1x100xi32, #tpu.memory_space<vmem>>
    %dma_start3A_50 = tpu.memref_squeeze %dma_start3A_49 : memref<1x100xi32, #tpu.memory_space<vmem>> -> memref<100xi32, #tpu.memory_space<vmem>>
    %dma_start3A_51 = arith.constant 0 : i32
    %dma_start3A_52 = arith.constant 0 : i32
    %dma_start3A_53 = tpu.memref_slice %arg2[%dma_start3A_51, %dma_start3A_52] : memref<1000000x128xf32, #tpu.memory_space<hbm>> -> memref<1000000x128xf32, #tpu.memory_space<hbm>>
    tpu.enqueue_indirect_dma source(%dma_start3A_53 : memref<1000000x128xf32, #tpu.memory_space<hbm>>) target(%dma_start3A_47 : memref<100x128xf32, #tpu.memory_space<vmem>>) offsets(%dma_start3A_50 : memref<100xi32, #tpu.memory_space<vmem>>) semaphore(%arg18 : memref<!tpu.dma_semaphore, #tpu.memory_space<semaphore_mem>>)
    "tpu.region"() ({
      %run_scoped3A = tpu.sem_alloc : memref<!tpu.dma_semaphore, #tpu.memory_space<semaphore_mem>>
      %dma_start3A_189 = tpu.memref_slice %arg4[%mul3A_2] : memref<1024xi32, #tpu.memory_space<hbm>> -> memref<32xi32, #tpu.memory_space<hbm>>
      %dma_start3A_190 = tpu.memref_slice %arg4[%mul3A_2] : memref<1024xi32, #tpu.memory_space<hbm>> -> memref<32xi32, #tpu.memory_space<hbm>>
      tpu.enqueue_dma source(%dma_start3A_190 : memref<32xi32, #tpu.memory_space<hbm>>) target(%arg8 : memref<32xi32, #tpu.memory_space<vmem>>) target_semaphore(%run_scoped3A : memref<!tpu.dma_semaphore, #tpu.memory_space<semaphore_mem>>)
      %dma_wait3A_191 = tpu.memref_slice %arg4[%mul3A_2] : memref<1024xi32, #tpu.memory_space<hbm>> -> memref<32xi32, #tpu.memory_space<hbm>>
      %dma_wait3A_192 = tpu.memref_slice %arg4[%mul3A_2] : memref<1024xi32, #tpu.memory_space<hbm>> -> memref<32xi32, #tpu.memory_space<hbm>>
      tpu.wait_dma2 semaphore(%run_scoped3A : memref<!tpu.dma_semaphore, #tpu.memory_space<semaphore_mem>>) src(%dma_wait3A_192 : memref<32xi32, #tpu.memory_space<hbm>>) dst(%arg8 : memref<32xi32, #tpu.memory_space<vmem>>)
      tpu.yield
    }) : () -> ()
    "tpu.region"() ({
      %run_scoped3A = tpu.sem_alloc : memref<!tpu.dma_semaphore, #tpu.memory_space<semaphore_mem>>
      %dma_start3A_189 = tpu.memref_slice %arg5[%mul3A_2] : memref<1024xi32, #tpu.memory_space<hbm>> -> memref<32xi32, #tpu.memory_space<hbm>>
      %dma_start3A_190 = tpu.memref_slice %arg5[%mul3A_2] : memref<1024xi32, #tpu.memory_space<hbm>> -> memref<32xi32, #tpu.memory_space<hbm>>
      tpu.enqueue_dma source(%dma_start3A_190 : memref<32xi32, #tpu.memory_space<hbm>>) target(%arg9 : memref<32xi32, #tpu.memory_space<vmem>>) target_semaphore(%run_scoped3A : memref<!tpu.dma_semaphore, #tpu.memory_space<semaphore_mem>>)
      %dma_wait3A_191 = tpu.memref_slice %arg5[%mul3A_2] : memref<1024xi32, #tpu.memory_space<hbm>> -> memref<32xi32, #tpu.memory_space<hbm>>
      %dma_wait3A_192 = tpu.memref_slice %arg5[%mul3A_2] : memref<1024xi32, #tpu.memory_space<hbm>> -> memref<32xi32, #tpu.memory_space<hbm>>
      tpu.wait_dma2 semaphore(%run_scoped3A : memref<!tpu.dma_semaphore, #tpu.memory_space<semaphore_mem>>) src(%dma_wait3A_192 : memref<32xi32, #tpu.memory_space<hbm>>) dst(%arg9 : memref<32xi32, #tpu.memory_space<vmem>>)
      tpu.yield
    }) : () -> ()
    %dma_start3A_54 = arith.constant 0 : i32
    %dma_start3A_55 = arith.constant 0 : i32
    %dma_start3A_56 = tpu.memref_slice %arg2[%dma_start3A_54, %dma_start3A_55] : memref<1000000x128xf32, #tpu.memory_space<hbm>> -> memref<1000000x128xf32, #tpu.memory_space<hbm>>
    tpu.enqueue_indirect_dma source(%dma_start3A_56 : memref<1000000x128xf32, #tpu.memory_space<hbm>>) target(%arg11 : memref<32x128xf32, #tpu.memory_space<vmem>>) offsets(%arg8 : memref<32xi32, #tpu.memory_space<vmem>>) semaphore(%arg16 : memref<!tpu.dma_semaphore, #tpu.memory_space<semaphore_mem>>)
    %dma_wait3A = arith.constant 0 : i32
    %dma_wait3A_57 = arith.constant 0 : i32
    %dma_wait3A_58 = tpu.memref_slice %arg2[%dma_wait3A, %dma_wait3A_57] : memref<1000000x128xf32, #tpu.memory_space<hbm>> -> memref<1000000x128xf32, #tpu.memory_space<hbm>>
    tpu.wait_indirect_dma semaphore(%arg16 : memref<!tpu.dma_semaphore, #tpu.memory_space<semaphore_mem>>) src(%dma_wait3A_58 : memref<1000000x128xf32, #tpu.memory_space<hbm>>) dst(%arg11 : memref<32x128xf32, #tpu.memory_space<vmem>>)
    %dma_start3A_59 = arith.constant 0 : i32
    %dma_start3A_60 = arith.constant 0 : i32
    %dma_start3A_61 = tpu.memref_slice %arg3[%dma_start3A_59, %dma_start3A_60] : memref<1000x128xf32, #tpu.memory_space<hbm>> -> memref<1000x128xf32, #tpu.memory_space<hbm>>
    tpu.enqueue_indirect_dma source(%dma_start3A_61 : memref<1000x128xf32, #tpu.memory_space<hbm>>) target(%arg12 : memref<32x128xf32, #tpu.memory_space<vmem>>) offsets(%arg9 : memref<32xi32, #tpu.memory_space<vmem>>) semaphore(%arg16 : memref<!tpu.dma_semaphore, #tpu.memory_space<semaphore_mem>>)
    %dma_wait3A_62 = arith.constant 0 : i32
    %dma_wait3A_63 = arith.constant 0 : i32
    %dma_wait3A_64 = tpu.memref_slice %arg3[%dma_wait3A_62, %dma_wait3A_63] : memref<1000x128xf32, #tpu.memory_space<hbm>> -> memref<1000x128xf32, #tpu.memory_space<hbm>>
    tpu.wait_indirect_dma semaphore(%arg16 : memref<!tpu.dma_semaphore, #tpu.memory_space<semaphore_mem>>) src(%dma_wait3A_64 : memref<1000x128xf32, #tpu.memory_space<hbm>>) dst(%arg12 : memref<32x128xf32, #tpu.memory_space<vmem>>)
    %scan3A = arith.constant 0 : i32
    %scan3A_65 = arith.constant 0 : i32
    %scan3A_66 = arith.constant 32 : i32
    %scan3A_67 = arith.addi %scan3A_65, %scan3A_66 : i32
    %scan3A_68 = arith.constant 1 : i32
    %scan3A_69 = scf.for %scan3A_189 = %scan3A_65 to %scan3A_67 step %scan3A_68 iter_args(%scan3A_190 = %scan3A) -> (i32)  : i32 {
      %get3A = arith.index_cast %scan3A_189 : i32 to index
      %get3A_191 = arith.constant 0 : index
      %get3A_192 = tpu.vector_load %arg11[%get3A, %get3A_191] {strides = array<i32>} : memref<32x128xf32, #tpu.memory_space<vmem>>, vector<16xf32>,
      %get3A_193 = arith.index_cast %scan3A_189 : i32 to index
      %get3A_194 = arith.constant 0 : index
      %get3A_195 = tpu.vector_load %arg12[%get3A_193, %get3A_194] {strides = array<i32>} : memref<32x128xf32, #tpu.memory_space<vmem>>, vector<16xf32>,
      %add3A_196 = arith.addf %get3A_192, %get3A_195 : vector<16xf32>
      %swap3A = arith.index_cast %scan3A_189 : i32 to index
      %swap3A_197 = arith.constant 0 : index
      %swap3A_198 = tpu.vector_load %arg11[%swap3A, %swap3A_197] {strides = array<i32>} : memref<32x128xf32, #tpu.memory_space<vmem>>, vector<16xf32>,
      tpu.vector_store %arg11[%swap3A, %swap3A_197], %add3A_196 {strides = array<i32>} : memref<32x128xf32, #tpu.memory_space<vmem>>, vector<16xf32>,
      %get3A_199 = arith.index_cast %scan3A_189 : i32 to index
      %get3A_200 = arith.constant 16 : index
      %get3A_201 = tpu.vector_load %arg11[%get3A_199, %get3A_200] {strides = array<i32>} : memref<32x128xf32, #tpu.memory_space<vmem>>, vector<16xf32>,
      %get3A_202 = arith.index_cast %scan3A_189 : i32 to index
      %get3A_203 = arith.constant 16 : index
      %get3A_204 = tpu.vector_load %arg12[%get3A_202, %get3A_203] {strides = array<i32>} : memref<32x128xf32, #tpu.memory_space<vmem>>, vector<16xf32>,
      %add3A_205 = arith.addf %get3A_201, %get3A_204 : vector<16xf32>
      %swap3A_206 = arith.index_cast %scan3A_189 : i32 to index
      %swap3A_207 = arith.constant 16 : index
      %swap3A_208 = tpu.vector_load %arg11[%swap3A_206, %swap3A_207] {strides = array<i32>} : memref<32x128xf32, #tpu.memory_space<vmem>>, vector<16xf32>,
      tpu.vector_store %arg11[%swap3A_206, %swap3A_207], %add3A_205 {strides = array<i32>} : memref<32x128xf32, #tpu.memory_space<vmem>>, vector<16xf32>,
      %get3A_209 = arith.index_cast %scan3A_189 : i32 to index
      %get3A_210 = arith.constant 32 : index
      %get3A_211 = tpu.vector_load %arg11[%get3A_209, %get3A_210] {strides = array<i32>} : memref<32x128xf32, #tpu.memory_space<vmem>>, vector<16xf32>,
      %get3A_212 = arith.index_cast %scan3A_189 : i32 to index
      %get3A_213 = arith.constant 32 : index
      %get3A_214 = tpu.vector_load %arg12[%get3A_212, %get3A_213] {strides = array<i32>} : memref<32x128xf32, #tpu.memory_space<vmem>>, vector<16xf32>,
      %add3A_215 = arith.addf %get3A_211, %get3A_214 : vector<16xf32>
      %swap3A_216 = arith.index_cast %scan3A_189 : i32 to index
      %swap3A_217 = arith.constant 32 : index
      %swap3A_218 = tpu.vector_load %arg11[%swap3A_216, %swap3A_217] {strides = array<i32>} : memref<32x128xf32, #tpu.memory_space<vmem>>, vector<16xf32>,
      tpu.vector_store %arg11[%swap3A_216, %swap3A_217], %add3A_215 {strides = array<i32>} : memref<32x128xf32, #tpu.memory_space<vmem>>, vector<16xf32>,
      %get3A_219 = arith.index_cast %scan3A_189 : i32 to index
      %get3A_220 = arith.constant 48 : index
      %get3A_221 = tpu.vector_load %arg11[%get3A_219, %get3A_220] {strides = array<i32>} : memref<32x128xf32, #tpu.memory_space<vmem>>, vector<16xf32>,
      %get3A_222 = arith.index_cast %scan3A_189 : i32 to index
      %get3A_223 = arith.constant 48 : index
      %get3A_224 = tpu.vector_load %arg12[%get3A_222, %get3A_223] {strides = array<i32>} : memref<32x128xf32, #tpu.memory_space<vmem>>, vector<16xf32>,
      %add3A_225 = arith.addf %get3A_221, %get3A_224 : vector<16xf32>
      %swap3A_226 = arith.index_cast %scan3A_189 : i32 to index
      %swap3A_227 = arith.constant 48 : index
      %swap3A_228 = tpu.vector_load %arg11[%swap3A_226, %swap3A_227] {strides = array<i32>} : memref<32x128xf32, #tpu.memory_space<vmem>>, vector<16xf32>,
      tpu.vector_store %arg11[%swap3A_226, %swap3A_227], %add3A_225 {strides = array<i32>} : memref<32x128xf32, #tpu.memory_space<vmem>>, vector<16xf32>,
      %get3A_229 = arith.index_cast %scan3A_189 : i32 to index
      %get3A_230 = arith.constant 64 : index
      %get3A_231 = tpu.vector_load %arg11[%get3A_229, %get3A_230] {strides = array<i32>} : memref<32x128xf32, #tpu.memory_space<vmem>>, vector<16xf32>,
      %get3A_232 = arith.index_cast %scan3A_189 : i32 to index
      %get3A_233 = arith.constant 64 : index
      %get3A_234 = tpu.vector_load %arg12[%get3A_232, %get3A_233] {strides = array<i32>} : memref<32x128xf32, #tpu.memory_space<vmem>>, vector<16xf32>,
      %add3A_235 = arith.addf %get3A_231, %get3A_234 : vector<16xf32>
      %swap3A_236 = arith.index_cast %scan3A_189 : i32 to index
      %swap3A_237 = arith.constant 64 : index
      %swap3A_238 = tpu.vector_load %arg11[%swap3A_236, %swap3A_237] {strides = array<i32>} : memref<32x128xf32, #tpu.memory_space<vmem>>, vector<16xf32>,
      tpu.vector_store %arg11[%swap3A_236, %swap3A_237], %add3A_235 {strides = array<i32>} : memref<32x128xf32, #tpu.memory_space<vmem>>, vector<16xf32>,
      %get3A_239 = arith.index_cast %scan3A_189 : i32 to index
      %get3A_240 = arith.constant 80 : index
      %get3A_241 = tpu.vector_load %arg11[%get3A_239, %get3A_240] {strides = array<i32>} : memref<32x128xf32, #tpu.memory_space<vmem>>, vector<16xf32>,
      %get3A_242 = arith.index_cast %scan3A_189 : i32 to index
      %get3A_243 = arith.constant 80 : index
      %get3A_244 = tpu.vector_load %arg12[%get3A_242, %get3A_243] {strides = array<i32>} : memref<32x128xf32, #tpu.memory_space<vmem>>, vector<16xf32>,
      %add3A_245 = arith.addf %get3A_241, %get3A_244 : vector<16xf32>
      %swap3A_246 = arith.index_cast %scan3A_189 : i32 to index
      %swap3A_247 = arith.constant 80 : index
      %swap3A_248 = tpu.vector_load %arg11[%swap3A_246, %swap3A_247] {strides = array<i32>} : memref<32x128xf32, #tpu.memory_space<vmem>>, vector<16xf32>,
      tpu.vector_store %arg11[%swap3A_246, %swap3A_247], %add3A_245 {strides = array<i32>} : memref<32x128xf32, #tpu.memory_space<vmem>>, vector<16xf32>,
      %get3A_249 = arith.index_cast %scan3A_189 : i32 to index
      %get3A_250 = arith.constant 96 : index
      %get3A_251 = tpu.vector_load %arg11[%get3A_249, %get3A_250] {strides = array<i32>} : memref<32x128xf32, #tpu.memory_space<vmem>>, vector<16xf32>,
      %get3A_252 = arith.index_cast %scan3A_189 : i32 to index
      %get3A_253 = arith.constant 96 : index
      %get3A_254 = tpu.vector_load %arg12[%get3A_252, %get3A_253] {strides = array<i32>} : memref<32x128xf32, #tpu.memory_space<vmem>>, vector<16xf32>,
      %add3A_255 = arith.addf %get3A_251, %get3A_254 : vector<16xf32>
      %swap3A_256 = arith.index_cast %scan3A_189 : i32 to index
      %swap3A_257 = arith.constant 96 : index
      %swap3A_258 = tpu.vector_load %arg11[%swap3A_256, %swap3A_257] {strides = array<i32>} : memref<32x128xf32, #tpu.memory_space<vmem>>, vector<16xf32>,
      tpu.vector_store %arg11[%swap3A_256, %swap3A_257], %add3A_255 {strides = array<i32>} : memref<32x128xf32, #tpu.memory_space<vmem>>, vector<16xf32>,
      %get3A_259 = arith.index_cast %scan3A_189 : i32 to index
      %get3A_260 = arith.constant 112 : index
      %get3A_261 = tpu.vector_load %arg11[%get3A_259, %get3A_260] {strides = array<i32>} : memref<32x128xf32, #tpu.memory_space<vmem>>, vector<16xf32>,
      %get3A_262 = arith.index_cast %scan3A_189 : i32 to index
      %get3A_263 = arith.constant 112 : index
      %get3A_264 = tpu.vector_load %arg12[%get3A_262, %get3A_263] {strides = array<i32>} : memref<32x128xf32, #tpu.memory_space<vmem>>, vector<16xf32>,
      %add3A_265 = arith.addf %get3A_261, %get3A_264 : vector<16xf32>
      %swap3A_266 = arith.index_cast %scan3A_189 : i32 to index
      %swap3A_267 = arith.constant 112 : index
      %swap3A_268 = tpu.vector_load %arg11[%swap3A_266, %swap3A_267] {strides = array<i32>} : memref<32x128xf32, #tpu.memory_space<vmem>>, vector<16xf32>,
      tpu.vector_store %arg11[%swap3A_266, %swap3A_267], %add3A_265 {strides = array<i32>} : memref<32x128xf32, #tpu.memory_space<vmem>>, vector<16xf32>,
      %scan3A_269 = arith.constant 0 : i32
      scf.yield %scan3A_269 : i32
    }
    %scan3A_70 = arith.constant 32 : i32
    %iota3A = tpu.iota {dimensions = array<i32: 0>} : vector<16xi32>
    %mul3A_71 = arith.constant 16 : i32
    %mul3A_72 = vector.broadcast %mul3A_71 : i32 to vector<16xi32>
    %mul3A_73 = arith.muli %iota3A, %mul3A_72 : vector<16xi32>
    %add3A_74 = arith.constant 0 : i32
    %add3A_75 = vector.broadcast %add3A_74 : i32 to vector<16xi32>
    %add3A_76 = arith.addi %mul3A_73, %add3A_75 : vector<16xi32>
    %iota3A_77 = tpu.iota {dimensions = array<i32: 0>} : vector<16xi32>
    %mul3A_78 = arith.constant 16 : i32
    %mul3A_79 = vector.broadcast %mul3A_78 : i32 to vector<16xi32>
    %mul3A_80 = arith.muli %iota3A_77, %mul3A_79 : vector<16xi32>
    %add3A_81 = arith.constant 1 : i32
    %add3A_82 = vector.broadcast %add3A_81 : i32 to vector<16xi32>
    %add3A_83 = arith.addi %mul3A_80, %add3A_82 : vector<16xi32>
    %iota3A_84 = tpu.iota {dimensions = array<i32: 0>} : vector<16xi32>
    %mul3A_85 = arith.constant 16 : i32
    %mul3A_86 = vector.broadcast %mul3A_85 : i32 to vector<16xi32>
    %mul3A_87 = arith.muli %iota3A_84, %mul3A_86 : vector<16xi32>
    %add3A_88 = arith.constant 2 : i32
    %add3A_89 = vector.broadcast %add3A_88 : i32 to vector<16xi32>
    %add3A_90 = arith.addi %mul3A_87, %add3A_89 : vector<16xi32>
    %iota3A_91 = tpu.iota {dimensions = array<i32: 0>} : vector<16xi32>
    %mul3A_92 = arith.constant 16 : i32
    %mul3A_93 = vector.broadcast %mul3A_92 : i32 to vector<16xi32>
    %mul3A_94 = arith.muli %iota3A_91, %mul3A_93 : vector<16xi32>
    %add3A_95 = arith.constant 3 : i32
    %add3A_96 = vector.broadcast %add3A_95 : i32 to vector<16xi32>
    %add3A_97 = arith.addi %mul3A_94, %add3A_96 : vector<16xi32>
    %iota3A_98 = tpu.iota {dimensions = array<i32: 0>} : vector<16xi32>
    %mul3A_99 = arith.constant 16 : i32
    %mul3A_100 = vector.broadcast %mul3A_99 : i32 to vector<16xi32>
    %mul3A_101 = arith.muli %iota3A_98, %mul3A_100 : vector<16xi32>
    %add3A_102 = arith.constant 4 : i32
    %add3A_103 = vector.broadcast %add3A_102 : i32 to vector<16xi32>
    %add3A_104 = arith.addi %mul3A_101, %add3A_103 : vector<16xi32>
    %iota3A_105 = tpu.iota {dimensions = array<i32: 0>} : vector<16xi32>
    %mul3A_106 = arith.constant 16 : i32
    %mul3A_107 = vector.broadcast %mul3A_106 : i32 to vector<16xi32>
    %mul3A_108 = arith.muli %iota3A_105, %mul3A_107 : vector<16xi32>
    %add3A_109 = arith.constant 5 : i32
    %add3A_110 = vector.broadcast %add3A_109 : i32 to vector<16xi32>
    %add3A_111 = arith.addi %mul3A_108, %add3A_110 : vector<16xi32>
    %iota3A_112 = tpu.iota {dimensions = array<i32: 0>} : vector<16xi32>
    %mul3A_113 = arith.constant 16 : i32
    %mul3A_114 = vector.broadcast %mul3A_113 : i32 to vector<16xi32>
    %mul3A_115 = arith.muli %iota3A_112, %mul3A_114 : vector<16xi32>
    %add3A_116 = arith.constant 6 : i32
    %add3A_117 = vector.broadcast %add3A_116 : i32 to vector<16xi32>
    %add3A_118 = arith.addi %mul3A_115, %add3A_117 : vector<16xi32>
    %iota3A_119 = tpu.iota {dimensions = array<i32: 0>} : vector<16xi32>
    %mul3A_120 = arith.constant 16 : i32
    %mul3A_121 = vector.broadcast %mul3A_120 : i32 to vector<16xi32>
    %mul3A_122 = arith.muli %iota3A_119, %mul3A_121 : vector<16xi32>
    %add3A_123 = arith.constant 7 : i32
    %add3A_124 = vector.broadcast %add3A_123 : i32 to vector<16xi32>
    %add3A_125 = arith.addi %mul3A_122, %add3A_124 : vector<16xi32>
    %iota3A_126 = tpu.iota {dimensions = array<i32: 0>} : vector<16xi32>
    %mul3A_127 = arith.constant 16 : i32
    %mul3A_128 = vector.broadcast %mul3A_127 : i32 to vector<16xi32>
    %mul3A_129 = arith.muli %iota3A_126, %mul3A_128 : vector<16xi32>
    %add3A_130 = arith.constant 8 : i32
    %add3A_131 = vector.broadcast %add3A_130 : i32 to vector<16xi32>
    %add3A_132 = arith.addi %mul3A_129, %add3A_131 : vector<16xi32>
    %iota3A_133 = tpu.iota {dimensions = array<i32: 0>} : vector<16xi32>
    %mul3A_134 = arith.constant 16 : i32
    %mul3A_135 = vector.broadcast %mul3A_134 : i32 to vector<16xi32>
    %mul3A_136 = arith.muli %iota3A_133, %mul3A_135 : vector<16xi32>
    %add3A_137 = arith.constant 9 : i32
    %add3A_138 = vector.broadcast %add3A_137 : i32 to vector<16xi32>
    %add3A_139 = arith.addi %mul3A_136, %add3A_138 : vector<16xi32>
    %iota3A_140 = tpu.iota {dimensions = array<i32: 0>} : vector<16xi32>
    %mul3A_141 = arith.constant 16 : i32
    %mul3A_142 = vector.broadcast %mul3A_141 : i32 to vector<16xi32>
    %mul3A_143 = arith.muli %iota3A_140, %mul3A_142 : vector<16xi32>
    %add3A_144 = arith.constant 10 : i32
    %add3A_145 = vector.broadcast %add3A_144 : i32 to vector<16xi32>
    %add3A_146 = arith.addi %mul3A_143, %add3A_145 : vector<16xi32>
    %iota3A_147 = tpu.iota {dimensions = array<i32: 0>} : vector<16xi32>
    %mul3A_148 = arith.constant 16 : i32
    %mul3A_149 = vector.broadcast %mul3A_148 : i32 to vector<16xi32>
    %mul3A_150 = arith.muli %iota3A_147, %mul3A_149 : vector<16xi32>
    %add3A_151 = arith.constant 11 : i32
    %add3A_152 = vector.broadcast %add3A_151 : i32 to vector<16xi32>
    %add3A_153 = arith.addi %mul3A_150, %add3A_152 : vector<16xi32>
    %iota3A_154 = tpu.iota {dimensions = array<i32: 0>} : vector<16xi32>
    %mul3A_155 = arith.constant 16 : i32
    %mul3A_156 = vector.broadcast %mul3A_155 : i32 to vector<16xi32>
    %mul3A_157 = arith.muli %iota3A_154, %mul3A_156 : vector<16xi32>
    %add3A_158 = arith.constant 12 : i32
    %add3A_159 = vector.broadcast %add3A_158 : i32 to vector<16xi32>
    %add3A_160 = arith.addi %mul3A_157, %add3A_159 : vector<16xi32>
    %iota3A_161 = tpu.iota {dimensions = array<i32: 0>} : vector<16xi32>
    %mul3A_162 = arith.constant 16 : i32
    %mul3A_163 = vector.broadcast %mul3A_162 : i32 to vector<16xi32>
    %mul3A_164 = arith.muli %iota3A_161, %mul3A_163 : vector<16xi32>
    %add3A_165 = arith.constant 13 : i32
    %add3A_166 = vector.broadcast %add3A_165 : i32 to vector<16xi32>
    %add3A_167 = arith.addi %mul3A_164, %add3A_166 : vector<16xi32>
    %iota3A_168 = tpu.iota {dimensions = array<i32: 0>} : vector<16xi32>
    %mul3A_169 = arith.constant 16 : i32
    %mul3A_170 = vector.broadcast %mul3A_169 : i32 to vector<16xi32>
    %mul3A_171 = arith.muli %iota3A_168, %mul3A_170 : vector<16xi32>
    %add3A_172 = arith.constant 14 : i32
    %add3A_173 = vector.broadcast %add3A_172 : i32 to vector<16xi32>
    %add3A_174 = arith.addi %mul3A_171, %add3A_173 : vector<16xi32>
    %iota3A_175 = tpu.iota {dimensions = array<i32: 0>} : vector<16xi32>
    %mul3A_176 = arith.constant 16 : i32
    %mul3A_177 = vector.broadcast %mul3A_176 : i32 to vector<16xi32>
    %mul3A_178 = arith.muli %iota3A_175, %mul3A_177 : vector<16xi32>
    %add3A_179 = arith.constant 15 : i32
    %add3A_180 = vector.broadcast %add3A_179 : i32 to vector<16xi32>
    %add3A_181 = arith.addi %mul3A_178, %add3A_180 : vector<16xi32>
    %scan3A_182 = arith.constant 0 : i32
    %scan3A_183 = arith.constant 0 : i32
    %scan3A_184 = arith.constant 32 : i32
    %scan3A_185 = arith.addi %scan3A_183, %scan3A_184 : i32
    %scan3A_186 = arith.constant 1 : i32
    %scan3A_187 = scf.for %scan3A_189 = %scan3A_183 to %scan3A_185 step %scan3A_186 iter_args(%scan3A_190 = %scan3A_182) -> (i32)  : i32 {
      %rem3A = arith.constant 3 : i32
      %rem3A_191 = arith.remsi %scan3A_189, %rem3A : i32
      %clamp3A = arith.constant 0 : i32
      %clamp3A_192 = arith.constant 2 : i32
      %clamp3A_193 = arith.maxsi %rem3A_191, %clamp3A : i32
      %clamp3A_194 = arith.minsi %clamp3A_193, %clamp3A_192 : i32
      %cond3A = arith.constant 0 : i32
      %cond3A_195 = arith.cmpi ne, %clamp3A_194, %cond3A : i32
      scf.if %cond3A_195 {
        %cond3A_227 = arith.constant 1 : i32
        %cond3A_228 = arith.subi %clamp3A_194, %cond3A_227 : i32
        %cond3A_229 = arith.constant 0 : i32
        %cond3A_230 = arith.cmpi ne, %cond3A_228, %cond3A_229 : i32
        scf.if %cond3A_230 {
          %mul3A_231 = arith.constant 2 : i32
          %mul3A_232 = arith.muli %mul3A_231, %scan3A_189 : i32
          %dma_wait3A_233 = arith.constant 2 : i32
          %dma_wait3A_234 = arith.constant 0 : i32
          %dma_wait3A_235 = arith.constant 0 : i32
          %dma_wait3A_236 = tpu.memref_slice %arg13[%dma_wait3A_233, %dma_wait3A_234, %dma_wait3A_235] : memref<3x200x128xf32, #tpu.memory_space<vmem>> -> memref<1x100x128xf32, #tpu.memory_space<vmem>>
          %dma_wait3A_237 = tpu.memref_squeeze %dma_wait3A_236 : memref<1x100x128xf32, #tpu.memory_space<vmem>> -> memref<100x128xf32, #tpu.memory_space<vmem>>
          %dma_wait3A_238 = arith.constant 0 : i32
          %dma_wait3A_239 = tpu.memref_slice %arg10[%mul3A_232, %dma_wait3A_238] : memref<64x100xi32, #tpu.memory_space<vmem>> -> memref<1x100xi32, #tpu.memory_space<vmem>>
          %dma_wait3A_240 = tpu.memref_squeeze %dma_wait3A_239 : memref<1x100xi32, #tpu.memory_space<vmem>> -> memref<100xi32, #tpu.memory_space<vmem>>
          %dma_wait3A_241 = arith.constant 0 : i32
          %dma_wait3A_242 = arith.constant 0 : i32
          %dma_wait3A_243 = tpu.memref_slice %arg2[%dma_wait3A_241, %dma_wait3A_242] : memref<1000000x128xf32, #tpu.memory_space<hbm>> -> memref<1000000x128xf32, #tpu.memory_space<hbm>>
          tpu.wait_indirect_dma semaphore(%arg19 : memref<!tpu.dma_semaphore, #tpu.memory_space<semaphore_mem>>) src(%dma_wait3A_243 : memref<1000000x128xf32, #tpu.memory_space<hbm>>) dst(%dma_wait3A_237 : memref<100x128xf32, #tpu.memory_space<vmem>>)
          %mul3A_244 = arith.constant 2 : i32
          %mul3A_245 = arith.muli %mul3A_244, %scan3A_189 : i32
          %add3A_246 = arith.constant 1 : i32
          %add3A_247 = arith.addi %mul3A_245, %add3A_246 : i32
          %dma_wait3A_248 = arith.constant 2 : i32
          %dma_wait3A_249 = arith.constant 100 : i32
          %dma_wait3A_250 = arith.constant 0 : i32
          %dma_wait3A_251 = tpu.memref_slice %arg13[%dma_wait3A_248, %dma_wait3A_249, %dma_wait3A_250] : memref<3x200x128xf32, #tpu.memory_space<vmem>> -> memref<1x100x128xf32, #tpu.memory_space<vmem>>
          %dma_wait3A_252 = tpu.memref_squeeze %dma_wait3A_251 : memref<1x100x128xf32, #tpu.memory_space<vmem>> -> memref<100x128xf32, #tpu.memory_space<vmem>>
          %dma_wait3A_253 = arith.constant 0 : i32
          %dma_wait3A_254 = tpu.memref_slice %arg10[%add3A_247, %dma_wait3A_253] : memref<64x100xi32, #tpu.memory_space<vmem>> -> memref<1x100xi32, #tpu.memory_space<vmem>>
          %dma_wait3A_255 = tpu.memref_squeeze %dma_wait3A_254 : memref<1x100xi32, #tpu.memory_space<vmem>> -> memref<100xi32, #tpu.memory_space<vmem>>
          %dma_wait3A_256 = arith.constant 0 : i32
          %dma_wait3A_257 = arith.constant 0 : i32
          %dma_wait3A_258 = tpu.memref_slice %arg2[%dma_wait3A_256, %dma_wait3A_257] : memref<1000000x128xf32, #tpu.memory_space<hbm>> -> memref<1000000x128xf32, #tpu.memory_space<hbm>>
          tpu.wait_indirect_dma semaphore(%arg19 : memref<!tpu.dma_semaphore, #tpu.memory_space<semaphore_mem>>) src(%dma_wait3A_258 : memref<1000000x128xf32, #tpu.memory_space<hbm>>) dst(%dma_wait3A_252 : memref<100x128xf32, #tpu.memory_space<vmem>>)
        } else {
          %mul3A_231 = arith.constant 2 : i32
          %mul3A_232 = arith.muli %mul3A_231, %scan3A_189 : i32
          %dma_wait3A_233 = arith.constant 1 : i32
          %dma_wait3A_234 = arith.constant 0 : i32
          %dma_wait3A_235 = arith.constant 0 : i32
          %dma_wait3A_236 = tpu.memref_slice %arg13[%dma_wait3A_233, %dma_wait3A_234, %dma_wait3A_235] : memref<3x200x128xf32, #tpu.memory_space<vmem>> -> memref<1x100x128xf32, #tpu.memory_space<vmem>>
          %dma_wait3A_237 = tpu.memref_squeeze %dma_wait3A_236 : memref<1x100x128xf32, #tpu.memory_space<vmem>> -> memref<100x128xf32, #tpu.memory_space<vmem>>
          %dma_wait3A_238 = arith.constant 0 : i32
          %dma_wait3A_239 = tpu.memref_slice %arg10[%mul3A_232, %dma_wait3A_238] : memref<64x100xi32, #tpu.memory_space<vmem>> -> memref<1x100xi32, #tpu.memory_space<vmem>>
          %dma_wait3A_240 = tpu.memref_squeeze %dma_wait3A_239 : memref<1x100xi32, #tpu.memory_space<vmem>> -> memref<100xi32, #tpu.memory_space<vmem>>
          %dma_wait3A_241 = arith.constant 0 : i32
          %dma_wait3A_242 = arith.constant 0 : i32
          %dma_wait3A_243 = tpu.memref_slice %arg2[%dma_wait3A_241, %dma_wait3A_242] : memref<1000000x128xf32, #tpu.memory_space<hbm>> -> memref<1000000x128xf32, #tpu.memory_space<hbm>>
          tpu.wait_indirect_dma semaphore(%arg18 : memref<!tpu.dma_semaphore, #tpu.memory_space<semaphore_mem>>) src(%dma_wait3A_243 : memref<1000000x128xf32, #tpu.memory_space<hbm>>) dst(%dma_wait3A_237 : memref<100x128xf32, #tpu.memory_space<vmem>>)
          %mul3A_244 = arith.constant 2 : i32
          %mul3A_245 = arith.muli %mul3A_244, %scan3A_189 : i32
          %add3A_246 = arith.constant 1 : i32
          %add3A_247 = arith.addi %mul3A_245, %add3A_246 : i32
          %dma_wait3A_248 = arith.constant 1 : i32
          %dma_wait3A_249 = arith.constant 100 : i32
          %dma_wait3A_250 = arith.constant 0 : i32
          %dma_wait3A_251 = tpu.memref_slice %arg13[%dma_wait3A_248, %dma_wait3A_249, %dma_wait3A_250] : memref<3x200x128xf32, #tpu.memory_space<vmem>> -> memref<1x100x128xf32, #tpu.memory_space<vmem>>
          %dma_wait3A_252 = tpu.memref_squeeze %dma_wait3A_251 : memref<1x100x128xf32, #tpu.memory_space<vmem>> -> memref<100x128xf32, #tpu.memory_space<vmem>>
          %dma_wait3A_253 = arith.constant 0 : i32
          %dma_wait3A_254 = tpu.memref_slice %arg10[%add3A_247, %dma_wait3A_253] : memref<64x100xi32, #tpu.memory_space<vmem>> -> memref<1x100xi32, #tpu.memory_space<vmem>>
          %dma_wait3A_255 = tpu.memref_squeeze %dma_wait3A_254 : memref<1x100xi32, #tpu.memory_space<vmem>> -> memref<100xi32, #tpu.memory_space<vmem>>
          %dma_wait3A_256 = arith.constant 0 : i32
          %dma_wait3A_257 = arith.constant 0 : i32
          %dma_wait3A_258 = tpu.memref_slice %arg2[%dma_wait3A_256, %dma_wait3A_257] : memref<1000000x128xf32, #tpu.memory_space<hbm>> -> memref<1000000x128xf32, #tpu.memory_space<hbm>>
          tpu.wait_indirect_dma semaphore(%arg18 : memref<!tpu.dma_semaphore, #tpu.memory_space<semaphore_mem>>) src(%dma_wait3A_258 : memref<1000000x128xf32, #tpu.memory_space<hbm>>) dst(%dma_wait3A_252 : memref<100x128xf32, #tpu.memory_space<vmem>>)
        }
      } else {
        %mul3A_227 = arith.constant 2 : i32
        %mul3A_228 = arith.muli %mul3A_227, %scan3A_189 : i32
        %dma_wait3A_229 = arith.constant 0 : i32
        %dma_wait3A_230 = arith.constant 0 : i32
        %dma_wait3A_231 = arith.constant 0 : i32
        %dma_wait3A_232 = tpu.memref_slice %arg13[%dma_wait3A_229, %dma_wait3A_230, %dma_wait3A_231] : memref<3x200x128xf32, #tpu.memory_space<vmem>> -> memref<1x100x128xf32, #tpu.memory_space<vmem>>
        %dma_wait3A_233 = tpu.memref_squeeze %dma_wait3A_232 : memref<1x100x128xf32, #tpu.memory_space<vmem>> -> memref<100x128xf32, #tpu.memory_space<vmem>>
        %dma_wait3A_234 = arith.constant 0 : i32
        %dma_wait3A_235 = tpu.memref_slice %arg10[%mul3A_228, %dma_wait3A_234] : memref<64x100xi32, #tpu.memory_space<vmem>> -> memref<1x100xi32, #tpu.memory_space<vmem>>
        %dma_wait3A_236 = tpu.memref_squeeze %dma_wait3A_235 : memref<1x100xi32, #tpu.memory_space<vmem>> -> memref<100xi32, #tpu.memory_space<vmem>>
        %dma_wait3A_237 = arith.constant 0 : i32
        %dma_wait3A_238 = arith.constant 0 : i32
        %dma_wait3A_239 = tpu.memref_slice %arg2[%dma_wait3A_237, %dma_wait3A_238] : memref<1000000x128xf32, #tpu.memory_space<hbm>> -> memref<1000000x128xf32, #tpu.memory_space<hbm>>
        tpu.wait_indirect_dma semaphore(%arg17 : memref<!tpu.dma_semaphore, #tpu.memory_space<semaphore_mem>>) src(%dma_wait3A_239 : memref<1000000x128xf32, #tpu.memory_space<hbm>>) dst(%dma_wait3A_233 : memref<100x128xf32, #tpu.memory_space<vmem>>)
        %mul3A_240 = arith.constant 2 : i32
        %mul3A_241 = arith.muli %mul3A_240, %scan3A_189 : i32
        %add3A_242 = arith.constant 1 : i32
        %add3A_243 = arith.addi %mul3A_241, %add3A_242 : i32
        %dma_wait3A_244 = arith.constant 0 : i32
        %dma_wait3A_245 = arith.constant 100 : i32
        %dma_wait3A_246 = arith.constant 0 : i32
        %dma_wait3A_247 = tpu.memref_slice %arg13[%dma_wait3A_244, %dma_wait3A_245, %dma_wait3A_246] : memref<3x200x128xf32, #tpu.memory_space<vmem>> -> memref<1x100x128xf32, #tpu.memory_space<vmem>>
        %dma_wait3A_248 = tpu.memref_squeeze %dma_wait3A_247 : memref<1x100x128xf32, #tpu.memory_space<vmem>> -> memref<100x128xf32, #tpu.memory_space<vmem>>
        %dma_wait3A_249 = arith.constant 0 : i32
        %dma_wait3A_250 = tpu.memref_slice %arg10[%add3A_243, %dma_wait3A_249] : memref<64x100xi32, #tpu.memory_space<vmem>> -> memref<1x100xi32, #tpu.memory_space<vmem>>
        %dma_wait3A_251 = tpu.memref_squeeze %dma_wait3A_250 : memref<1x100xi32, #tpu.memory_space<vmem>> -> memref<100xi32, #tpu.memory_space<vmem>>
        %dma_wait3A_252 = arith.constant 0 : i32
        %dma_wait3A_253 = arith.constant 0 : i32
        %dma_wait3A_254 = tpu.memref_slice %arg2[%dma_wait3A_252, %dma_wait3A_253] : memref<1000000x128xf32, #tpu.memory_space<hbm>> -> memref<1000000x128xf32, #tpu.memory_space<hbm>>
        tpu.wait_indirect_dma semaphore(%arg17 : memref<!tpu.dma_semaphore, #tpu.memory_space<semaphore_mem>>) src(%dma_wait3A_254 : memref<1000000x128xf32, #tpu.memory_space<hbm>>) dst(%dma_wait3A_248 : memref<100x128xf32, #tpu.memory_space<vmem>>)
      }
      %add3A_196 = arith.constant 2 : i32
      %add3A_197 = arith.addi %scan3A_189, %add3A_196 : i32
      %lt3A = arith.constant 32 : i32
      %lt3A_198 = arith.cmpi slt, %add3A_197, %lt3A : i32
      %convert_element_type3A = arith.extui %lt3A_198 : i1 to i32
      %cond3A_199 = arith.constant 0 : i32
      %cond3A_200 = arith.cmpi ne, %convert_element_type3A, %cond3A_199 : i32
      scf.if %cond3A_200 {
        %add3A_227 = arith.constant 2 : i32
        %add3A_228 = arith.addi %scan3A_189, %add3A_227 : i32
        %rem3A_229 = arith.constant 3 : i32
        %rem3A_230 = arith.remsi %add3A_228, %rem3A_229 : i32
        %clamp3A_231 = arith.constant 0 : i32
        %clamp3A_232 = arith.constant 2 : i32
        %clamp3A_233 = arith.maxsi %rem3A_230, %clamp3A_231 : i32
        %clamp3A_234 = arith.minsi %clamp3A_233, %clamp3A_232 : i32
        %cond3A_235 = arith.constant 0 : i32
        %cond3A_236 = arith.cmpi ne, %clamp3A_234, %cond3A_235 : i32
        scf.if %cond3A_236 {
          %cond3A_237 = arith.constant 1 : i32
          %cond3A_238 = arith.subi %clamp3A_234, %cond3A_237 : i32
          %cond3A_239 = arith.constant 0 : i32
          %cond3A_240 = arith.cmpi ne, %cond3A_238, %cond3A_239 : i32
          scf.if %cond3A_240 {
            %mul3A_241 = arith.constant 2 : i32
            %mul3A_242 = arith.muli %mul3A_241, %add3A_228 : i32
            %dma_start3A_243 = arith.constant 2 : i32
            %dma_start3A_244 = arith.constant 0 : i32
            %dma_start3A_245 = arith.constant 0 : i32
            %dma_start3A_246 = tpu.memref_slice %arg13[%dma_start3A_243, %dma_start3A_244, %dma_start3A_245] : memref<3x200x128xf32, #tpu.memory_space<vmem>> -> memref<1x100x128xf32, #tpu.memory_space<vmem>>
            %dma_start3A_247 = tpu.memref_squeeze %dma_start3A_246 : memref<1x100x128xf32, #tpu.memory_space<vmem>> -> memref<100x128xf32, #tpu.memory_space<vmem>>
            %dma_start3A_248 = arith.constant 0 : i32
            %dma_start3A_249 = tpu.memref_slice %arg10[%mul3A_242, %dma_start3A_248] : memref<64x100xi32, #tpu.memory_space<vmem>> -> memref<1x100xi32, #tpu.memory_space<vmem>>
            %dma_start3A_250 = tpu.memref_squeeze %dma_start3A_249 : memref<1x100xi32, #tpu.memory_space<vmem>> -> memref<100xi32, #tpu.memory_space<vmem>>
            %dma_start3A_251 = arith.constant 0 : i32
            %dma_start3A_252 = arith.constant 0 : i32
            %dma_start3A_253 = tpu.memref_slice %arg2[%dma_start3A_251, %dma_start3A_252] : memref<1000000x128xf32, #tpu.memory_space<hbm>> -> memref<1000000x128xf32, #tpu.memory_space<hbm>>
            tpu.enqueue_indirect_dma source(%dma_start3A_253 : memref<1000000x128xf32, #tpu.memory_space<hbm>>) target(%dma_start3A_247 : memref<100x128xf32, #tpu.memory_space<vmem>>) offsets(%dma_start3A_250 : memref<100xi32, #tpu.memory_space<vmem>>) semaphore(%arg19 : memref<!tpu.dma_semaphore, #tpu.memory_space<semaphore_mem>>)
            %mul3A_254 = arith.constant 2 : i32
            %mul3A_255 = arith.muli %mul3A_254, %add3A_228 : i32
            %add3A_256 = arith.constant 1 : i32
            %add3A_257 = arith.addi %mul3A_255, %add3A_256 : i32
            %dma_start3A_258 = arith.constant 2 : i32
            %dma_start3A_259 = arith.constant 100 : i32
            %dma_start3A_260 = arith.constant 0 : i32
            %dma_start3A_261 = tpu.memref_slice %arg13[%dma_start3A_258, %dma_start3A_259, %dma_start3A_260] : memref<3x200x128xf32, #tpu.memory_space<vmem>> -> memref<1x100x128xf32, #tpu.memory_space<vmem>>
            %dma_start3A_262 = tpu.memref_squeeze %dma_start3A_261 : memref<1x100x128xf32, #tpu.memory_space<vmem>> -> memref<100x128xf32, #tpu.memory_space<vmem>>
            %dma_start3A_263 = arith.constant 0 : i32
            %dma_start3A_264 = tpu.memref_slice %arg10[%add3A_257, %dma_start3A_263] : memref<64x100xi32, #tpu.memory_space<vmem>> -> memref<1x100xi32, #tpu.memory_space<vmem>>
            %dma_start3A_265 = tpu.memref_squeeze %dma_start3A_264 : memref<1x100xi32, #tpu.memory_space<vmem>> -> memref<100xi32, #tpu.memory_space<vmem>>
            %dma_start3A_266 = arith.constant 0 : i32
            %dma_start3A_267 = arith.constant 0 : i32
            %dma_start3A_268 = tpu.memref_slice %arg2[%dma_start3A_266, %dma_start3A_267] : memref<1000000x128xf32, #tpu.memory_space<hbm>> -> memref<1000000x128xf32, #tpu.memory_space<hbm>>
            tpu.enqueue_indirect_dma source(%dma_start3A_268 : memref<1000000x128xf32, #tpu.memory_space<hbm>>) target(%dma_start3A_262 : memref<100x128xf32, #tpu.memory_space<vmem>>) offsets(%dma_start3A_265 : memref<100xi32, #tpu.memory_space<vmem>>) semaphore(%arg19 : memref<!tpu.dma_semaphore, #tpu.memory_space<semaphore_mem>>)
          } else {
            %mul3A_241 = arith.constant 2 : i32
            %mul3A_242 = arith.muli %mul3A_241, %add3A_228 : i32
            %dma_start3A_243 = arith.constant 1 : i32
            %dma_start3A_244 = arith.constant 0 : i32
            %dma_start3A_245 = arith.constant 0 : i32
            %dma_start3A_246 = tpu.memref_slice %arg13[%dma_start3A_243, %dma_start3A_244, %dma_start3A_245] : memref<3x200x128xf32, #tpu.memory_space<vmem>> -> memref<1x100x128xf32, #tpu.memory_space<vmem>>
            %dma_start3A_247 = tpu.memref_squeeze %dma_start3A_246 : memref<1x100x128xf32, #tpu.memory_space<vmem>> -> memref<100x128xf32, #tpu.memory_space<vmem>>
            %dma_start3A_248 = arith.constant 0 : i32
            %dma_start3A_249 = tpu.memref_slice %arg10[%mul3A_242, %dma_start3A_248] : memref<64x100xi32, #tpu.memory_space<vmem>> -> memref<1x100xi32, #tpu.memory_space<vmem>>
            %dma_start3A_250 = tpu.memref_squeeze %dma_start3A_249 : memref<1x100xi32, #tpu.memory_space<vmem>> -> memref<100xi32, #tpu.memory_space<vmem>>
            %dma_start3A_251 = arith.constant 0 : i32
            %dma_start3A_252 = arith.constant 0 : i32
            %dma_start3A_253 = tpu.memref_slice %arg2[%dma_start3A_251, %dma_start3A_252] : memref<1000000x128xf32, #tpu.memory_space<hbm>> -> memref<1000000x128xf32, #tpu.memory_space<hbm>>
            tpu.enqueue_indirect_dma source(%dma_start3A_253 : memref<1000000x128xf32, #tpu.memory_space<hbm>>) target(%dma_start3A_247 : memref<100x128xf32, #tpu.memory_space<vmem>>) offsets(%dma_start3A_250 : memref<100xi32, #tpu.memory_space<vmem>>) semaphore(%arg18 : memref<!tpu.dma_semaphore, #tpu.memory_space<semaphore_mem>>)
            %mul3A_254 = arith.constant 2 : i32
            %mul3A_255 = arith.muli %mul3A_254, %add3A_228 : i32
            %add3A_256 = arith.constant 1 : i32
            %add3A_257 = arith.addi %mul3A_255, %add3A_256 : i32
            %dma_start3A_258 = arith.constant 1 : i32
            %dma_start3A_259 = arith.constant 100 : i32
            %dma_start3A_260 = arith.constant 0 : i32
            %dma_start3A_261 = tpu.memref_slice %arg13[%dma_start3A_258, %dma_start3A_259, %dma_start3A_260] : memref<3x200x128xf32, #tpu.memory_space<vmem>> -> memref<1x100x128xf32, #tpu.memory_space<vmem>>
            %dma_start3A_262 = tpu.memref_squeeze %dma_start3A_261 : memref<1x100x128xf32, #tpu.memory_space<vmem>> -> memref<100x128xf32, #tpu.memory_space<vmem>>
            %dma_start3A_263 = arith.constant 0 : i32
            %dma_start3A_264 = tpu.memref_slice %arg10[%add3A_257, %dma_start3A_263] : memref<64x100xi32, #tpu.memory_space<vmem>> -> memref<1x100xi32, #tpu.memory_space<vmem>>
            %dma_start3A_265 = tpu.memref_squeeze %dma_start3A_264 : memref<1x100xi32, #tpu.memory_space<vmem>> -> memref<100xi32, #tpu.memory_space<vmem>>
            %dma_start3A_266 = arith.constant 0 : i32
            %dma_start3A_267 = arith.constant 0 : i32
            %dma_start3A_268 = tpu.memref_slice %arg2[%dma_start3A_266, %dma_start3A_267] : memref<1000000x128xf32, #tpu.memory_space<hbm>> -> memref<1000000x128xf32, #tpu.memory_space<hbm>>
            tpu.enqueue_indirect_dma source(%dma_start3A_268 : memref<1000000x128xf32, #tpu.memory_space<hbm>>) target(%dma_start3A_262 : memref<100x128xf32, #tpu.memory_space<vmem>>) offsets(%dma_start3A_265 : memref<100xi32, #tpu.memory_space<vmem>>) semaphore(%arg18 : memref<!tpu.dma_semaphore, #tpu.memory_space<semaphore_mem>>)
          }
        } else {
          %mul3A_237 = arith.constant 2 : i32
          %mul3A_238 = arith.muli %mul3A_237, %add3A_228 : i32
          %dma_start3A_239 = arith.constant 0 : i32
          %dma_start3A_240 = arith.constant 0 : i32
          %dma_start3A_241 = arith.constant 0 : i32
          %dma_start3A_242 = tpu.memref_slice %arg13[%dma_start3A_239, %dma_start3A_240, %dma_start3A_241] : memref<3x200x128xf32, #tpu.memory_space<vmem>> -> memref<1x100x128xf32, #tpu.memory_space<vmem>>
          %dma_start3A_243 = tpu.memref_squeeze %dma_start3A_242 : memref<1x100x128xf32, #tpu.memory_space<vmem>> -> memref<100x128xf32, #tpu.memory_space<vmem>>
          %dma_start3A_244 = arith.constant 0 : i32
          %dma_start3A_245 = tpu.memref_slice %arg10[%mul3A_238, %dma_start3A_244] : memref<64x100xi32, #tpu.memory_space<vmem>> -> memref<1x100xi32, #tpu.memory_space<vmem>>
          %dma_start3A_246 = tpu.memref_squeeze %dma_start3A_245 : memref<1x100xi32, #tpu.memory_space<vmem>> -> memref<100xi32, #tpu.memory_space<vmem>>
          %dma_start3A_247 = arith.constant 0 : i32
          %dma_start3A_248 = arith.constant 0 : i32
          %dma_start3A_249 = tpu.memref_slice %arg2[%dma_start3A_247, %dma_start3A_248] : memref<1000000x128xf32, #tpu.memory_space<hbm>> -> memref<1000000x128xf32, #tpu.memory_space<hbm>>
          tpu.enqueue_indirect_dma source(%dma_start3A_249 : memref<1000000x128xf32, #tpu.memory_space<hbm>>) target(%dma_start3A_243 : memref<100x128xf32, #tpu.memory_space<vmem>>) offsets(%dma_start3A_246 : memref<100xi32, #tpu.memory_space<vmem>>) semaphore(%arg17 : memref<!tpu.dma_semaphore, #tpu.memory_space<semaphore_mem>>)
          %mul3A_250 = arith.constant 2 : i32
          %mul3A_251 = arith.muli %mul3A_250, %add3A_228 : i32
          %add3A_252 = arith.constant 1 : i32
          %add3A_253 = arith.addi %mul3A_251, %add3A_252 : i32
          %dma_start3A_254 = arith.constant 0 : i32
          %dma_start3A_255 = arith.constant 100 : i32
          %dma_start3A_256 = arith.constant 0 : i32
          %dma_start3A_257 = tpu.memref_slice %arg13[%dma_start3A_254, %dma_start3A_255, %dma_start3A_256] : memref<3x200x128xf32, #tpu.memory_space<vmem>> -> memref<1x100x128xf32, #tpu.memory_space<vmem>>
          %dma_start3A_258 = tpu.memref_squeeze %dma_start3A_257 : memref<1x100x128xf32, #tpu.memory_space<vmem>> -> memref<100x128xf32, #tpu.memory_space<vmem>>
          %dma_start3A_259 = arith.constant 0 : i32
          %dma_start3A_260 = tpu.memref_slice %arg10[%add3A_253, %dma_start3A_259] : memref<64x100xi32, #tpu.memory_space<vmem>> -> memref<1x100xi32, #tpu.memory_space<vmem>>
          %dma_start3A_261 = tpu.memref_squeeze %dma_start3A_260 : memref<1x100xi32, #tpu.memory_space<vmem>> -> memref<100xi32, #tpu.memory_space<vmem>>
          %dma_start3A_262 = arith.constant 0 : i32
          %dma_start3A_263 = arith.constant 0 : i32
          %dma_start3A_264 = tpu.memref_slice %arg2[%dma_start3A_262, %dma_start3A_263] : memref<1000000x128xf32, #tpu.memory_space<hbm>> -> memref<1000000x128xf32, #tpu.memory_space<hbm>>
          tpu.enqueue_indirect_dma source(%dma_start3A_264 : memref<1000000x128xf32, #tpu.memory_space<hbm>>) target(%dma_start3A_258 : memref<100x128xf32, #tpu.memory_space<vmem>>) offsets(%dma_start3A_261 : memref<100xi32, #tpu.memory_space<vmem>>) semaphore(%arg17 : memref<!tpu.dma_semaphore, #tpu.memory_space<semaphore_mem>>)
        }
      } else {
      }
      %get3A = arith.index_cast %scan3A_189 : i32 to index
      %get3A_201 = arith.constant 0 : index
      %get3A_202 = tpu.vector_load %arg11[%get3A, %get3A_201] {strides = array<i32>} : memref<32x128xf32, #tpu.memory_space<vmem>>, vector<16xf32>,
      %get3A_203 = arith.index_cast %scan3A_189 : i32 to index
      %get3A_204 = arith.constant 16 : index
      %get3A_205 = tpu.vector_load %arg11[%get3A_203, %get3A_204] {strides = array<i32>} : memref<32x128xf32, #tpu.memory_space<vmem>>, vector<16xf32>,
      %get3A_206 = arith.index_cast %scan3A_189 : i32 to index
      %get3A_207 = arith.constant 32 : index
      %get3A_208 = tpu.vector_load %arg11[%get3A_206, %get3A_207] {strides = array<i32>} : memref<32x128xf32, #tpu.memory_space<vmem>>, vector<16xf32>,
      %get3A_209 = arith.index_cast %scan3A_189 : i32 to index
      %get3A_210 = arith.constant 48 : index
      %get3A_211 = tpu.vector_load %arg11[%get3A_209, %get3A_210] {strides = array<i32>} : memref<32x128xf32, #tpu.memory_space<vmem>>, vector<16xf32>,
      %get3A_212 = arith.index_cast %scan3A_189 : i32 to index
      %get3A_213 = arith.constant 64 : index
      %get3A_214 = tpu.vector_load %arg11[%get3A_212, %get3A_213] {strides = array<i32>} : memref<32x128xf32, #tpu.memory_space<vmem>>, vector<16xf32>,
      %get3A_215 = arith.index_cast %scan3A_189 : i32 to index
      %get3A_216 = arith.constant 80 : index
      %get3A_217 = tpu.vector_load %arg11[%get3A_215, %get3A_216] {strides = array<i32>} : memref<32x128xf32, #tpu.memory_space<vmem>>, vector<16xf32>,
      %get3A_218 = arith.index_cast %scan3A_189 : i32 to index
      %get3A_219 = arith.constant 96 : index
      %get3A_220 = tpu.vector_load %arg11[%get3A_218, %get3A_219] {strides = array<i32>} : memref<32x128xf32, #tpu.memory_space<vmem>>, vector<16xf32>,
      %get3A_221 = arith.index_cast %scan3A_189 : i32 to index
      %get3A_222 = arith.constant 112 : index
      %get3A_223 = tpu.vector_load %arg11[%get3A_221, %get3A_222] {strides = array<i32>} : memref<32x128xf32, #tpu.memory_space<vmem>>, vector<16xf32>,
      %parallel_loop3A = arith.constant 0 : i32
      %parallel_loop3A_224 = arith.constant 13 : i32
      %parallel_loop3A_225 = arith.constant 1 : i32
      scf.for %parallel_loop3A_227 = %parallel_loop3A to %parallel_loop3A_224 step %parallel_loop3A_225  : i32 {
        %parallel_loop3A_228 = arith.constant 16 : i32
        %parallel_loop3A_229 = arith.muli %parallel_loop3A_227, %parallel_loop3A_228 : i32
        %parallel_loop3A_230 = arith.constant 184 : i32
        %parallel_loop3A_231 = arith.minsi %parallel_loop3A_229, %parallel_loop3A_230 : i32
        %parallel_loop3A_232 = arith.constant 256 : i32
        %parallel_loop3A_233 = arith.muli %parallel_loop3A_227, %parallel_loop3A_232 : i32
        %parallel_loop3A_234 = arith.constant 0 : i32
        %parallel_loop3A_235 = arith.addi %parallel_loop3A_231, %parallel_loop3A_234 : i32
        %parallel_loop3A_236 = arith.index_cast %rem3A_191 : i32 to index
        %parallel_loop3A_237 = arith.index_cast %parallel_loop3A_235 : i32 to index
        %parallel_loop3A_238 = arith.constant 0 : index
        %parallel_loop3A_239 = tpu.vector_load %arg13[%parallel_loop3A_236, %parallel_loop3A_237, %parallel_loop3A_238] {strides = array<i32>} : memref<3x200x128xf32, #tpu.memory_space<vmem>>, vector<16xf32>,
        %parallel_loop3A_240 = arith.constant 0 : i32
        %parallel_loop3A_241 = arith.addi %parallel_loop3A_231, %parallel_loop3A_240 : i32
        %parallel_loop3A_242 = arith.index_cast %rem3A_191 : i32 to index
        %parallel_loop3A_243 = arith.index_cast %parallel_loop3A_241 : i32 to index
        %parallel_loop3A_244 = arith.constant 16 : index
        %parallel_loop3A_245 = tpu.vector_load %arg13[%parallel_loop3A_242, %parallel_loop3A_243, %parallel_loop3A_244] {strides = array<i32>} : memref<3x200x128xf32, #tpu.memory_space<vmem>>, vector<16xf32>,
        %parallel_loop3A_246 = arith.constant 0 : i32
        %parallel_loop3A_247 = arith.addi %parallel_loop3A_231, %parallel_loop3A_246 : i32
        %parallel_loop3A_248 = arith.index_cast %rem3A_191 : i32 to index
        %parallel_loop3A_249 = arith.index_cast %parallel_loop3A_247 : i32 to index
        %parallel_loop3A_250 = arith.constant 32 : index
        %parallel_loop3A_251 = tpu.vector_load %arg13[%parallel_loop3A_248, %parallel_loop3A_249, %parallel_loop3A_250] {strides = array<i32>} : memref<3x200x128xf32, #tpu.memory_space<vmem>>, vector<16xf32>,
        %parallel_loop3A_252 = arith.constant 0 : i32
        %parallel_loop3A_253 = arith.addi %parallel_loop3A_231, %parallel_loop3A_252 : i32
        %parallel_loop3A_254 = arith.index_cast %rem3A_191 : i32 to index
        %parallel_loop3A_255 = arith.index_cast %parallel_loop3A_253 : i32 to index
        %parallel_loop3A_256 = arith.constant 48 : index
        %parallel_loop3A_257 = tpu.vector_load %arg13[%parallel_loop3A_254, %parallel_loop3A_255, %parallel_loop3A_256] {strides = array<i32>} : memref<3x200x128xf32, #tpu.memory_space<vmem>>, vector<16xf32>,
        %parallel_loop3A_258 = arith.constant 0 : i32
        %parallel_loop3A_259 = arith.addi %parallel_loop3A_231, %parallel_loop3A_258 : i32
        %parallel_loop3A_260 = arith.index_cast %rem3A_191 : i32 to index
        %parallel_loop3A_261 = arith.index_cast %parallel_loop3A_259 : i32 to index
        %parallel_loop3A_262 = arith.constant 64 : index
        %parallel_loop3A_263 = tpu.vector_load %arg13[%parallel_loop3A_260, %parallel_loop3A_261, %parallel_loop3A_262] {strides = array<i32>} : memref<3x200x128xf32, #tpu.memory_space<vmem>>, vector<16xf32>,
        %parallel_loop3A_264 = arith.constant 0 : i32
        %parallel_loop3A_265 = arith.addi %parallel_loop3A_231, %parallel_loop3A_264 : i32
        %parallel_loop3A_266 = arith.index_cast %rem3A_191 : i32 to index
        %parallel_loop3A_267 = arith.index_cast %parallel_loop3A_265 : i32 to index
        %parallel_loop3A_268 = arith.constant 80 : index
        %parallel_loop3A_269 = tpu.vector_load %arg13[%parallel_loop3A_266, %parallel_loop3A_267, %parallel_loop3A_268] {strides = array<i32>} : memref<3x200x128xf32, #tpu.memory_space<vmem>>, vector<16xf32>,
        %parallel_loop3A_270 = arith.constant 0 : i32
        %parallel_loop3A_271 = arith.addi %parallel_loop3A_231, %parallel_loop3A_270 : i32
        %parallel_loop3A_272 = arith.index_cast %rem3A_191 : i32 to index
        %parallel_loop3A_273 = arith.index_cast %parallel_loop3A_271 : i32 to index
        %parallel_loop3A_274 = arith.constant 96 : index
        %parallel_loop3A_275 = tpu.vector_load %arg13[%parallel_loop3A_272, %parallel_loop3A_273, %parallel_loop3A_274] {strides = array<i32>} : memref<3x200x128xf32, #tpu.memory_space<vmem>>, vector<16xf32>,
        %parallel_loop3A_276 = arith.constant 0 : i32
        %parallel_loop3A_277 = arith.addi %parallel_loop3A_231, %parallel_loop3A_276 : i32
        %parallel_loop3A_278 = arith.index_cast %rem3A_191 : i32 to index
        %parallel_loop3A_279 = arith.index_cast %parallel_loop3A_277 : i32 to index
        %parallel_loop3A_280 = arith.constant 112 : index
        %parallel_loop3A_281 = tpu.vector_load %arg13[%parallel_loop3A_278, %parallel_loop3A_279, %parallel_loop3A_280] {strides = array<i32>} : memref<3x200x128xf32, #tpu.memory_space<vmem>>, vector<16xf32>,
        %parallel_loop3A_282 = arith.subf %get3A_202, %parallel_loop3A_239 : vector<16xf32>
        %parallel_loop3A_283 = math.absf %parallel_loop3A_282 : vector<16xf32>
        %parallel_loop3A_284 = arith.subf %get3A_205, %parallel_loop3A_245 : vector<16xf32>
        %parallel_loop3A_285 = math.absf %parallel_loop3A_284 : vector<16xf32>
        %parallel_loop3A_286 = arith.subf %get3A_208, %parallel_loop3A_251 : vector<16xf32>
        %parallel_loop3A_287 = math.absf %parallel_loop3A_286 : vector<16xf32>
        %parallel_loop3A_288 = arith.subf %get3A_211, %parallel_loop3A_257 : vector<16xf32>
        %parallel_loop3A_289 = math.absf %parallel_loop3A_288 : vector<16xf32>
        %parallel_loop3A_290 = arith.subf %get3A_214, %parallel_loop3A_263 : vector<16xf32>
        %parallel_loop3A_291 = math.absf %parallel_loop3A_290 : vector<16xf32>
        %parallel_loop3A_292 = arith.subf %get3A_217, %parallel_loop3A_269 : vector<16xf32>
        %parallel_loop3A_293 = math.absf %parallel_loop3A_292 : vector<16xf32>
        %parallel_loop3A_294 = arith.subf %get3A_220, %parallel_loop3A_275 : vector<16xf32>
        %parallel_loop3A_295 = math.absf %parallel_loop3A_294 : vector<16xf32>
        %parallel_loop3A_296 = arith.subf %get3A_223, %parallel_loop3A_281 : vector<16xf32>
        %parallel_loop3A_297 = math.absf %parallel_loop3A_296 : vector<16xf32>
        %parallel_loop3A_298 = arith.addf %parallel_loop3A_283, %parallel_loop3A_285 : vector<16xf32>
        %parallel_loop3A_299 = arith.addf %parallel_loop3A_287, %parallel_loop3A_289 : vector<16xf32>
        %parallel_loop3A_300 = arith.addf %parallel_loop3A_291, %parallel_loop3A_293 : vector<16xf32>
        %parallel_loop3A_301 = arith.addf %parallel_loop3A_295, %parallel_loop3A_297 : vector<16xf32>
        %parallel_loop3A_302 = arith.addf %parallel_loop3A_298, %parallel_loop3A_299 : vector<16xf32>
        %parallel_loop3A_303 = arith.addf %parallel_loop3A_300, %parallel_loop3A_301 : vector<16xf32>
        %parallel_loop3A_304 = arith.addf %parallel_loop3A_302, %parallel_loop3A_303 : vector<16xf32>
        %parallel_loop3A_305 = vector.broadcast %parallel_loop3A_233 : i32 to vector<16xi32>
        %parallel_loop3A_306 = arith.addi %parallel_loop3A_305, %add3A_76 : vector<16xi32>
        tpu.vector_store_idx %arg14[%parallel_loop3A_306], %parallel_loop3A_304 : memref<3328xf32, #tpu.memory_space<vmem>>[vector<16xi32>], vector<16xf32>,
        %parallel_loop3A_307 = arith.constant 1 : i32
        %parallel_loop3A_308 = arith.addi %parallel_loop3A_231, %parallel_loop3A_307 : i32
        %parallel_loop3A_309 = arith.index_cast %rem3A_191 : i32 to index
        %parallel_loop3A_310 = arith.index_cast %parallel_loop3A_308 : i32 to index
        %parallel_loop3A_311 = arith.constant 0 : index
        %parallel_loop3A_312 = tpu.vector_load %arg13[%parallel_loop3A_309, %parallel_loop3A_310, %parallel_loop3A_311] {strides = array<i32>} : memref<3x200x128xf32, #tpu.memory_space<vmem>>, vector<16xf32>,
        %parallel_loop3A_313 = arith.constant 1 : i32
        %parallel_loop3A_314 = arith.addi %parallel_loop3A_231, %parallel_loop3A_313 : i32
        %parallel_loop3A_315 = arith.index_cast %rem3A_191 : i32 to index
        %parallel_loop3A_316 = arith.index_cast %parallel_loop3A_314 : i32 to index
        %parallel_loop3A_317 = arith.constant 16 : index
        %parallel_loop3A_318 = tpu.vector_load %arg13[%parallel_loop3A_315, %parallel_loop3A_316, %parallel_loop3A_317] {strides = array<i32>} : memref<3x200x128xf32, #tpu.memory_space<vmem>>, vector<16xf32>,
        %parallel_loop3A_319 = arith.constant 1 : i32
        %parallel_loop3A_320 = arith.addi %parallel_loop3A_231, %parallel_loop3A_319 : i32
        %parallel_loop3A_321 = arith.index_cast %rem3A_191 : i32 to index
        %parallel_loop3A_322 = arith.index_cast %parallel_loop3A_320 : i32 to index
        %parallel_loop3A_323 = arith.constant 32 : index
        %parallel_loop3A_324 = tpu.vector_load %arg13[%parallel_loop3A_321, %parallel_loop3A_322, %parallel_loop3A_323] {strides = array<i32>} : memref<3x200x128xf32, #tpu.memory_space<vmem>>, vector<16xf32>,
        %parallel_loop3A_325 = arith.constant 1 : i32
        %parallel_loop3A_326 = arith.addi %parallel_loop3A_231, %parallel_loop3A_325 : i32
        %parallel_loop3A_327 = arith.index_cast %rem3A_191 : i32 to index
        %parallel_loop3A_328 = arith.index_cast %parallel_loop3A_326 : i32 to index
        %parallel_loop3A_329 = arith.constant 48 : index
        %parallel_loop3A_330 = tpu.vector_load %arg13[%parallel_loop3A_327, %parallel_loop3A_328, %parallel_loop3A_329] {strides = array<i32>} : memref<3x200x128xf32, #tpu.memory_space<vmem>>, vector<16xf32>,
        %parallel_loop3A_331 = arith.constant 1 : i32
        %parallel_loop3A_332 = arith.addi %parallel_loop3A_231, %parallel_loop3A_331 : i32
        %parallel_loop3A_333 = arith.index_cast %rem3A_191 : i32 to index
        %parallel_loop3A_334 = arith.index_cast %parallel_loop3A_332 : i32 to index
        %parallel_loop3A_335 = arith.constant 64 : index
        %parallel_loop3A_336 = tpu.vector_load %arg13[%parallel_loop3A_333, %parallel_loop3A_334, %parallel_loop3A_335] {strides = array<i32>} : memref<3x200x128xf32, #tpu.memory_space<vmem>>, vector<16xf32>,
        %parallel_loop3A_337 = arith.constant 1 : i32
        %parallel_loop3A_338 = arith.addi %parallel_loop3A_231, %parallel_loop3A_337 : i32
        %parallel_loop3A_339 = arith.index_cast %rem3A_191 : i32 to index
        %parallel_loop3A_340 = arith.index_cast %parallel_loop3A_338 : i32 to index
        %parallel_loop3A_341 = arith.constant 80 : index
        %parallel_loop3A_342 = tpu.vector_load %arg13[%parallel_loop3A_339, %parallel_loop3A_340, %parallel_loop3A_341] {strides = array<i32>} : memref<3x200x128xf32, #tpu.memory_space<vmem>>, vector<16xf32>,
        %parallel_loop3A_343 = arith.constant 1 : i32
        %parallel_loop3A_344 = arith.addi %parallel_loop3A_231, %parallel_loop3A_343 : i32
        %parallel_loop3A_345 = arith.index_cast %rem3A_191 : i32 to index
        %parallel_loop3A_346 = arith.index_cast %parallel_loop3A_344 : i32 to index
        %parallel_loop3A_347 = arith.constant 96 : index
        %parallel_loop3A_348 = tpu.vector_load %arg13[%parallel_loop3A_345, %parallel_loop3A_346, %parallel_loop3A_347] {strides = array<i32>} : memref<3x200x128xf32, #tpu.memory_space<vmem>>, vector<16xf32>,
        %parallel_loop3A_349 = arith.constant 1 : i32
        %parallel_loop3A_350 = arith.addi %parallel_loop3A_231, %parallel_loop3A_349 : i32
        %parallel_loop3A_351 = arith.index_cast %rem3A_191 : i32 to index
        %parallel_loop3A_352 = arith.index_cast %parallel_loop3A_350 : i32 to index
        %parallel_loop3A_353 = arith.constant 112 : index
        %parallel_loop3A_354 = tpu.vector_load %arg13[%parallel_loop3A_351, %parallel_loop3A_352, %parallel_loop3A_353] {strides = array<i32>} : memref<3x200x128xf32, #tpu.memory_space<vmem>>, vector<16xf32>,
        %parallel_loop3A_355 = arith.subf %get3A_202, %parallel_loop3A_312 : vector<16xf32>
        %parallel_loop3A_356 = math.absf %parallel_loop3A_355 : vector<16xf32>
        %parallel_loop3A_357 = arith.subf %get3A_205, %parallel_loop3A_318 : vector<16xf32>
        %parallel_loop3A_358 = math.absf %parallel_loop3A_357 : vector<16xf32>
        %parallel_loop3A_359 = arith.subf %get3A_208, %parallel_loop3A_324 : vector<16xf32>
        %parallel_loop3A_360 = math.absf %parallel_loop3A_359 : vector<16xf32>
        %parallel_loop3A_361 = arith.subf %get3A_211, %parallel_loop3A_330 : vector<16xf32>
        %parallel_loop3A_362 = math.absf %parallel_loop3A_361 : vector<16xf32>
        %parallel_loop3A_363 = arith.subf %get3A_214, %parallel_loop3A_336 : vector<16xf32>
        %parallel_loop3A_364 = math.absf %parallel_loop3A_363 : vector<16xf32>
        %parallel_loop3A_365 = arith.subf %get3A_217, %parallel_loop3A_342 : vector<16xf32>
        %parallel_loop3A_366 = math.absf %parallel_loop3A_365 : vector<16xf32>
        %parallel_loop3A_367 = arith.subf %get3A_220, %parallel_loop3A_348 : vector<16xf32>
        %parallel_loop3A_368 = math.absf %parallel_loop3A_367 : vector<16xf32>
        %parallel_loop3A_369 = arith.subf %get3A_223, %parallel_loop3A_354 : vector<16xf32>
        %parallel_loop3A_370 = math.absf %parallel_loop3A_369 : vector<16xf32>
        %parallel_loop3A_371 = arith.addf %parallel_loop3A_356, %parallel_loop3A_358 : vector<16xf32>
        %parallel_loop3A_372 = arith.addf %parallel_loop3A_360, %parallel_loop3A_362 : vector<16xf32>
        %parallel_loop3A_373 = arith.addf %parallel_loop3A_364, %parallel_loop3A_366 : vector<16xf32>
        %parallel_loop3A_374 = arith.addf %parallel_loop3A_368, %parallel_loop3A_370 : vector<16xf32>
        %parallel_loop3A_375 = arith.addf %parallel_loop3A_371, %parallel_loop3A_372 : vector<16xf32>
        %parallel_loop3A_376 = arith.addf %parallel_loop3A_373, %parallel_loop3A_374 : vector<16xf32>
        %parallel_loop3A_377 = arith.addf %parallel_loop3A_375, %parallel_loop3A_376 : vector<16xf32>
        %parallel_loop3A_378 = vector.broadcast %parallel_loop3A_233 : i32 to vector<16xi32>
        %parallel_loop3A_379 = arith.addi %parallel_loop3A_378, %add3A_83 : vector<16xi32>
        tpu.vector_store_idx %arg14[%parallel_loop3A_379], %parallel_loop3A_377 : memref<3328xf32, #tpu.memory_space<vmem>>[vector<16xi32>], vector<16xf32>,
        %parallel_loop3A_380 = arith.constant 2 : i32
        %parallel_loop3A_381 = arith.addi %parallel_loop3A_231, %parallel_loop3A_380 : i32
        %parallel_loop3A_382 = arith.index_cast %rem3A_191 : i32 to index
        %parallel_loop3A_383 = arith.index_cast %parallel_loop3A_381 : i32 to index
        %parallel_loop3A_384 = arith.constant 0 : index
        %parallel_loop3A_385 = tpu.vector_load %arg13[%parallel_loop3A_382, %parallel_loop3A_383, %parallel_loop3A_384] {strides = array<i32>} : memref<3x200x128xf32, #tpu.memory_space<vmem>>, vector<16xf32>,
        %parallel_loop3A_386 = arith.constant 2 : i32
        %parallel_loop3A_387 = arith.addi %parallel_loop3A_231, %parallel_loop3A_386 : i32
        %parallel_loop3A_388 = arith.index_cast %rem3A_191 : i32 to index
        %parallel_loop3A_389 = arith.index_cast %parallel_loop3A_387 : i32 to index
        %parallel_loop3A_390 = arith.constant 16 : index
        %parallel_loop3A_391 = tpu.vector_load %arg13[%parallel_loop3A_388, %parallel_loop3A_389, %parallel_loop3A_390] {strides = array<i32>} : memref<3x200x128xf32, #tpu.memory_space<vmem>>, vector<16xf32>,
        %parallel_loop3A_392 = arith.constant 2 : i32
        %parallel_loop3A_393 = arith.addi %parallel_loop3A_231, %parallel_loop3A_392 : i32
        %parallel_loop3A_394 = arith.index_cast %rem3A_191 : i32 to index
        %parallel_loop3A_395 = arith.index_cast %parallel_loop3A_393 : i32 to index
        %parallel_loop3A_396 = arith.constant 32 : index
        %parallel_loop3A_397 = tpu.vector_load %arg13[%parallel_loop3A_394, %parallel_loop3A_395, %parallel_loop3A_396] {strides = array<i32>} : memref<3x200x128xf32, #tpu.memory_space<vmem>>, vector<16xf32>,
        %parallel_loop3A_398 = arith.constant 2 : i32
        %parallel_loop3A_399 = arith.addi %parallel_loop3A_231, %parallel_loop3A_398 : i32
        %parallel_loop3A_400 = arith.index_cast %rem3A_191 : i32 to index
        %parallel_loop3A_401 = arith.index_cast %parallel_loop3A_399 : i32 to index
        %parallel_loop3A_402 = arith.constant 48 : index
        %parallel_loop3A_403 = tpu.vector_load %arg13[%parallel_loop3A_400, %parallel_loop3A_401, %parallel_loop3A_402] {strides = array<i32>} : memref<3x200x128xf32, #tpu.memory_space<vmem>>, vector<16xf32>,
        %parallel_loop3A_404 = arith.constant 2 : i32
        %parallel_loop3A_405 = arith.addi %parallel_loop3A_231, %parallel_loop3A_404 : i32
        %parallel_loop3A_406 = arith.index_cast %rem3A_191 : i32 to index
        %parallel_loop3A_407 = arith.index_cast %parallel_loop3A_405 : i32 to index
        %parallel_loop3A_408 = arith.constant 64 : index
        %parallel_loop3A_409 = tpu.vector_load %arg13[%parallel_loop3A_406, %parallel_loop3A_407, %parallel_loop3A_408] {strides = array<i32>} : memref<3x200x128xf32, #tpu.memory_space<vmem>>, vector<16xf32>,
        %parallel_loop3A_410 = arith.constant 2 : i32
        %parallel_loop3A_411 = arith.addi %parallel_loop3A_231, %parallel_loop3A_410 : i32
        %parallel_loop3A_412 = arith.index_cast %rem3A_191 : i32 to index
        %parallel_loop3A_413 = arith.index_cast %parallel_loop3A_411 : i32 to index
        %parallel_loop3A_414 = arith.constant 80 : index
        %parallel_loop3A_415 = tpu.vector_load %arg13[%parallel_loop3A_412, %parallel_loop3A_413, %parallel_loop3A_414] {strides = array<i32>} : memref<3x200x128xf32, #tpu.memory_space<vmem>>, vector<16xf32>,
        %parallel_loop3A_416 = arith.constant 2 : i32
        %parallel_loop3A_417 = arith.addi %parallel_loop3A_231, %parallel_loop3A_416 : i32
        %parallel_loop3A_418 = arith.index_cast %rem3A_191 : i32 to index
        %parallel_loop3A_419 = arith.index_cast %parallel_loop3A_417 : i32 to index
        %parallel_loop3A_420 = arith.constant 96 : index
        %parallel_loop3A_421 = tpu.vector_load %arg13[%parallel_loop3A_418, %parallel_loop3A_419, %parallel_loop3A_420] {strides = array<i32>} : memref<3x200x128xf32, #tpu.memory_space<vmem>>, vector<16xf32>,
        %parallel_loop3A_422 = arith.constant 2 : i32
        %parallel_loop3A_423 = arith.addi %parallel_loop3A_231, %parallel_loop3A_422 : i32
        %parallel_loop3A_424 = arith.index_cast %rem3A_191 : i32 to index
        %parallel_loop3A_425 = arith.index_cast %parallel_loop3A_423 : i32 to index
        %parallel_loop3A_426 = arith.constant 112 : index
        %parallel_loop3A_427 = tpu.vector_load %arg13[%parallel_loop3A_424, %parallel_loop3A_425, %parallel_loop3A_426] {strides = array<i32>} : memref<3x200x128xf32, #tpu.memory_space<vmem>>, vector<16xf32>,
        %parallel_loop3A_428 = arith.subf %get3A_202, %parallel_loop3A_385 : vector<16xf32>
        %parallel_loop3A_429 = math.absf %parallel_loop3A_428 : vector<16xf32>
        %parallel_loop3A_430 = arith.subf %get3A_205, %parallel_loop3A_391 : vector<16xf32>
        %parallel_loop3A_431 = math.absf %parallel_loop3A_430 : vector<16xf32>
        %parallel_loop3A_432 = arith.subf %get3A_208, %parallel_loop3A_397 : vector<16xf32>
        %parallel_loop3A_433 = math.absf %parallel_loop3A_432 : vector<16xf32>
        %parallel_loop3A_434 = arith.subf %get3A_211, %parallel_loop3A_403 : vector<16xf32>
        %parallel_loop3A_435 = math.absf %parallel_loop3A_434 : vector<16xf32>
        %parallel_loop3A_436 = arith.subf %get3A_214, %parallel_loop3A_409 : vector<16xf32>
        %parallel_loop3A_437 = math.absf %parallel_loop3A_436 : vector<16xf32>
        %parallel_loop3A_438 = arith.subf %get3A_217, %parallel_loop3A_415 : vector<16xf32>
        %parallel_loop3A_439 = math.absf %parallel_loop3A_438 : vector<16xf32>
        %parallel_loop3A_440 = arith.subf %get3A_220, %parallel_loop3A_421 : vector<16xf32>
        %parallel_loop3A_441 = math.absf %parallel_loop3A_440 : vector<16xf32>
        %parallel_loop3A_442 = arith.subf %get3A_223, %parallel_loop3A_427 : vector<16xf32>
        %parallel_loop3A_443 = math.absf %parallel_loop3A_442 : vector<16xf32>
        %parallel_loop3A_444 = arith.addf %parallel_loop3A_429, %parallel_loop3A_431 : vector<16xf32>
        %parallel_loop3A_445 = arith.addf %parallel_loop3A_433, %parallel_loop3A_435 : vector<16xf32>
        %parallel_loop3A_446 = arith.addf %parallel_loop3A_437, %parallel_loop3A_439 : vector<16xf32>
        %parallel_loop3A_447 = arith.addf %parallel_loop3A_441, %parallel_loop3A_443 : vector<16xf32>
        %parallel_loop3A_448 = arith.addf %parallel_loop3A_444, %parallel_loop3A_445 : vector<16xf32>
        %parallel_loop3A_449 = arith.addf %parallel_loop3A_446, %parallel_loop3A_447 : vector<16xf32>
        %parallel_loop3A_450 = arith.addf %parallel_loop3A_448, %parallel_loop3A_449 : vector<16xf32>
        %parallel_loop3A_451 = vector.broadcast %parallel_loop3A_233 : i32 to vector<16xi32>
        %parallel_loop3A_452 = arith.addi %parallel_loop3A_451, %add3A_90 : vector<16xi32>
        tpu.vector_store_idx %arg14[%parallel_loop3A_452], %parallel_loop3A_450 : memref<3328xf32, #tpu.memory_space<vmem>>[vector<16xi32>], vector<16xf32>,
        %parallel_loop3A_453 = arith.constant 3 : i32
        %parallel_loop3A_454 = arith.addi %parallel_loop3A_231, %parallel_loop3A_453 : i32
        %parallel_loop3A_455 = arith.index_cast %rem3A_191 : i32 to index
        %parallel_loop3A_456 = arith.index_cast %parallel_loop3A_454 : i32 to index
        %parallel_loop3A_457 = arith.constant 0 : index
        %parallel_loop3A_458 = tpu.vector_load %arg13[%parallel_loop3A_455, %parallel_loop3A_456, %parallel_loop3A_457] {strides = array<i32>} : memref<3x200x128xf32, #tpu.memory_space<vmem>>, vector<16xf32>,
        %parallel_loop3A_459 = arith.constant 3 : i32
        %parallel_loop3A_460 = arith.addi %parallel_loop3A_231, %parallel_loop3A_459 : i32
        %parallel_loop3A_461 = arith.index_cast %rem3A_191 : i32 to index
        %parallel_loop3A_462 = arith.index_cast %parallel_loop3A_460 : i32 to index
        %parallel_loop3A_463 = arith.constant 16 : index
        %parallel_loop3A_464 = tpu.vector_load %arg13[%parallel_loop3A_461, %parallel_loop3A_462, %parallel_loop3A_463] {strides = array<i32>} : memref<3x200x128xf32, #tpu.memory_space<vmem>>, vector<16xf32>,
        %parallel_loop3A_465 = arith.constant 3 : i32
        %parallel_loop3A_466 = arith.addi %parallel_loop3A_231, %parallel_loop3A_465 : i32
        %parallel_loop3A_467 = arith.index_cast %rem3A_191 : i32 to index
        %parallel_loop3A_468 = arith.index_cast %parallel_loop3A_466 : i32 to index
        %parallel_loop3A_469 = arith.constant 32 : index
        %parallel_loop3A_470 = tpu.vector_load %arg13[%parallel_loop3A_467, %parallel_loop3A_468, %parallel_loop3A_469] {strides = array<i32>} : memref<3x200x128xf32, #tpu.memory_space<vmem>>, vector<16xf32>,
        %parallel_loop3A_471 = arith.constant 3 : i32
        %parallel_loop3A_472 = arith.addi %parallel_loop3A_231, %parallel_loop3A_471 : i32
        %parallel_loop3A_473 = arith.index_cast %rem3A_191 : i32 to index
        %parallel_loop3A_474 = arith.index_cast %parallel_loop3A_472 : i32 to index
        %parallel_loop3A_475 = arith.constant 48 : index
        %parallel_loop3A_476 = tpu.vector_load %arg13[%parallel_loop3A_473, %parallel_loop3A_474, %parallel_loop3A_475] {strides = array<i32>} : memref<3x200x128xf32, #tpu.memory_space<vmem>>, vector<16xf32>,
        %parallel_loop3A_477 = arith.constant 3 : i32
        %parallel_loop3A_478 = arith.addi %parallel_loop3A_231, %parallel_loop3A_477 : i32
        %parallel_loop3A_479 = arith.index_cast %rem3A_191 : i32 to index
        %parallel_loop3A_480 = arith.index_cast %parallel_loop3A_478 : i32 to index
        %parallel_loop3A_481 = arith.constant 64 : index
        %parallel_loop3A_482 = tpu.vector_load %arg13[%parallel_loop3A_479, %parallel_loop3A_480, %parallel_loop3A_481] {strides = array<i32>} : memref<3x200x128xf32, #tpu.memory_space<vmem>>, vector<16xf32>,
        %parallel_loop3A_483 = arith.constant 3 : i32
        %parallel_loop3A_484 = arith.addi %parallel_loop3A_231, %parallel_loop3A_483 : i32
        %parallel_loop3A_485 = arith.index_cast %rem3A_191 : i32 to index
        %parallel_loop3A_486 = arith.index_cast %parallel_loop3A_484 : i32 to index
        %parallel_loop3A_487 = arith.constant 80 : index
        %parallel_loop3A_488 = tpu.vector_load %arg13[%parallel_loop3A_485, %parallel_loop3A_486, %parallel_loop3A_487] {strides = array<i32>} : memref<3x200x128xf32, #tpu.memory_space<vmem>>, vector<16xf32>,
        %parallel_loop3A_489 = arith.constant 3 : i32
        %parallel_loop3A_490 = arith.addi %parallel_loop3A_231, %parallel_loop3A_489 : i32
        %parallel_loop3A_491 = arith.index_cast %rem3A_191 : i32 to index
        %parallel_loop3A_492 = arith.index_cast %parallel_loop3A_490 : i32 to index
        %parallel_loop3A_493 = arith.constant 96 : index
        %parallel_loop3A_494 = tpu.vector_load %arg13[%parallel_loop3A_491, %parallel_loop3A_492, %parallel_loop3A_493] {strides = array<i32>} : memref<3x200x128xf32, #tpu.memory_space<vmem>>, vector<16xf32>,
        %parallel_loop3A_495 = arith.constant 3 : i32
        %parallel_loop3A_496 = arith.addi %parallel_loop3A_231, %parallel_loop3A_495 : i32
        %parallel_loop3A_497 = arith.index_cast %rem3A_191 : i32 to index
        %parallel_loop3A_498 = arith.index_cast %parallel_loop3A_496 : i32 to index
        %parallel_loop3A_499 = arith.constant 112 : index
        %parallel_loop3A_500 = tpu.vector_load %arg13[%parallel_loop3A_497, %parallel_loop3A_498, %parallel_loop3A_499] {strides = array<i32>} : memref<3x200x128xf32, #tpu.memory_space<vmem>>, vector<16xf32>,
        %parallel_loop3A_501 = arith.subf %get3A_202, %parallel_loop3A_458 : vector<16xf32>
        %parallel_loop3A_502 = math.absf %parallel_loop3A_501 : vector<16xf32>
        %parallel_loop3A_503 = arith.subf %get3A_205, %parallel_loop3A_464 : vector<16xf32>
        %parallel_loop3A_504 = math.absf %parallel_loop3A_503 : vector<16xf32>
        %parallel_loop3A_505 = arith.subf %get3A_208, %parallel_loop3A_470 : vector<16xf32>
        %parallel_loop3A_506 = math.absf %parallel_loop3A_505 : vector<16xf32>
        %parallel_loop3A_507 = arith.subf %get3A_211, %parallel_loop3A_476 : vector<16xf32>
        %parallel_loop3A_508 = math.absf %parallel_loop3A_507 : vector<16xf32>
        %parallel_loop3A_509 = arith.subf %get3A_214, %parallel_loop3A_482 : vector<16xf32>
        %parallel_loop3A_510 = math.absf %parallel_loop3A_509 : vector<16xf32>
        %parallel_loop3A_511 = arith.subf %get3A_217, %parallel_loop3A_488 : vector<16xf32>
        %parallel_loop3A_512 = math.absf %parallel_loop3A_511 : vector<16xf32>
        %parallel_loop3A_513 = arith.subf %get3A_220, %parallel_loop3A_494 : vector<16xf32>
        %parallel_loop3A_514 = math.absf %parallel_loop3A_513 : vector<16xf32>
        %parallel_loop3A_515 = arith.subf %get3A_223, %parallel_loop3A_500 : vector<16xf32>
        %parallel_loop3A_516 = math.absf %parallel_loop3A_515 : vector<16xf32>
        %parallel_loop3A_517 = arith.addf %parallel_loop3A_502, %parallel_loop3A_504 : vector<16xf32>
        %parallel_loop3A_518 = arith.addf %parallel_loop3A_506, %parallel_loop3A_508 : vector<16xf32>
        %parallel_loop3A_519 = arith.addf %parallel_loop3A_510, %parallel_loop3A_512 : vector<16xf32>
        %parallel_loop3A_520 = arith.addf %parallel_loop3A_514, %parallel_loop3A_516 : vector<16xf32>
        %parallel_loop3A_521 = arith.addf %parallel_loop3A_517, %parallel_loop3A_518 : vector<16xf32>
        %parallel_loop3A_522 = arith.addf %parallel_loop3A_519, %parallel_loop3A_520 : vector<16xf32>
        %parallel_loop3A_523 = arith.addf %parallel_loop3A_521, %parallel_loop3A_522 : vector<16xf32>
        %parallel_loop3A_524 = vector.broadcast %parallel_loop3A_233 : i32 to vector<16xi32>
        %parallel_loop3A_525 = arith.addi %parallel_loop3A_524, %add3A_97 : vector<16xi32>
        tpu.vector_store_idx %arg14[%parallel_loop3A_525], %parallel_loop3A_523 : memref<3328xf32, #tpu.memory_space<vmem>>[vector<16xi32>], vector<16xf32>,
        %parallel_loop3A_526 = arith.constant 4 : i32
        %parallel_loop3A_527 = arith.addi %parallel_loop3A_231, %parallel_loop3A_526 : i32
        %parallel_loop3A_528 = arith.index_cast %rem3A_191 : i32 to index
        %parallel_loop3A_529 = arith.index_cast %parallel_loop3A_527 : i32 to index
        %parallel_loop3A_530 = arith.constant 0 : index
        %parallel_loop3A_531 = tpu.vector_load %arg13[%parallel_loop3A_528, %parallel_loop3A_529, %parallel_loop3A_530] {strides = array<i32>} : memref<3x200x128xf32, #tpu.memory_space<vmem>>, vector<16xf32>,
        %parallel_loop3A_532 = arith.constant 4 : i32
        %parallel_loop3A_533 = arith.addi %parallel_loop3A_231, %parallel_loop3A_532 : i32
        %parallel_loop3A_534 = arith.index_cast %rem3A_191 : i32 to index
        %parallel_loop3A_535 = arith.index_cast %parallel_loop3A_533 : i32 to index
        %parallel_loop3A_536 = arith.constant 16 : index
        %parallel_loop3A_537 = tpu.vector_load %arg13[%parallel_loop3A_534, %parallel_loop3A_535, %parallel_loop3A_536] {strides = array<i32>} : memref<3x200x128xf32, #tpu.memory_space<vmem>>, vector<16xf32>,
        %parallel_loop3A_538 = arith.constant 4 : i32
        %parallel_loop3A_539 = arith.addi %parallel_loop3A_231, %parallel_loop3A_538 : i32
        %parallel_loop3A_540 = arith.index_cast %rem3A_191 : i32 to index
        %parallel_loop3A_541 = arith.index_cast %parallel_loop3A_539 : i32 to index
        %parallel_loop3A_542 = arith.constant 32 : index
        %parallel_loop3A_543 = tpu.vector_load %arg13[%parallel_loop3A_540, %parallel_loop3A_541, %parallel_loop3A_542] {strides = array<i32>} : memref<3x200x128xf32, #tpu.memory_space<vmem>>, vector<16xf32>,
        %parallel_loop3A_544 = arith.constant 4 : i32
        %parallel_loop3A_545 = arith.addi %parallel_loop3A_231, %parallel_loop3A_544 : i32
        %parallel_loop3A_546 = arith.index_cast %rem3A_191 : i32 to index
        %parallel_loop3A_547 = arith.index_cast %parallel_loop3A_545 : i32 to index
        %parallel_loop3A_548 = arith.constant 48 : index
        %parallel_loop3A_549 = tpu.vector_load %arg13[%parallel_loop3A_546, %parallel_loop3A_547, %parallel_loop3A_548] {strides = array<i32>} : memref<3x200x128xf32, #tpu.memory_space<vmem>>, vector<16xf32>,
        %parallel_loop3A_550 = arith.constant 4 : i32
        %parallel_loop3A_551 = arith.addi %parallel_loop3A_231, %parallel_loop3A_550 : i32
        %parallel_loop3A_552 = arith.index_cast %rem3A_191 : i32 to index
        %parallel_loop3A_553 = arith.index_cast %parallel_loop3A_551 : i32 to index
        %parallel_loop3A_554 = arith.constant 64 : index
        %parallel_loop3A_555 = tpu.vector_load %arg13[%parallel_loop3A_552, %parallel_loop3A_553, %parallel_loop3A_554] {strides = array<i32>} : memref<3x200x128xf32, #tpu.memory_space<vmem>>, vector<16xf32>,
        %parallel_loop3A_556 = arith.constant 4 : i32
        %parallel_loop3A_557 = arith.addi %parallel_loop3A_231, %parallel_loop3A_556 : i32
        %parallel_loop3A_558 = arith.index_cast %rem3A_191 : i32 to index
        %parallel_loop3A_559 = arith.index_cast %parallel_loop3A_557 : i32 to index
        %parallel_loop3A_560 = arith.constant 80 : index
        %parallel_loop3A_561 = tpu.vector_load %arg13[%parallel_loop3A_558, %parallel_loop3A_559, %parallel_loop3A_560] {strides = array<i32>} : memref<3x200x128xf32, #tpu.memory_space<vmem>>, vector<16xf32>,
        %parallel_loop3A_562 = arith.constant 4 : i32
        %parallel_loop3A_563 = arith.addi %parallel_loop3A_231, %parallel_loop3A_562 : i32
        %parallel_loop3A_564 = arith.index_cast %rem3A_191 : i32 to index
        %parallel_loop3A_565 = arith.index_cast %parallel_loop3A_563 : i32 to index
        %parallel_loop3A_566 = arith.constant 96 : index
        %parallel_loop3A_567 = tpu.vector_load %arg13[%parallel_loop3A_564, %parallel_loop3A_565, %parallel_loop3A_566] {strides = array<i32>} : memref<3x200x128xf32, #tpu.memory_space<vmem>>, vector<16xf32>,
        %parallel_loop3A_568 = arith.constant 4 : i32
        %parallel_loop3A_569 = arith.addi %parallel_loop3A_231, %parallel_loop3A_568 : i32
        %parallel_loop3A_570 = arith.index_cast %rem3A_191 : i32 to index
        %parallel_loop3A_571 = arith.index_cast %parallel_loop3A_569 : i32 to index
        %parallel_loop3A_572 = arith.constant 112 : index
        %parallel_loop3A_573 = tpu.vector_load %arg13[%parallel_loop3A_570, %parallel_loop3A_571, %parallel_loop3A_572] {strides = array<i32>} : memref<3x200x128xf32, #tpu.memory_space<vmem>>, vector<16xf32>,
        %parallel_loop3A_574 = arith.subf %get3A_202, %parallel_loop3A_531 : vector<16xf32>
        %parallel_loop3A_575 = math.absf %parallel_loop3A_574 : vector<16xf32>
        %parallel_loop3A_576 = arith.subf %get3A_205, %parallel_loop3A_537 : vector<16xf32>
        %parallel_loop3A_577 = math.absf %parallel_loop3A_576 : vector<16xf32>
        %parallel_loop3A_578 = arith.subf %get3A_208, %parallel_loop3A_543 : vector<16xf32>
        %parallel_loop3A_579 = math.absf %parallel_loop3A_578 : vector<16xf32>
        %parallel_loop3A_580 = arith.subf %get3A_211, %parallel_loop3A_549 : vector<16xf32>
        %parallel_loop3A_581 = math.absf %parallel_loop3A_580 : vector<16xf32>
        %parallel_loop3A_582 = arith.subf %get3A_214, %parallel_loop3A_555 : vector<16xf32>
        %parallel_loop3A_583 = math.absf %parallel_loop3A_582 : vector<16xf32>
        %parallel_loop3A_584 = arith.subf %get3A_217, %parallel_loop3A_561 : vector<16xf32>
        %parallel_loop3A_585 = math.absf %parallel_loop3A_584 : vector<16xf32>
        %parallel_loop3A_586 = arith.subf %get3A_220, %parallel_loop3A_567 : vector<16xf32>
        %parallel_loop3A_587 = math.absf %parallel_loop3A_586 : vector<16xf32>
        %parallel_loop3A_588 = arith.subf %get3A_223, %parallel_loop3A_573 : vector<16xf32>
        %parallel_loop3A_589 = math.absf %parallel_loop3A_588 : vector<16xf32>
        %parallel_loop3A_590 = arith.addf %parallel_loop3A_575, %parallel_loop3A_577 : vector<16xf32>
        %parallel_loop3A_591 = arith.addf %parallel_loop3A_579, %parallel_loop3A_581 : vector<16xf32>
        %parallel_loop3A_592 = arith.addf %parallel_loop3A_583, %parallel_loop3A_585 : vector<16xf32>
        %parallel_loop3A_593 = arith.addf %parallel_loop3A_587, %parallel_loop3A_589 : vector<16xf32>
        %parallel_loop3A_594 = arith.addf %parallel_loop3A_590, %parallel_loop3A_591 : vector<16xf32>
        %parallel_loop3A_595 = arith.addf %parallel_loop3A_592, %parallel_loop3A_593 : vector<16xf32>
        %parallel_loop3A_596 = arith.addf %parallel_loop3A_594, %parallel_loop3A_595 : vector<16xf32>
        %parallel_loop3A_597 = vector.broadcast %parallel_loop3A_233 : i32 to vector<16xi32>
        %parallel_loop3A_598 = arith.addi %parallel_loop3A_597, %add3A_104 : vector<16xi32>
        tpu.vector_store_idx %arg14[%parallel_loop3A_598], %parallel_loop3A_596 : memref<3328xf32, #tpu.memory_space<vmem>>[vector<16xi32>], vector<16xf32>,
        %parallel_loop3A_599 = arith.constant 5 : i32
        %parallel_loop3A_600 = arith.addi %parallel_loop3A_231, %parallel_loop3A_599 : i32
        %parallel_loop3A_601 = arith.index_cast %rem3A_191 : i32 to index
        %parallel_loop3A_602 = arith.index_cast %parallel_loop3A_600 : i32 to index
        %parallel_loop3A_603 = arith.constant 0 : index
        %parallel_loop3A_604 = tpu.vector_load %arg13[%parallel_loop3A_601, %parallel_loop3A_602, %parallel_loop3A_603] {strides = array<i32>} : memref<3x200x128xf32, #tpu.memory_space<vmem>>, vector<16xf32>,
        %parallel_loop3A_605 = arith.constant 5 : i32
        %parallel_loop3A_606 = arith.addi %parallel_loop3A_231, %parallel_loop3A_605 : i32
        %parallel_loop3A_607 = arith.index_cast %rem3A_191 : i32 to index
        %parallel_loop3A_608 = arith.index_cast %parallel_loop3A_606 : i32 to index
        %parallel_loop3A_609 = arith.constant 16 : index
        %parallel_loop3A_610 = tpu.vector_load %arg13[%parallel_loop3A_607, %parallel_loop3A_608, %parallel_loop3A_609] {strides = array<i32>} : memref<3x200x128xf32, #tpu.memory_space<vmem>>, vector<16xf32>,
        %parallel_loop3A_611 = arith.constant 5 : i32
        %parallel_loop3A_612 = arith.addi %parallel_loop3A_231, %parallel_loop3A_611 : i32
        %parallel_loop3A_613 = arith.index_cast %rem3A_191 : i32 to index
        %parallel_loop3A_614 = arith.index_cast %parallel_loop3A_612 : i32 to index
        %parallel_loop3A_615 = arith.constant 32 : index
        %parallel_loop3A_616 = tpu.vector_load %arg13[%parallel_loop3A_613, %parallel_loop3A_614, %parallel_loop3A_615] {strides = array<i32>} : memref<3x200x128xf32, #tpu.memory_space<vmem>>, vector<16xf32>,
        %parallel_loop3A_617 = arith.constant 5 : i32
        %parallel_loop3A_618 = arith.addi %parallel_loop3A_231, %parallel_loop3A_617 : i32
        %parallel_loop3A_619 = arith.index_cast %rem3A_191 : i32 to index
        %parallel_loop3A_620 = arith.index_cast %parallel_loop3A_618 : i32 to index
        %parallel_loop3A_621 = arith.constant 48 : index
        %parallel_loop3A_622 = tpu.vector_load %arg13[%parallel_loop3A_619, %parallel_loop3A_620, %parallel_loop3A_621] {strides = array<i32>} : memref<3x200x128xf32, #tpu.memory_space<vmem>>, vector<16xf32>,
        %parallel_loop3A_623 = arith.constant 5 : i32
        %parallel_loop3A_624 = arith.addi %parallel_loop3A_231, %parallel_loop3A_623 : i32
        %parallel_loop3A_625 = arith.index_cast %rem3A_191 : i32 to index
        %parallel_loop3A_626 = arith.index_cast %parallel_loop3A_624 : i32 to index
        %parallel_loop3A_627 = arith.constant 64 : index
        %parallel_loop3A_628 = tpu.vector_load %arg13[%parallel_loop3A_625, %parallel_loop3A_626, %parallel_loop3A_627] {strides = array<i32>} : memref<3x200x128xf32, #tpu.memory_space<vmem>>, vector<16xf32>,
        %parallel_loop3A_629 = arith.constant 5 : i32
        %parallel_loop3A_630 = arith.addi %parallel_loop3A_231, %parallel_loop3A_629 : i32
        %parallel_loop3A_631 = arith.index_cast %rem3A_191 : i32 to index
        %parallel_loop3A_632 = arith.index_cast %parallel_loop3A_630 : i32 to index
        %parallel_loop3A_633 = arith.constant 80 : index
        %parallel_loop3A_634 = tpu.vector_load %arg13[%parallel_loop3A_631, %parallel_loop3A_632, %parallel_loop3A_633] {strides = array<i32>} : memref<3x200x128xf32, #tpu.memory_space<vmem>>, vector<16xf32>,
        %parallel_loop3A_635 = arith.constant 5 : i32
        %parallel_loop3A_636 = arith.addi %parallel_loop3A_231, %parallel_loop3A_635 : i32
        %parallel_loop3A_637 = arith.index_cast %rem3A_191 : i32 to index
        %parallel_loop3A_638 = arith.index_cast %parallel_loop3A_636 : i32 to index
        %parallel_loop3A_639 = arith.constant 96 : index
        %parallel_loop3A_640 = tpu.vector_load %arg13[%parallel_loop3A_637, %parallel_loop3A_638, %parallel_loop3A_639] {strides = array<i32>} : memref<3x200x128xf32, #tpu.memory_space<vmem>>, vector<16xf32>,
        %parallel_loop3A_641 = arith.constant 5 : i32
        %parallel_loop3A_642 = arith.addi %parallel_loop3A_231, %parallel_loop3A_641 : i32
        %parallel_loop3A_643 = arith.index_cast %rem3A_191 : i32 to index
        %parallel_loop3A_644 = arith.index_cast %parallel_loop3A_642 : i32 to index
        %parallel_loop3A_645 = arith.constant 112 : index
        %parallel_loop3A_646 = tpu.vector_load %arg13[%parallel_loop3A_643, %parallel_loop3A_644, %parallel_loop3A_645] {strides = array<i32>} : memref<3x200x128xf32, #tpu.memory_space<vmem>>, vector<16xf32>,
        %parallel_loop3A_647 = arith.subf %get3A_202, %parallel_loop3A_604 : vector<16xf32>
        %parallel_loop3A_648 = math.absf %parallel_loop3A_647 : vector<16xf32>
        %parallel_loop3A_649 = arith.subf %get3A_205, %parallel_loop3A_610 : vector<16xf32>
        %parallel_loop3A_650 = math.absf %parallel_loop3A_649 : vector<16xf32>
        %parallel_loop3A_651 = arith.subf %get3A_208, %parallel_loop3A_616 : vector<16xf32>
        %parallel_loop3A_652 = math.absf %parallel_loop3A_651 : vector<16xf32>
        %parallel_loop3A_653 = arith.subf %get3A_211, %parallel_loop3A_622 : vector<16xf32>
        %parallel_loop3A_654 = math.absf %parallel_loop3A_653 : vector<16xf32>
        %parallel_loop3A_655 = arith.subf %get3A_214, %parallel_loop3A_628 : vector<16xf32>
        %parallel_loop3A_656 = math.absf %parallel_loop3A_655 : vector<16xf32>
        %parallel_loop3A_657 = arith.subf %get3A_217, %parallel_loop3A_634 : vector<16xf32>
        %parallel_loop3A_658 = math.absf %parallel_loop3A_657 : vector<16xf32>
        %parallel_loop3A_659 = arith.subf %get3A_220, %parallel_loop3A_640 : vector<16xf32>
        %parallel_loop3A_660 = math.absf %parallel_loop3A_659 : vector<16xf32>
        %parallel_loop3A_661 = arith.subf %get3A_223, %parallel_loop3A_646 : vector<16xf32>
        %parallel_loop3A_662 = math.absf %parallel_loop3A_661 : vector<16xf32>
        %parallel_loop3A_663 = arith.addf %parallel_loop3A_648, %parallel_loop3A_650 : vector<16xf32>
        %parallel_loop3A_664 = arith.addf %parallel_loop3A_652, %parallel_loop3A_654 : vector<16xf32>
        %parallel_loop3A_665 = arith.addf %parallel_loop3A_656, %parallel_loop3A_658 : vector<16xf32>
        %parallel_loop3A_666 = arith.addf %parallel_loop3A_660, %parallel_loop3A_662 : vector<16xf32>
        %parallel_loop3A_667 = arith.addf %parallel_loop3A_663, %parallel_loop3A_664 : vector<16xf32>
        %parallel_loop3A_668 = arith.addf %parallel_loop3A_665, %parallel_loop3A_666 : vector<16xf32>
        %parallel_loop3A_669 = arith.addf %parallel_loop3A_667, %parallel_loop3A_668 : vector<16xf32>
        %parallel_loop3A_670 = vector.broadcast %parallel_loop3A_233 : i32 to vector<16xi32>
        %parallel_loop3A_671 = arith.addi %parallel_loop3A_670, %add3A_111 : vector<16xi32>
        tpu.vector_store_idx %arg14[%parallel_loop3A_671], %parallel_loop3A_669 : memref<3328xf32, #tpu.memory_space<vmem>>[vector<16xi32>], vector<16xf32>,
        %parallel_loop3A_672 = arith.constant 6 : i32
        %parallel_loop3A_673 = arith.addi %parallel_loop3A_231, %parallel_loop3A_672 : i32
        %parallel_loop3A_674 = arith.index_cast %rem3A_191 : i32 to index
        %parallel_loop3A_675 = arith.index_cast %parallel_loop3A_673 : i32 to index
        %parallel_loop3A_676 = arith.constant 0 : index
        %parallel_loop3A_677 = tpu.vector_load %arg13[%parallel_loop3A_674, %parallel_loop3A_675, %parallel_loop3A_676] {strides = array<i32>} : memref<3x200x128xf32, #tpu.memory_space<vmem>>, vector<16xf32>,
        %parallel_loop3A_678 = arith.constant 6 : i32
        %parallel_loop3A_679 = arith.addi %parallel_loop3A_231, %parallel_loop3A_678 : i32
        %parallel_loop3A_680 = arith.index_cast %rem3A_191 : i32 to index
        %parallel_loop3A_681 = arith.index_cast %parallel_loop3A_679 : i32 to index
        %parallel_loop3A_682 = arith.constant 16 : index
        %parallel_loop3A_683 = tpu.vector_load %arg13[%parallel_loop3A_680, %parallel_loop3A_681, %parallel_loop3A_682] {strides = array<i32>} : memref<3x200x128xf32, #tpu.memory_space<vmem>>, vector<16xf32>,
        %parallel_loop3A_684 = arith.constant 6 : i32
        %parallel_loop3A_685 = arith.addi %parallel_loop3A_231, %parallel_loop3A_684 : i32
        %parallel_loop3A_686 = arith.index_cast %rem3A_191 : i32 to index
        %parallel_loop3A_687 = arith.index_cast %parallel_loop3A_685 : i32 to index
        %parallel_loop3A_688 = arith.constant 32 : index
        %parallel_loop3A_689 = tpu.vector_load %arg13[%parallel_loop3A_686, %parallel_loop3A_687, %parallel_loop3A_688] {strides = array<i32>} : memref<3x200x128xf32, #tpu.memory_space<vmem>>, vector<16xf32>,
        %parallel_loop3A_690 = arith.constant 6 : i32
        %parallel_loop3A_691 = arith.addi %parallel_loop3A_231, %parallel_loop3A_690 : i32
        %parallel_loop3A_692 = arith.index_cast %rem3A_191 : i32 to index
        %parallel_loop3A_693 = arith.index_cast %parallel_loop3A_691 : i32 to index
        %parallel_loop3A_694 = arith.constant 48 : index
        %parallel_loop3A_695 = tpu.vector_load %arg13[%parallel_loop3A_692, %parallel_loop3A_693, %parallel_loop3A_694] {strides = array<i32>} : memref<3x200x128xf32, #tpu.memory_space<vmem>>, vector<16xf32>,
        %parallel_loop3A_696 = arith.constant 6 : i32
        %parallel_loop3A_697 = arith.addi %parallel_loop3A_231, %parallel_loop3A_696 : i32
        %parallel_loop3A_698 = arith.index_cast %rem3A_191 : i32 to index
        %parallel_loop3A_699 = arith.index_cast %parallel_loop3A_697 : i32 to index
        %parallel_loop3A_700 = arith.constant 64 : index
        %parallel_loop3A_701 = tpu.vector_load %arg13[%parallel_loop3A_698, %parallel_loop3A_699, %parallel_loop3A_700] {strides = array<i32>} : memref<3x200x128xf32, #tpu.memory_space<vmem>>, vector<16xf32>,
        %parallel_loop3A_702 = arith.constant 6 : i32
        %parallel_loop3A_703 = arith.addi %parallel_loop3A_231, %parallel_loop3A_702 : i32
        %parallel_loop3A_704 = arith.index_cast %rem3A_191 : i32 to index
        %parallel_loop3A_705 = arith.index_cast %parallel_loop3A_703 : i32 to index
        %parallel_loop3A_706 = arith.constant 80 : index
        %parallel_loop3A_707 = tpu.vector_load %arg13[%parallel_loop3A_704, %parallel_loop3A_705, %parallel_loop3A_706] {strides = array<i32>} : memref<3x200x128xf32, #tpu.memory_space<vmem>>, vector<16xf32>,
        %parallel_loop3A_708 = arith.constant 6 : i32
        %parallel_loop3A_709 = arith.addi %parallel_loop3A_231, %parallel_loop3A_708 : i32
        %parallel_loop3A_710 = arith.index_cast %rem3A_191 : i32 to index
        %parallel_loop3A_711 = arith.index_cast %parallel_loop3A_709 : i32 to index
        %parallel_loop3A_712 = arith.constant 96 : index
        %parallel_loop3A_713 = tpu.vector_load %arg13[%parallel_loop3A_710, %parallel_loop3A_711, %parallel_loop3A_712] {strides = array<i32>} : memref<3x200x128xf32, #tpu.memory_space<vmem>>, vector<16xf32>,
        %parallel_loop3A_714 = arith.constant 6 : i32
        %parallel_loop3A_715 = arith.addi %parallel_loop3A_231, %parallel_loop3A_714 : i32
        %parallel_loop3A_716 = arith.index_cast %rem3A_191 : i32 to index
        %parallel_loop3A_717 = arith.index_cast %parallel_loop3A_715 : i32 to index
        %parallel_loop3A_718 = arith.constant 112 : index
        %parallel_loop3A_719 = tpu.vector_load %arg13[%parallel_loop3A_716, %parallel_loop3A_717, %parallel_loop3A_718] {strides = array<i32>} : memref<3x200x128xf32, #tpu.memory_space<vmem>>, vector<16xf32>,
        %parallel_loop3A_720 = arith.subf %get3A_202, %parallel_loop3A_677 : vector<16xf32>
        %parallel_loop3A_721 = math.absf %parallel_loop3A_720 : vector<16xf32>
        %parallel_loop3A_722 = arith.subf %get3A_205, %parallel_loop3A_683 : vector<16xf32>
        %parallel_loop3A_723 = math.absf %parallel_loop3A_722 : vector<16xf32>
        %parallel_loop3A_724 = arith.subf %get3A_208, %parallel_loop3A_689 : vector<16xf32>
        %parallel_loop3A_725 = math.absf %parallel_loop3A_724 : vector<16xf32>
        %parallel_loop3A_726 = arith.subf %get3A_211, %parallel_loop3A_695 : vector<16xf32>
        %parallel_loop3A_727 = math.absf %parallel_loop3A_726 : vector<16xf32>
        %parallel_loop3A_728 = arith.subf %get3A_214, %parallel_loop3A_701 : vector<16xf32>
        %parallel_loop3A_729 = math.absf %parallel_loop3A_728 : vector<16xf32>
        %parallel_loop3A_730 = arith.subf %get3A_217, %parallel_loop3A_707 : vector<16xf32>
        %parallel_loop3A_731 = math.absf %parallel_loop3A_730 : vector<16xf32>
        %parallel_loop3A_732 = arith.subf %get3A_220, %parallel_loop3A_713 : vector<16xf32>
        %parallel_loop3A_733 = math.absf %parallel_loop3A_732 : vector<16xf32>
        %parallel_loop3A_734 = arith.subf %get3A_223, %parallel_loop3A_719 : vector<16xf32>
        %parallel_loop3A_735 = math.absf %parallel_loop3A_734 : vector<16xf32>
        %parallel_loop3A_736 = arith.addf %parallel_loop3A_721, %parallel_loop3A_723 : vector<16xf32>
        %parallel_loop3A_737 = arith.addf %parallel_loop3A_725, %parallel_loop3A_727 : vector<16xf32>
        %parallel_loop3A_738 = arith.addf %parallel_loop3A_729, %parallel_loop3A_731 : vector<16xf32>
        %parallel_loop3A_739 = arith.addf %parallel_loop3A_733, %parallel_loop3A_735 : vector<16xf32>
        %parallel_loop3A_740 = arith.addf %parallel_loop3A_736, %parallel_loop3A_737 : vector<16xf32>
        %parallel_loop3A_741 = arith.addf %parallel_loop3A_738, %parallel_loop3A_739 : vector<16xf32>
        %parallel_loop3A_742 = arith.addf %parallel_loop3A_740, %parallel_loop3A_741 : vector<16xf32>
        %parallel_loop3A_743 = vector.broadcast %parallel_loop3A_233 : i32 to vector<16xi32>
        %parallel_loop3A_744 = arith.addi %parallel_loop3A_743, %add3A_118 : vector<16xi32>
        tpu.vector_store_idx %arg14[%parallel_loop3A_744], %parallel_loop3A_742 : memref<3328xf32, #tpu.memory_space<vmem>>[vector<16xi32>], vector<16xf32>,
        %parallel_loop3A_745 = arith.constant 7 : i32
        %parallel_loop3A_746 = arith.addi %parallel_loop3A_231, %parallel_loop3A_745 : i32
        %parallel_loop3A_747 = arith.index_cast %rem3A_191 : i32 to index
        %parallel_loop3A_748 = arith.index_cast %parallel_loop3A_746 : i32 to index
        %parallel_loop3A_749 = arith.constant 0 : index
        %parallel_loop3A_750 = tpu.vector_load %arg13[%parallel_loop3A_747, %parallel_loop3A_748, %parallel_loop3A_749] {strides = array<i32>} : memref<3x200x128xf32, #tpu.memory_space<vmem>>, vector<16xf32>,
        %parallel_loop3A_751 = arith.constant 7 : i32
        %parallel_loop3A_752 = arith.addi %parallel_loop3A_231, %parallel_loop3A_751 : i32
        %parallel_loop3A_753 = arith.index_cast %rem3A_191 : i32 to index
        %parallel_loop3A_754 = arith.index_cast %parallel_loop3A_752 : i32 to index
        %parallel_loop3A_755 = arith.constant 16 : index
        %parallel_loop3A_756 = tpu.vector_load %arg13[%parallel_loop3A_753, %parallel_loop3A_754, %parallel_loop3A_755] {strides = array<i32>} : memref<3x200x128xf32, #tpu.memory_space<vmem>>, vector<16xf32>,
        %parallel_loop3A_757 = arith.constant 7 : i32
        %parallel_loop3A_758 = arith.addi %parallel_loop3A_231, %parallel_loop3A_757 : i32
        %parallel_loop3A_759 = arith.index_cast %rem3A_191 : i32 to index
        %parallel_loop3A_760 = arith.index_cast %parallel_loop3A_758 : i32 to index
        %parallel_loop3A_761 = arith.constant 32 : index
        %parallel_loop3A_762 = tpu.vector_load %arg13[%parallel_loop3A_759, %parallel_loop3A_760, %parallel_loop3A_761] {strides = array<i32>} : memref<3x200x128xf32, #tpu.memory_space<vmem>>, vector<16xf32>,
        %parallel_loop3A_763 = arith.constant 7 : i32
        %parallel_loop3A_764 = arith.addi %parallel_loop3A_231, %parallel_loop3A_763 : i32
        %parallel_loop3A_765 = arith.index_cast %rem3A_191 : i32 to index
        %parallel_loop3A_766 = arith.index_cast %parallel_loop3A_764 : i32 to index
        %parallel_loop3A_767 = arith.constant 48 : index
        %parallel_loop3A_768 = tpu.vector_load %arg13[%parallel_loop3A_765, %parallel_loop3A_766, %parallel_loop3A_767] {strides = array<i32>} : memref<3x200x128xf32, #tpu.memory_space<vmem>>, vector<16xf32>,
        %parallel_loop3A_769 = arith.constant 7 : i32
        %parallel_loop3A_770 = arith.addi %parallel_loop3A_231, %parallel_loop3A_769 : i32
        %parallel_loop3A_771 = arith.index_cast %rem3A_191 : i32 to index
        %parallel_loop3A_772 = arith.index_cast %parallel_loop3A_770 : i32 to index
        %parallel_loop3A_773 = arith.constant 64 : index
        %parallel_loop3A_774 = tpu.vector_load %arg13[%parallel_loop3A_771, %parallel_loop3A_772, %parallel_loop3A_773] {strides = array<i32>} : memref<3x200x128xf32, #tpu.memory_space<vmem>>, vector<16xf32>,
        %parallel_loop3A_775 = arith.constant 7 : i32
        %parallel_loop3A_776 = arith.addi %parallel_loop3A_231, %parallel_loop3A_775 : i32
        %parallel_loop3A_777 = arith.index_cast %rem3A_191 : i32 to index
        %parallel_loop3A_778 = arith.index_cast %parallel_loop3A_776 : i32 to index
        %parallel_loop3A_779 = arith.constant 80 : index
        %parallel_loop3A_780 = tpu.vector_load %arg13[%parallel_loop3A_777, %parallel_loop3A_778, %parallel_loop3A_779] {strides = array<i32>} : memref<3x200x128xf32, #tpu.memory_space<vmem>>, vector<16xf32>,
        %parallel_loop3A_781 = arith.constant 7 : i32
        %parallel_loop3A_782 = arith.addi %parallel_loop3A_231, %parallel_loop3A_781 : i32
        %parallel_loop3A_783 = arith.index_cast %rem3A_191 : i32 to index
        %parallel_loop3A_784 = arith.index_cast %parallel_loop3A_782 : i32 to index
        %parallel_loop3A_785 = arith.constant 96 : index
        %parallel_loop3A_786 = tpu.vector_load %arg13[%parallel_loop3A_783, %parallel_loop3A_784, %parallel_loop3A_785] {strides = array<i32>} : memref<3x200x128xf32, #tpu.memory_space<vmem>>, vector<16xf32>,
        %parallel_loop3A_787 = arith.constant 7 : i32
        %parallel_loop3A_788 = arith.addi %parallel_loop3A_231, %parallel_loop3A_787 : i32
        %parallel_loop3A_789 = arith.index_cast %rem3A_191 : i32 to index
        %parallel_loop3A_790 = arith.index_cast %parallel_loop3A_788 : i32 to index
        %parallel_loop3A_791 = arith.constant 112 : index
        %parallel_loop3A_792 = tpu.vector_load %arg13[%parallel_loop3A_789, %parallel_loop3A_790, %parallel_loop3A_791] {strides = array<i32>} : memref<3x200x128xf32, #tpu.memory_space<vmem>>, vector<16xf32>,
        %parallel_loop3A_793 = arith.subf %get3A_202, %parallel_loop3A_750 : vector<16xf32>
        %parallel_loop3A_794 = math.absf %parallel_loop3A_793 : vector<16xf32>
        %parallel_loop3A_795 = arith.subf %get3A_205, %parallel_loop3A_756 : vector<16xf32>
        %parallel_loop3A_796 = math.absf %parallel_loop3A_795 : vector<16xf32>
        %parallel_loop3A_797 = arith.subf %get3A_208, %parallel_loop3A_762 : vector<16xf32>
        %parallel_loop3A_798 = math.absf %parallel_loop3A_797 : vector<16xf32>
        %parallel_loop3A_799 = arith.subf %get3A_211, %parallel_loop3A_768 : vector<16xf32>
        %parallel_loop3A_800 = math.absf %parallel_loop3A_799 : vector<16xf32>
        %parallel_loop3A_801 = arith.subf %get3A_214, %parallel_loop3A_774 : vector<16xf32>
        %parallel_loop3A_802 = math.absf %parallel_loop3A_801 : vector<16xf32>
        %parallel_loop3A_803 = arith.subf %get3A_217, %parallel_loop3A_780 : vector<16xf32>
        %parallel_loop3A_804 = math.absf %parallel_loop3A_803 : vector<16xf32>
        %parallel_loop3A_805 = arith.subf %get3A_220, %parallel_loop3A_786 : vector<16xf32>
        %parallel_loop3A_806 = math.absf %parallel_loop3A_805 : vector<16xf32>
        %parallel_loop3A_807 = arith.subf %get3A_223, %parallel_loop3A_792 : vector<16xf32>
        %parallel_loop3A_808 = math.absf %parallel_loop3A_807 : vector<16xf32>
        %parallel_loop3A_809 = arith.addf %parallel_loop3A_794, %parallel_loop3A_796 : vector<16xf32>
        %parallel_loop3A_810 = arith.addf %parallel_loop3A_798, %parallel_loop3A_800 : vector<16xf32>
        %parallel_loop3A_811 = arith.addf %parallel_loop3A_802, %parallel_loop3A_804 : vector<16xf32>
        %parallel_loop3A_812 = arith.addf %parallel_loop3A_806, %parallel_loop3A_808 : vector<16xf32>
        %parallel_loop3A_813 = arith.addf %parallel_loop3A_809, %parallel_loop3A_810 : vector<16xf32>
        %parallel_loop3A_814 = arith.addf %parallel_loop3A_811, %parallel_loop3A_812 : vector<16xf32>
        %parallel_loop3A_815 = arith.addf %parallel_loop3A_813, %parallel_loop3A_814 : vector<16xf32>
        %parallel_loop3A_816 = vector.broadcast %parallel_loop3A_233 : i32 to vector<16xi32>
        %parallel_loop3A_817 = arith.addi %parallel_loop3A_816, %add3A_125 : vector<16xi32>
        tpu.vector_store_idx %arg14[%parallel_loop3A_817], %parallel_loop3A_815 : memref<3328xf32, #tpu.memory_space<vmem>>[vector<16xi32>], vector<16xf32>,
        %parallel_loop3A_818 = arith.constant 8 : i32
        %parallel_loop3A_819 = arith.addi %parallel_loop3A_231, %parallel_loop3A_818 : i32
        %parallel_loop3A_820 = arith.index_cast %rem3A_191 : i32 to index
        %parallel_loop3A_821 = arith.index_cast %parallel_loop3A_819 : i32 to index
        %parallel_loop3A_822 = arith.constant 0 : index
        %parallel_loop3A_823 = tpu.vector_load %arg13[%parallel_loop3A_820, %parallel_loop3A_821, %parallel_loop3A_822] {strides = array<i32>} : memref<3x200x128xf32, #tpu.memory_space<vmem>>, vector<16xf32>,
        %parallel_loop3A_824 = arith.constant 8 : i32
        %parallel_loop3A_825 = arith.addi %parallel_loop3A_231, %parallel_loop3A_824 : i32
        %parallel_loop3A_826 = arith.index_cast %rem3A_191 : i32 to index
        %parallel_loop3A_827 = arith.index_cast %parallel_loop3A_825 : i32 to index
        %parallel_loop3A_828 = arith.constant 16 : index
        %parallel_loop3A_829 = tpu.vector_load %arg13[%parallel_loop3A_826, %parallel_loop3A_827, %parallel_loop3A_828] {strides = array<i32>} : memref<3x200x128xf32, #tpu.memory_space<vmem>>, vector<16xf32>,
        %parallel_loop3A_830 = arith.constant 8 : i32
        %parallel_loop3A_831 = arith.addi %parallel_loop3A_231, %parallel_loop3A_830 : i32
        %parallel_loop3A_832 = arith.index_cast %rem3A_191 : i32 to index
        %parallel_loop3A_833 = arith.index_cast %parallel_loop3A_831 : i32 to index
        %parallel_loop3A_834 = arith.constant 32 : index
        %parallel_loop3A_835 = tpu.vector_load %arg13[%parallel_loop3A_832, %parallel_loop3A_833, %parallel_loop3A_834] {strides = array<i32>} : memref<3x200x128xf32, #tpu.memory_space<vmem>>, vector<16xf32>,
        %parallel_loop3A_836 = arith.constant 8 : i32
        %parallel_loop3A_837 = arith.addi %parallel_loop3A_231, %parallel_loop3A_836 : i32
        %parallel_loop3A_838 = arith.index_cast %rem3A_191 : i32 to index
        %parallel_loop3A_839 = arith.index_cast %parallel_loop3A_837 : i32 to index
        %parallel_loop3A_840 = arith.constant 48 : index
        %parallel_loop3A_841 = tpu.vector_load %arg13[%parallel_loop3A_838, %parallel_loop3A_839, %parallel_loop3A_840] {strides = array<i32>} : memref<3x200x128xf32, #tpu.memory_space<vmem>>, vector<16xf32>,
        %parallel_loop3A_842 = arith.constant 8 : i32
        %parallel_loop3A_843 = arith.addi %parallel_loop3A_231, %parallel_loop3A_842 : i32
        %parallel_loop3A_844 = arith.index_cast %rem3A_191 : i32 to index
        %parallel_loop3A_845 = arith.index_cast %parallel_loop3A_843 : i32 to index
        %parallel_loop3A_846 = arith.constant 64 : index
        %parallel_loop3A_847 = tpu.vector_load %arg13[%parallel_loop3A_844, %parallel_loop3A_845, %parallel_loop3A_846] {strides = array<i32>} : memref<3x200x128xf32, #tpu.memory_space<vmem>>, vector<16xf32>,
        %parallel_loop3A_848 = arith.constant 8 : i32
        %parallel_loop3A_849 = arith.addi %parallel_loop3A_231, %parallel_loop3A_848 : i32
        %parallel_loop3A_850 = arith.index_cast %rem3A_191 : i32 to index
        %parallel_loop3A_851 = arith.index_cast %parallel_loop3A_849 : i32 to index
        %parallel_loop3A_852 = arith.constant 80 : index
        %parallel_loop3A_853 = tpu.vector_load %arg13[%parallel_loop3A_850, %parallel_loop3A_851, %parallel_loop3A_852] {strides = array<i32>} : memref<3x200x128xf32, #tpu.memory_space<vmem>>, vector<16xf32>,
        %parallel_loop3A_854 = arith.constant 8 : i32
        %parallel_loop3A_855 = arith.addi %parallel_loop3A_231, %parallel_loop3A_854 : i32
        %parallel_loop3A_856 = arith.index_cast %rem3A_191 : i32 to index
        %parallel_loop3A_857 = arith.index_cast %parallel_loop3A_855 : i32 to index
        %parallel_loop3A_858 = arith.constant 96 : index
        %parallel_loop3A_859 = tpu.vector_load %arg13[%parallel_loop3A_856, %parallel_loop3A_857, %parallel_loop3A_858] {strides = array<i32>} : memref<3x200x128xf32, #tpu.memory_space<vmem>>, vector<16xf32>,
        %parallel_loop3A_860 = arith.constant 8 : i32
        %parallel_loop3A_861 = arith.addi %parallel_loop3A_231, %parallel_loop3A_860 : i32
        %parallel_loop3A_862 = arith.index_cast %rem3A_191 : i32 to index
        %parallel_loop3A_863 = arith.index_cast %parallel_loop3A_861 : i32 to index
        %parallel_loop3A_864 = arith.constant 112 : index
        %parallel_loop3A_865 = tpu.vector_load %arg13[%parallel_loop3A_862, %parallel_loop3A_863, %parallel_loop3A_864] {strides = array<i32>} : memref<3x200x128xf32, #tpu.memory_space<vmem>>, vector<16xf32>,
        %parallel_loop3A_866 = arith.subf %get3A_202, %parallel_loop3A_823 : vector<16xf32>
        %parallel_loop3A_867 = math.absf %parallel_loop3A_866 : vector<16xf32>
        %parallel_loop3A_868 = arith.subf %get3A_205, %parallel_loop3A_829 : vector<16xf32>
        %parallel_loop3A_869 = math.absf %parallel_loop3A_868 : vector<16xf32>
        %parallel_loop3A_870 = arith.subf %get3A_208, %parallel_loop3A_835 : vector<16xf32>
        %parallel_loop3A_871 = math.absf %parallel_loop3A_870 : vector<16xf32>
        %parallel_loop3A_872 = arith.subf %get3A_211, %parallel_loop3A_841 : vector<16xf32>
        %parallel_loop3A_873 = math.absf %parallel_loop3A_872 : vector<16xf32>
        %parallel_loop3A_874 = arith.subf %get3A_214, %parallel_loop3A_847 : vector<16xf32>
        %parallel_loop3A_875 = math.absf %parallel_loop3A_874 : vector<16xf32>
        %parallel_loop3A_876 = arith.subf %get3A_217, %parallel_loop3A_853 : vector<16xf32>
        %parallel_loop3A_877 = math.absf %parallel_loop3A_876 : vector<16xf32>
        %parallel_loop3A_878 = arith.subf %get3A_220, %parallel_loop3A_859 : vector<16xf32>
        %parallel_loop3A_879 = math.absf %parallel_loop3A_878 : vector<16xf32>
        %parallel_loop3A_880 = arith.subf %get3A_223, %parallel_loop3A_865 : vector<16xf32>
        %parallel_loop3A_881 = math.absf %parallel_loop3A_880 : vector<16xf32>
        %parallel_loop3A_882 = arith.addf %parallel_loop3A_867, %parallel_loop3A_869 : vector<16xf32>
        %parallel_loop3A_883 = arith.addf %parallel_loop3A_871, %parallel_loop3A_873 : vector<16xf32>
        %parallel_loop3A_884 = arith.addf %parallel_loop3A_875, %parallel_loop3A_877 : vector<16xf32>
        %parallel_loop3A_885 = arith.addf %parallel_loop3A_879, %parallel_loop3A_881 : vector<16xf32>
        %parallel_loop3A_886 = arith.addf %parallel_loop3A_882, %parallel_loop3A_883 : vector<16xf32>
        %parallel_loop3A_887 = arith.addf %parallel_loop3A_884, %parallel_loop3A_885 : vector<16xf32>
        %parallel_loop3A_888 = arith.addf %parallel_loop3A_886, %parallel_loop3A_887 : vector<16xf32>
        %parallel_loop3A_889 = vector.broadcast %parallel_loop3A_233 : i32 to vector<16xi32>
        %parallel_loop3A_890 = arith.addi %parallel_loop3A_889, %add3A_132 : vector<16xi32>
        tpu.vector_store_idx %arg14[%parallel_loop3A_890], %parallel_loop3A_888 : memref<3328xf32, #tpu.memory_space<vmem>>[vector<16xi32>], vector<16xf32>,
        %parallel_loop3A_891 = arith.constant 9 : i32
        %parallel_loop3A_892 = arith.addi %parallel_loop3A_231, %parallel_loop3A_891 : i32
        %parallel_loop3A_893 = arith.index_cast %rem3A_191 : i32 to index
        %parallel_loop3A_894 = arith.index_cast %parallel_loop3A_892 : i32 to index
        %parallel_loop3A_895 = arith.constant 0 : index
        %parallel_loop3A_896 = tpu.vector_load %arg13[%parallel_loop3A_893, %parallel_loop3A_894, %parallel_loop3A_895] {strides = array<i32>} : memref<3x200x128xf32, #tpu.memory_space<vmem>>, vector<16xf32>,
        %parallel_loop3A_897 = arith.constant 9 : i32
        %parallel_loop3A_898 = arith.addi %parallel_loop3A_231, %parallel_loop3A_897 : i32
        %parallel_loop3A_899 = arith.index_cast %rem3A_191 : i32 to index
        %parallel_loop3A_900 = arith.index_cast %parallel_loop3A_898 : i32 to index
        %parallel_loop3A_901 = arith.constant 16 : index
        %parallel_loop3A_902 = tpu.vector_load %arg13[%parallel_loop3A_899, %parallel_loop3A_900, %parallel_loop3A_901] {strides = array<i32>} : memref<3x200x128xf32, #tpu.memory_space<vmem>>, vector<16xf32>,
        %parallel_loop3A_903 = arith.constant 9 : i32
        %parallel_loop3A_904 = arith.addi %parallel_loop3A_231, %parallel_loop3A_903 : i32
        %parallel_loop3A_905 = arith.index_cast %rem3A_191 : i32 to index
        %parallel_loop3A_906 = arith.index_cast %parallel_loop3A_904 : i32 to index
        %parallel_loop3A_907 = arith.constant 32 : index
        %parallel_loop3A_908 = tpu.vector_load %arg13[%parallel_loop3A_905, %parallel_loop3A_906, %parallel_loop3A_907] {strides = array<i32>} : memref<3x200x128xf32, #tpu.memory_space<vmem>>, vector<16xf32>,
        %parallel_loop3A_909 = arith.constant 9 : i32
        %parallel_loop3A_910 = arith.addi %parallel_loop3A_231, %parallel_loop3A_909 : i32
        %parallel_loop3A_911 = arith.index_cast %rem3A_191 : i32 to index
        %parallel_loop3A_912 = arith.index_cast %parallel_loop3A_910 : i32 to index
        %parallel_loop3A_913 = arith.constant 48 : index
        %parallel_loop3A_914 = tpu.vector_load %arg13[%parallel_loop3A_911, %parallel_loop3A_912, %parallel_loop3A_913] {strides = array<i32>} : memref<3x200x128xf32, #tpu.memory_space<vmem>>, vector<16xf32>,
        %parallel_loop3A_915 = arith.constant 9 : i32
        %parallel_loop3A_916 = arith.addi %parallel_loop3A_231, %parallel_loop3A_915 : i32
        %parallel_loop3A_917 = arith.index_cast %rem3A_191 : i32 to index
        %parallel_loop3A_918 = arith.index_cast %parallel_loop3A_916 : i32 to index
        %parallel_loop3A_919 = arith.constant 64 : index
        %parallel_loop3A_920 = tpu.vector_load %arg13[%parallel_loop3A_917, %parallel_loop3A_918, %parallel_loop3A_919] {strides = array<i32>} : memref<3x200x128xf32, #tpu.memory_space<vmem>>, vector<16xf32>,
        %parallel_loop3A_921 = arith.constant 9 : i32
        %parallel_loop3A_922 = arith.addi %parallel_loop3A_231, %parallel_loop3A_921 : i32
        %parallel_loop3A_923 = arith.index_cast %rem3A_191 : i32 to index
        %parallel_loop3A_924 = arith.index_cast %parallel_loop3A_922 : i32 to index
        %parallel_loop3A_925 = arith.constant 80 : index
        %parallel_loop3A_926 = tpu.vector_load %arg13[%parallel_loop3A_923, %parallel_loop3A_924, %parallel_loop3A_925] {strides = array<i32>} : memref<3x200x128xf32, #tpu.memory_space<vmem>>, vector<16xf32>,
        %parallel_loop3A_927 = arith.constant 9 : i32
        %parallel_loop3A_928 = arith.addi %parallel_loop3A_231, %parallel_loop3A_927 : i32
        %parallel_loop3A_929 = arith.index_cast %rem3A_191 : i32 to index
        %parallel_loop3A_930 = arith.index_cast %parallel_loop3A_928 : i32 to index
        %parallel_loop3A_931 = arith.constant 96 : index
        %parallel_loop3A_932 = tpu.vector_load %arg13[%parallel_loop3A_929, %parallel_loop3A_930, %parallel_loop3A_931] {strides = array<i32>} : memref<3x200x128xf32, #tpu.memory_space<vmem>>, vector<16xf32>,
        %parallel_loop3A_933 = arith.constant 9 : i32
        %parallel_loop3A_934 = arith.addi %parallel_loop3A_231, %parallel_loop3A_933 : i32
        %parallel_loop3A_935 = arith.index_cast %rem3A_191 : i32 to index
        %parallel_loop3A_936 = arith.index_cast %parallel_loop3A_934 : i32 to index
        %parallel_loop3A_937 = arith.constant 112 : index
        %parallel_loop3A_938 = tpu.vector_load %arg13[%parallel_loop3A_935, %parallel_loop3A_936, %parallel_loop3A_937] {strides = array<i32>} : memref<3x200x128xf32, #tpu.memory_space<vmem>>, vector<16xf32>,
        %parallel_loop3A_939 = arith.subf %get3A_202, %parallel_loop3A_896 : vector<16xf32>
        %parallel_loop3A_940 = math.absf %parallel_loop3A_939 : vector<16xf32>
        %parallel_loop3A_941 = arith.subf %get3A_205, %parallel_loop3A_902 : vector<16xf32>
        %parallel_loop3A_942 = math.absf %parallel_loop3A_941 : vector<16xf32>
        %parallel_loop3A_943 = arith.subf %get3A_208, %parallel_loop3A_908 : vector<16xf32>
        %parallel_loop3A_944 = math.absf %parallel_loop3A_943 : vector<16xf32>
        %parallel_loop3A_945 = arith.subf %get3A_211, %parallel_loop3A_914 : vector<16xf32>
        %parallel_loop3A_946 = math.absf %parallel_loop3A_945 : vector<16xf32>
        %parallel_loop3A_947 = arith.subf %get3A_214, %parallel_loop3A_920 : vector<16xf32>
        %parallel_loop3A_948 = math.absf %parallel_loop3A_947 : vector<16xf32>
        %parallel_loop3A_949 = arith.subf %get3A_217, %parallel_loop3A_926 : vector<16xf32>
        %parallel_loop3A_950 = math.absf %parallel_loop3A_949 : vector<16xf32>
        %parallel_loop3A_951 = arith.subf %get3A_220, %parallel_loop3A_932 : vector<16xf32>
        %parallel_loop3A_952 = math.absf %parallel_loop3A_951 : vector<16xf32>
        %parallel_loop3A_953 = arith.subf %get3A_223, %parallel_loop3A_938 : vector<16xf32>
        %parallel_loop3A_954 = math.absf %parallel_loop3A_953 : vector<16xf32>
        %parallel_loop3A_955 = arith.addf %parallel_loop3A_940, %parallel_loop3A_942 : vector<16xf32>
        %parallel_loop3A_956 = arith.addf %parallel_loop3A_944, %parallel_loop3A_946 : vector<16xf32>
        %parallel_loop3A_957 = arith.addf %parallel_loop3A_948, %parallel_loop3A_950 : vector<16xf32>
        %parallel_loop3A_958 = arith.addf %parallel_loop3A_952, %parallel_loop3A_954 : vector<16xf32>
        %parallel_loop3A_959 = arith.addf %parallel_loop3A_955, %parallel_loop3A_956 : vector<16xf32>
        %parallel_loop3A_960 = arith.addf %parallel_loop3A_957, %parallel_loop3A_958 : vector<16xf32>
        %parallel_loop3A_961 = arith.addf %parallel_loop3A_959, %parallel_loop3A_960 : vector<16xf32>
        %parallel_loop3A_962 = vector.broadcast %parallel_loop3A_233 : i32 to vector<16xi32>
        %parallel_loop3A_963 = arith.addi %parallel_loop3A_962, %add3A_139 : vector<16xi32>
        tpu.vector_store_idx %arg14[%parallel_loop3A_963], %parallel_loop3A_961 : memref<3328xf32, #tpu.memory_space<vmem>>[vector<16xi32>], vector<16xf32>,
        %parallel_loop3A_964 = arith.constant 10 : i32
        %parallel_loop3A_965 = arith.addi %parallel_loop3A_231, %parallel_loop3A_964 : i32
        %parallel_loop3A_966 = arith.index_cast %rem3A_191 : i32 to index
        %parallel_loop3A_967 = arith.index_cast %parallel_loop3A_965 : i32 to index
        %parallel_loop3A_968 = arith.constant 0 : index
        %parallel_loop3A_969 = tpu.vector_load %arg13[%parallel_loop3A_966, %parallel_loop3A_967, %parallel_loop3A_968] {strides = array<i32>} : memref<3x200x128xf32, #tpu.memory_space<vmem>>, vector<16xf32>,
        %parallel_loop3A_970 = arith.constant 10 : i32
        %parallel_loop3A_971 = arith.addi %parallel_loop3A_231, %parallel_loop3A_970 : i32
        %parallel_loop3A_972 = arith.index_cast %rem3A_191 : i32 to index
        %parallel_loop3A_973 = arith.index_cast %parallel_loop3A_971 : i32 to index
        %parallel_loop3A_974 = arith.constant 16 : index
        %parallel_loop3A_975 = tpu.vector_load %arg13[%parallel_loop3A_972, %parallel_loop3A_973, %parallel_loop3A_974] {strides = array<i32>} : memref<3x200x128xf32, #tpu.memory_space<vmem>>, vector<16xf32>,
        %parallel_loop3A_976 = arith.constant 10 : i32
        %parallel_loop3A_977 = arith.addi %parallel_loop3A_231, %parallel_loop3A_976 : i32
        %parallel_loop3A_978 = arith.index_cast %rem3A_191 : i32 to index
        %parallel_loop3A_979 = arith.index_cast %parallel_loop3A_977 : i32 to index
        %parallel_loop3A_980 = arith.constant 32 : index
        %parallel_loop3A_981 = tpu.vector_load %arg13[%parallel_loop3A_978, %parallel_loop3A_979, %parallel_loop3A_980] {strides = array<i32>} : memref<3x200x128xf32, #tpu.memory_space<vmem>>, vector<16xf32>,
        %parallel_loop3A_982 = arith.constant 10 : i32
        %parallel_loop3A_983 = arith.addi %parallel_loop3A_231, %parallel_loop3A_982 : i32
        %parallel_loop3A_984 = arith.index_cast %rem3A_191 : i32 to index
        %parallel_loop3A_985 = arith.index_cast %parallel_loop3A_983 : i32 to index
        %parallel_loop3A_986 = arith.constant 48 : index
        %parallel_loop3A_987 = tpu.vector_load %arg13[%parallel_loop3A_984, %parallel_loop3A_985, %parallel_loop3A_986] {strides = array<i32>} : memref<3x200x128xf32, #tpu.memory_space<vmem>>, vector<16xf32>,
        %parallel_loop3A_988 = arith.constant 10 : i32
        %parallel_loop3A_989 = arith.addi %parallel_loop3A_231, %parallel_loop3A_988 : i32
        %parallel_loop3A_990 = arith.index_cast %rem3A_191 : i32 to index
        %parallel_loop3A_991 = arith.index_cast %parallel_loop3A_989 : i32 to index
        %parallel_loop3A_992 = arith.constant 64 : index
        %parallel_loop3A_993 = tpu.vector_load %arg13[%parallel_loop3A_990, %parallel_loop3A_991, %parallel_loop3A_992] {strides = array<i32>} : memref<3x200x128xf32, #tpu.memory_space<vmem>>, vector<16xf32>,
        %parallel_loop3A_994 = arith.constant 10 : i32
        %parallel_loop3A_995 = arith.addi %parallel_loop3A_231, %parallel_loop3A_994 : i32
        %parallel_loop3A_996 = arith.index_cast %rem3A_191 : i32 to index
        %parallel_loop3A_997 = arith.index_cast %parallel_loop3A_995 : i32 to index
        %parallel_loop3A_998 = arith.constant 80 : index
        %parallel_loop3A_999 = tpu.vector_load %arg13[%parallel_loop3A_996, %parallel_loop3A_997, %parallel_loop3A_998] {strides = array<i32>} : memref<3x200x128xf32, #tpu.memory_space<vmem>>, vector<16xf32>,
        %parallel_loop3A_1000 = arith.constant 10 : i32
        %parallel_loop3A_1001 = arith.addi %parallel_loop3A_231, %parallel_loop3A_1000 : i32
        %parallel_loop3A_1002 = arith.index_cast %rem3A_191 : i32 to index
        %parallel_loop3A_1003 = arith.index_cast %parallel_loop3A_1001 : i32 to index
        %parallel_loop3A_1004 = arith.constant 96 : index
        %parallel_loop3A_1005 = tpu.vector_load %arg13[%parallel_loop3A_1002, %parallel_loop3A_1003, %parallel_loop3A_1004] {strides = array<i32>} : memref<3x200x128xf32, #tpu.memory_space<vmem>>, vector<16xf32>,
        %parallel_loop3A_1006 = arith.constant 10 : i32
        %parallel_loop3A_1007 = arith.addi %parallel_loop3A_231, %parallel_loop3A_1006 : i32
        %parallel_loop3A_1008 = arith.index_cast %rem3A_191 : i32 to index
        %parallel_loop3A_1009 = arith.index_cast %parallel_loop3A_1007 : i32 to index
        %parallel_loop3A_1010 = arith.constant 112 : index
        %parallel_loop3A_1011 = tpu.vector_load %arg13[%parallel_loop3A_1008, %parallel_loop3A_1009, %parallel_loop3A_1010] {strides = array<i32>} : memref<3x200x128xf32, #tpu.memory_space<vmem>>, vector<16xf32>,
        %parallel_loop3A_1012 = arith.subf %get3A_202, %parallel_loop3A_969 : vector<16xf32>
        %parallel_loop3A_1013 = math.absf %parallel_loop3A_1012 : vector<16xf32>
        %parallel_loop3A_1014 = arith.subf %get3A_205, %parallel_loop3A_975 : vector<16xf32>
        %parallel_loop3A_1015 = math.absf %parallel_loop3A_1014 : vector<16xf32>
        %parallel_loop3A_1016 = arith.subf %get3A_208, %parallel_loop3A_981 : vector<16xf32>
        %parallel_loop3A_1017 = math.absf %parallel_loop3A_1016 : vector<16xf32>
        %parallel_loop3A_1018 = arith.subf %get3A_211, %parallel_loop3A_987 : vector<16xf32>
        %parallel_loop3A_1019 = math.absf %parallel_loop3A_1018 : vector<16xf32>
        %parallel_loop3A_1020 = arith.subf %get3A_214, %parallel_loop3A_993 : vector<16xf32>
        %parallel_loop3A_1021 = math.absf %parallel_loop3A_1020 : vector<16xf32>
        %parallel_loop3A_1022 = arith.subf %get3A_217, %parallel_loop3A_999 : vector<16xf32>
        %parallel_loop3A_1023 = math.absf %parallel_loop3A_1022 : vector<16xf32>
        %parallel_loop3A_1024 = arith.subf %get3A_220, %parallel_loop3A_1005 : vector<16xf32>
        %parallel_loop3A_1025 = math.absf %parallel_loop3A_1024 : vector<16xf32>
        %parallel_loop3A_1026 = arith.subf %get3A_223, %parallel_loop3A_1011 : vector<16xf32>
        %parallel_loop3A_1027 = math.absf %parallel_loop3A_1026 : vector<16xf32>
        %parallel_loop3A_1028 = arith.addf %parallel_loop3A_1013, %parallel_loop3A_1015 : vector<16xf32>
        %parallel_loop3A_1029 = arith.addf %parallel_loop3A_1017, %parallel_loop3A_1019 : vector<16xf32>
        %parallel_loop3A_1030 = arith.addf %parallel_loop3A_1021, %parallel_loop3A_1023 : vector<16xf32>
        %parallel_loop3A_1031 = arith.addf %parallel_loop3A_1025, %parallel_loop3A_1027 : vector<16xf32>
        %parallel_loop3A_1032 = arith.addf %parallel_loop3A_1028, %parallel_loop3A_1029 : vector<16xf32>
        %parallel_loop3A_1033 = arith.addf %parallel_loop3A_1030, %parallel_loop3A_1031 : vector<16xf32>
        %parallel_loop3A_1034 = arith.addf %parallel_loop3A_1032, %parallel_loop3A_1033 : vector<16xf32>
        %parallel_loop3A_1035 = vector.broadcast %parallel_loop3A_233 : i32 to vector<16xi32>
        %parallel_loop3A_1036 = arith.addi %parallel_loop3A_1035, %add3A_146 : vector<16xi32>
        tpu.vector_store_idx %arg14[%parallel_loop3A_1036], %parallel_loop3A_1034 : memref<3328xf32, #tpu.memory_space<vmem>>[vector<16xi32>], vector<16xf32>,
        %parallel_loop3A_1037 = arith.constant 11 : i32
        %parallel_loop3A_1038 = arith.addi %parallel_loop3A_231, %parallel_loop3A_1037 : i32
        %parallel_loop3A_1039 = arith.index_cast %rem3A_191 : i32 to index
        %parallel_loop3A_1040 = arith.index_cast %parallel_loop3A_1038 : i32 to index
        %parallel_loop3A_1041 = arith.constant 0 : index
        %parallel_loop3A_1042 = tpu.vector_load %arg13[%parallel_loop3A_1039, %parallel_loop3A_1040, %parallel_loop3A_1041] {strides = array<i32>} : memref<3x200x128xf32, #tpu.memory_space<vmem>>, vector<16xf32>,
        %parallel_loop3A_1043 = arith.constant 11 : i32
        %parallel_loop3A_1044 = arith.addi %parallel_loop3A_231, %parallel_loop3A_1043 : i32
        %parallel_loop3A_1045 = arith.index_cast %rem3A_191 : i32 to index
        %parallel_loop3A_1046 = arith.index_cast %parallel_loop3A_1044 : i32 to index
        %parallel_loop3A_1047 = arith.constant 16 : index
        %parallel_loop3A_1048 = tpu.vector_load %arg13[%parallel_loop3A_1045, %parallel_loop3A_1046, %parallel_loop3A_1047] {strides = array<i32>} : memref<3x200x128xf32, #tpu.memory_space<vmem>>, vector<16xf32>,
        %parallel_loop3A_1049 = arith.constant 11 : i32
        %parallel_loop3A_1050 = arith.addi %parallel_loop3A_231, %parallel_loop3A_1049 : i32
        %parallel_loop3A_1051 = arith.index_cast %rem3A_191 : i32 to index
        %parallel_loop3A_1052 = arith.index_cast %parallel_loop3A_1050 : i32 to index
        %parallel_loop3A_1053 = arith.constant 32 : index
        %parallel_loop3A_1054 = tpu.vector_load %arg13[%parallel_loop3A_1051, %parallel_loop3A_1052, %parallel_loop3A_1053] {strides = array<i32>} : memref<3x200x128xf32, #tpu.memory_space<vmem>>, vector<16xf32>,
        %parallel_loop3A_1055 = arith.constant 11 : i32
        %parallel_loop3A_1056 = arith.addi %parallel_loop3A_231, %parallel_loop3A_1055 : i32
        %parallel_loop3A_1057 = arith.index_cast %rem3A_191 : i32 to index
        %parallel_loop3A_1058 = arith.index_cast %parallel_loop3A_1056 : i32 to index
        %parallel_loop3A_1059 = arith.constant 48 : index
        %parallel_loop3A_1060 = tpu.vector_load %arg13[%parallel_loop3A_1057, %parallel_loop3A_1058, %parallel_loop3A_1059] {strides = array<i32>} : memref<3x200x128xf32, #tpu.memory_space<vmem>>, vector<16xf32>,
        %parallel_loop3A_1061 = arith.constant 11 : i32
        %parallel_loop3A_1062 = arith.addi %parallel_loop3A_231, %parallel_loop3A_1061 : i32
        %parallel_loop3A_1063 = arith.index_cast %rem3A_191 : i32 to index
        %parallel_loop3A_1064 = arith.index_cast %parallel_loop3A_1062 : i32 to index
        %parallel_loop3A_1065 = arith.constant 64 : index
        %parallel_loop3A_1066 = tpu.vector_load %arg13[%parallel_loop3A_1063, %parallel_loop3A_1064, %parallel_loop3A_1065] {strides = array<i32>} : memref<3x200x128xf32, #tpu.memory_space<vmem>>, vector<16xf32>,
        %parallel_loop3A_1067 = arith.constant 11 : i32
        %parallel_loop3A_1068 = arith.addi %parallel_loop3A_231, %parallel_loop3A_1067 : i32
        %parallel_loop3A_1069 = arith.index_cast %rem3A_191 : i32 to index
        %parallel_loop3A_1070 = arith.index_cast %parallel_loop3A_1068 : i32 to index
        %parallel_loop3A_1071 = arith.constant 80 : index
        %parallel_loop3A_1072 = tpu.vector_load %arg13[%parallel_loop3A_1069, %parallel_loop3A_1070, %parallel_loop3A_1071] {strides = array<i32>} : memref<3x200x128xf32, #tpu.memory_space<vmem>>, vector<16xf32>,
        %parallel_loop3A_1073 = arith.constant 11 : i32
        %parallel_loop3A_1074 = arith.addi %parallel_loop3A_231, %parallel_loop3A_1073 : i32
        %parallel_loop3A_1075 = arith.index_cast %rem3A_191 : i32 to index
        %parallel_loop3A_1076 = arith.index_cast %parallel_loop3A_1074 : i32 to index
        %parallel_loop3A_1077 = arith.constant 96 : index
        %parallel_loop3A_1078 = tpu.vector_load %arg13[%parallel_loop3A_1075, %parallel_loop3A_1076, %parallel_loop3A_1077] {strides = array<i32>} : memref<3x200x128xf32, #tpu.memory_space<vmem>>, vector<16xf32>,
        %parallel_loop3A_1079 = arith.constant 11 : i32
        %parallel_loop3A_1080 = arith.addi %parallel_loop3A_231, %parallel_loop3A_1079 : i32
        %parallel_loop3A_1081 = arith.index_cast %rem3A_191 : i32 to index
        %parallel_loop3A_1082 = arith.index_cast %parallel_loop3A_1080 : i32 to index
        %parallel_loop3A_1083 = arith.constant 112 : index
        %parallel_loop3A_1084 = tpu.vector_load %arg13[%parallel_loop3A_1081, %parallel_loop3A_1082, %parallel_loop3A_1083] {strides = array<i32>} : memref<3x200x128xf32, #tpu.memory_space<vmem>>, vector<16xf32>,
        %parallel_loop3A_1085 = arith.subf %get3A_202, %parallel_loop3A_1042 : vector<16xf32>
        %parallel_loop3A_1086 = math.absf %parallel_loop3A_1085 : vector<16xf32>
        %parallel_loop3A_1087 = arith.subf %get3A_205, %parallel_loop3A_1048 : vector<16xf32>
        %parallel_loop3A_1088 = math.absf %parallel_loop3A_1087 : vector<16xf32>
        %parallel_loop3A_1089 = arith.subf %get3A_208, %parallel_loop3A_1054 : vector<16xf32>
        %parallel_loop3A_1090 = math.absf %parallel_loop3A_1089 : vector<16xf32>
        %parallel_loop3A_1091 = arith.subf %get3A_211, %parallel_loop3A_1060 : vector<16xf32>
        %parallel_loop3A_1092 = math.absf %parallel_loop3A_1091 : vector<16xf32>
        %parallel_loop3A_1093 = arith.subf %get3A_214, %parallel_loop3A_1066 : vector<16xf32>
        %parallel_loop3A_1094 = math.absf %parallel_loop3A_1093 : vector<16xf32>
        %parallel_loop3A_1095 = arith.subf %get3A_217, %parallel_loop3A_1072 : vector<16xf32>
        %parallel_loop3A_1096 = math.absf %parallel_loop3A_1095 : vector<16xf32>
        %parallel_loop3A_1097 = arith.subf %get3A_220, %parallel_loop3A_1078 : vector<16xf32>
        %parallel_loop3A_1098 = math.absf %parallel_loop3A_1097 : vector<16xf32>
        %parallel_loop3A_1099 = arith.subf %get3A_223, %parallel_loop3A_1084 : vector<16xf32>
        %parallel_loop3A_1100 = math.absf %parallel_loop3A_1099 : vector<16xf32>
        %parallel_loop3A_1101 = arith.addf %parallel_loop3A_1086, %parallel_loop3A_1088 : vector<16xf32>
        %parallel_loop3A_1102 = arith.addf %parallel_loop3A_1090, %parallel_loop3A_1092 : vector<16xf32>
        %parallel_loop3A_1103 = arith.addf %parallel_loop3A_1094, %parallel_loop3A_1096 : vector<16xf32>
        %parallel_loop3A_1104 = arith.addf %parallel_loop3A_1098, %parallel_loop3A_1100 : vector<16xf32>
        %parallel_loop3A_1105 = arith.addf %parallel_loop3A_1101, %parallel_loop3A_1102 : vector<16xf32>
        %parallel_loop3A_1106 = arith.addf %parallel_loop3A_1103, %parallel_loop3A_1104 : vector<16xf32>
        %parallel_loop3A_1107 = arith.addf %parallel_loop3A_1105, %parallel_loop3A_1106 : vector<16xf32>
        %parallel_loop3A_1108 = vector.broadcast %parallel_loop3A_233 : i32 to vector<16xi32>
        %parallel_loop3A_1109 = arith.addi %parallel_loop3A_1108, %add3A_153 : vector<16xi32>
        tpu.vector_store_idx %arg14[%parallel_loop3A_1109], %parallel_loop3A_1107 : memref<3328xf32, #tpu.memory_space<vmem>>[vector<16xi32>], vector<16xf32>,
        %parallel_loop3A_1110 = arith.constant 12 : i32
        %parallel_loop3A_1111 = arith.addi %parallel_loop3A_231, %parallel_loop3A_1110 : i32
        %parallel_loop3A_1112 = arith.index_cast %rem3A_191 : i32 to index
        %parallel_loop3A_1113 = arith.index_cast %parallel_loop3A_1111 : i32 to index
        %parallel_loop3A_1114 = arith.constant 0 : index
        %parallel_loop3A_1115 = tpu.vector_load %arg13[%parallel_loop3A_1112, %parallel_loop3A_1113, %parallel_loop3A_1114] {strides = array<i32>} : memref<3x200x128xf32, #tpu.memory_space<vmem>>, vector<16xf32>,
        %parallel_loop3A_1116 = arith.constant 12 : i32
        %parallel_loop3A_1117 = arith.addi %parallel_loop3A_231, %parallel_loop3A_1116 : i32
        %parallel_loop3A_1118 = arith.index_cast %rem3A_191 : i32 to index
        %parallel_loop3A_1119 = arith.index_cast %parallel_loop3A_1117 : i32 to index
        %parallel_loop3A_1120 = arith.constant 16 : index
        %parallel_loop3A_1121 = tpu.vector_load %arg13[%parallel_loop3A_1118, %parallel_loop3A_1119, %parallel_loop3A_1120] {strides = array<i32>} : memref<3x200x128xf32, #tpu.memory_space<vmem>>, vector<16xf32>,
        %parallel_loop3A_1122 = arith.constant 12 : i32
        %parallel_loop3A_1123 = arith.addi %parallel_loop3A_231, %parallel_loop3A_1122 : i32
        %parallel_loop3A_1124 = arith.index_cast %rem3A_191 : i32 to index
        %parallel_loop3A_1125 = arith.index_cast %parallel_loop3A_1123 : i32 to index
        %parallel_loop3A_1126 = arith.constant 32 : index
        %parallel_loop3A_1127 = tpu.vector_load %arg13[%parallel_loop3A_1124, %parallel_loop3A_1125, %parallel_loop3A_1126] {strides = array<i32>} : memref<3x200x128xf32, #tpu.memory_space<vmem>>, vector<16xf32>,
        %parallel_loop3A_1128 = arith.constant 12 : i32
        %parallel_loop3A_1129 = arith.addi %parallel_loop3A_231, %parallel_loop3A_1128 : i32
        %parallel_loop3A_1130 = arith.index_cast %rem3A_191 : i32 to index
        %parallel_loop3A_1131 = arith.index_cast %parallel_loop3A_1129 : i32 to index
        %parallel_loop3A_1132 = arith.constant 48 : index
        %parallel_loop3A_1133 = tpu.vector_load %arg13[%parallel_loop3A_1130, %parallel_loop3A_1131, %parallel_loop3A_1132] {strides = array<i32>} : memref<3x200x128xf32, #tpu.memory_space<vmem>>, vector<16xf32>,
        %parallel_loop3A_1134 = arith.constant 12 : i32
        %parallel_loop3A_1135 = arith.addi %parallel_loop3A_231, %parallel_loop3A_1134 : i32
        %parallel_loop3A_1136 = arith.index_cast %rem3A_191 : i32 to index
        %parallel_loop3A_1137 = arith.index_cast %parallel_loop3A_1135 : i32 to index
        %parallel_loop3A_1138 = arith.constant 64 : index
        %parallel_loop3A_1139 = tpu.vector_load %arg13[%parallel_loop3A_1136, %parallel_loop3A_1137, %parallel_loop3A_1138] {strides = array<i32>} : memref<3x200x128xf32, #tpu.memory_space<vmem>>, vector<16xf32>,
        %parallel_loop3A_1140 = arith.constant 12 : i32
        %parallel_loop3A_1141 = arith.addi %parallel_loop3A_231, %parallel_loop3A_1140 : i32
        %parallel_loop3A_1142 = arith.index_cast %rem3A_191 : i32 to index
        %parallel_loop3A_1143 = arith.index_cast %parallel_loop3A_1141 : i32 to index
        %parallel_loop3A_1144 = arith.constant 80 : index
        %parallel_loop3A_1145 = tpu.vector_load %arg13[%parallel_loop3A_1142, %parallel_loop3A_1143, %parallel_loop3A_1144] {strides = array<i32>} : memref<3x200x128xf32, #tpu.memory_space<vmem>>, vector<16xf32>,
        %parallel_loop3A_1146 = arith.constant 12 : i32
        %parallel_loop3A_1147 = arith.addi %parallel_loop3A_231, %parallel_loop3A_1146 : i32
        %parallel_loop3A_1148 = arith.index_cast %rem3A_191 : i32 to index
        %parallel_loop3A_1149 = arith.index_cast %parallel_loop3A_1147 : i32 to index
        %parallel_loop3A_1150 = arith.constant 96 : index
        %parallel_loop3A_1151 = tpu.vector_load %arg13[%parallel_loop3A_1148, %parallel_loop3A_1149, %parallel_loop3A_1150] {strides = array<i32>} : memref<3x200x128xf32, #tpu.memory_space<vmem>>, vector<16xf32>,
        %parallel_loop3A_1152 = arith.constant 12 : i32
        %parallel_loop3A_1153 = arith.addi %parallel_loop3A_231, %parallel_loop3A_1152 : i32
        %parallel_loop3A_1154 = arith.index_cast %rem3A_191 : i32 to index
        %parallel_loop3A_1155 = arith.index_cast %parallel_loop3A_1153 : i32 to index
        %parallel_loop3A_1156 = arith.constant 112 : index
        %parallel_loop3A_1157 = tpu.vector_load %arg13[%parallel_loop3A_1154, %parallel_loop3A_1155, %parallel_loop3A_1156] {strides = array<i32>} : memref<3x200x128xf32, #tpu.memory_space<vmem>>, vector<16xf32>,
        %parallel_loop3A_1158 = arith.subf %get3A_202, %parallel_loop3A_1115 : vector<16xf32>
        %parallel_loop3A_1159 = math.absf %parallel_loop3A_1158 : vector<16xf32>
        %parallel_loop3A_1160 = arith.subf %get3A_205, %parallel_loop3A_1121 : vector<16xf32>
        %parallel_loop3A_1161 = math.absf %parallel_loop3A_1160 : vector<16xf32>
        %parallel_loop3A_1162 = arith.subf %get3A_208, %parallel_loop3A_1127 : vector<16xf32>
        %parallel_loop3A_1163 = math.absf %parallel_loop3A_1162 : vector<16xf32>
        %parallel_loop3A_1164 = arith.subf %get3A_211, %parallel_loop3A_1133 : vector<16xf32>
        %parallel_loop3A_1165 = math.absf %parallel_loop3A_1164 : vector<16xf32>
        %parallel_loop3A_1166 = arith.subf %get3A_214, %parallel_loop3A_1139 : vector<16xf32>
        %parallel_loop3A_1167 = math.absf %parallel_loop3A_1166 : vector<16xf32>
        %parallel_loop3A_1168 = arith.subf %get3A_217, %parallel_loop3A_1145 : vector<16xf32>
        %parallel_loop3A_1169 = math.absf %parallel_loop3A_1168 : vector<16xf32>
        %parallel_loop3A_1170 = arith.subf %get3A_220, %parallel_loop3A_1151 : vector<16xf32>
        %parallel_loop3A_1171 = math.absf %parallel_loop3A_1170 : vector<16xf32>
        %parallel_loop3A_1172 = arith.subf %get3A_223, %parallel_loop3A_1157 : vector<16xf32>
        %parallel_loop3A_1173 = math.absf %parallel_loop3A_1172 : vector<16xf32>
        %parallel_loop3A_1174 = arith.addf %parallel_loop3A_1159, %parallel_loop3A_1161 : vector<16xf32>
        %parallel_loop3A_1175 = arith.addf %parallel_loop3A_1163, %parallel_loop3A_1165 : vector<16xf32>
        %parallel_loop3A_1176 = arith.addf %parallel_loop3A_1167, %parallel_loop3A_1169 : vector<16xf32>
        %parallel_loop3A_1177 = arith.addf %parallel_loop3A_1171, %parallel_loop3A_1173 : vector<16xf32>
        %parallel_loop3A_1178 = arith.addf %parallel_loop3A_1174, %parallel_loop3A_1175 : vector<16xf32>
        %parallel_loop3A_1179 = arith.addf %parallel_loop3A_1176, %parallel_loop3A_1177 : vector<16xf32>
        %parallel_loop3A_1180 = arith.addf %parallel_loop3A_1178, %parallel_loop3A_1179 : vector<16xf32>
        %parallel_loop3A_1181 = vector.broadcast %parallel_loop3A_233 : i32 to vector<16xi32>
        %parallel_loop3A_1182 = arith.addi %parallel_loop3A_1181, %add3A_160 : vector<16xi32>
        tpu.vector_store_idx %arg14[%parallel_loop3A_1182], %parallel_loop3A_1180 : memref<3328xf32, #tpu.memory_space<vmem>>[vector<16xi32>], vector<16xf32>,
        %parallel_loop3A_1183 = arith.constant 13 : i32
        %parallel_loop3A_1184 = arith.addi %parallel_loop3A_231, %parallel_loop3A_1183 : i32
        %parallel_loop3A_1185 = arith.index_cast %rem3A_191 : i32 to index
        %parallel_loop3A_1186 = arith.index_cast %parallel_loop3A_1184 : i32 to index
        %parallel_loop3A_1187 = arith.constant 0 : index
        %parallel_loop3A_1188 = tpu.vector_load %arg13[%parallel_loop3A_1185, %parallel_loop3A_1186, %parallel_loop3A_1187] {strides = array<i32>} : memref<3x200x128xf32, #tpu.memory_space<vmem>>, vector<16xf32>,
        %parallel_loop3A_1189 = arith.constant 13 : i32
        %parallel_loop3A_1190 = arith.addi %parallel_loop3A_231, %parallel_loop3A_1189 : i32
        %parallel_loop3A_1191 = arith.index_cast %rem3A_191 : i32 to index
        %parallel_loop3A_1192 = arith.index_cast %parallel_loop3A_1190 : i32 to index
        %parallel_loop3A_1193 = arith.constant 16 : index
        %parallel_loop3A_1194 = tpu.vector_load %arg13[%parallel_loop3A_1191, %parallel_loop3A_1192, %parallel_loop3A_1193] {strides = array<i32>} : memref<3x200x128xf32, #tpu.memory_space<vmem>>, vector<16xf32>,
        %parallel_loop3A_1195 = arith.constant 13 : i32
        %parallel_loop3A_1196 = arith.addi %parallel_loop3A_231, %parallel_loop3A_1195 : i32
        %parallel_loop3A_1197 = arith.index_cast %rem3A_191 : i32 to index
        %parallel_loop3A_1198 = arith.index_cast %parallel_loop3A_1196 : i32 to index
        %parallel_loop3A_1199 = arith.constant 32 : index
        %parallel_loop3A_1200 = tpu.vector_load %arg13[%parallel_loop3A_1197, %parallel_loop3A_1198, %parallel_loop3A_1199] {strides = array<i32>} : memref<3x200x128xf32, #tpu.memory_space<vmem>>, vector<16xf32>,
        %parallel_loop3A_1201 = arith.constant 13 : i32
        %parallel_loop3A_1202 = arith.addi %parallel_loop3A_231, %parallel_loop3A_1201 : i32
        %parallel_loop3A_1203 = arith.index_cast %rem3A_191 : i32 to index
        %parallel_loop3A_1204 = arith.index_cast %parallel_loop3A_1202 : i32 to index
        %parallel_loop3A_1205 = arith.constant 48 : index
        %parallel_loop3A_1206 = tpu.vector_load %arg13[%parallel_loop3A_1203, %parallel_loop3A_1204, %parallel_loop3A_1205] {strides = array<i32>} : memref<3x200x128xf32, #tpu.memory_space<vmem>>, vector<16xf32>,
        %parallel_loop3A_1207 = arith.constant 13 : i32
        %parallel_loop3A_1208 = arith.addi %parallel_loop3A_231, %parallel_loop3A_1207 : i32
        %parallel_loop3A_1209 = arith.index_cast %rem3A_191 : i32 to index
        %parallel_loop3A_1210 = arith.index_cast %parallel_loop3A_1208 : i32 to index
        %parallel_loop3A_1211 = arith.constant 64 : index
        %parallel_loop3A_1212 = tpu.vector_load %arg13[%parallel_loop3A_1209, %parallel_loop3A_1210, %parallel_loop3A_1211] {strides = array<i32>} : memref<3x200x128xf32, #tpu.memory_space<vmem>>, vector<16xf32>,
        %parallel_loop3A_1213 = arith.constant 13 : i32
        %parallel_loop3A_1214 = arith.addi %parallel_loop3A_231, %parallel_loop3A_1213 : i32
        %parallel_loop3A_1215 = arith.index_cast %rem3A_191 : i32 to index
        %parallel_loop3A_1216 = arith.index_cast %parallel_loop3A_1214 : i32 to index
        %parallel_loop3A_1217 = arith.constant 80 : index
        %parallel_loop3A_1218 = tpu.vector_load %arg13[%parallel_loop3A_1215, %parallel_loop3A_1216, %parallel_loop3A_1217] {strides = array<i32>} : memref<3x200x128xf32, #tpu.memory_space<vmem>>, vector<16xf32>,
        %parallel_loop3A_1219 = arith.constant 13 : i32
        %parallel_loop3A_1220 = arith.addi %parallel_loop3A_231, %parallel_loop3A_1219 : i32
        %parallel_loop3A_1221 = arith.index_cast %rem3A_191 : i32 to index
        %parallel_loop3A_1222 = arith.index_cast %parallel_loop3A_1220 : i32 to index
        %parallel_loop3A_1223 = arith.constant 96 : index
        %parallel_loop3A_1224 = tpu.vector_load %arg13[%parallel_loop3A_1221, %parallel_loop3A_1222, %parallel_loop3A_1223] {strides = array<i32>} : memref<3x200x128xf32, #tpu.memory_space<vmem>>, vector<16xf32>,
        %parallel_loop3A_1225 = arith.constant 13 : i32
        %parallel_loop3A_1226 = arith.addi %parallel_loop3A_231, %parallel_loop3A_1225 : i32
        %parallel_loop3A_1227 = arith.index_cast %rem3A_191 : i32 to index
        %parallel_loop3A_1228 = arith.index_cast %parallel_loop3A_1226 : i32 to index
        %parallel_loop3A_1229 = arith.constant 112 : index
        %parallel_loop3A_1230 = tpu.vector_load %arg13[%parallel_loop3A_1227, %parallel_loop3A_1228, %parallel_loop3A_1229] {strides = array<i32>} : memref<3x200x128xf32, #tpu.memory_space<vmem>>, vector<16xf32>,
        %parallel_loop3A_1231 = arith.subf %get3A_202, %parallel_loop3A_1188 : vector<16xf32>
        %parallel_loop3A_1232 = math.absf %parallel_loop3A_1231 : vector<16xf32>
        %parallel_loop3A_1233 = arith.subf %get3A_205, %parallel_loop3A_1194 : vector<16xf32>
        %parallel_loop3A_1234 = math.absf %parallel_loop3A_1233 : vector<16xf32>
        %parallel_loop3A_1235 = arith.subf %get3A_208, %parallel_loop3A_1200 : vector<16xf32>
        %parallel_loop3A_1236 = math.absf %parallel_loop3A_1235 : vector<16xf32>
        %parallel_loop3A_1237 = arith.subf %get3A_211, %parallel_loop3A_1206 : vector<16xf32>
        %parallel_loop3A_1238 = math.absf %parallel_loop3A_1237 : vector<16xf32>
        %parallel_loop3A_1239 = arith.subf %get3A_214, %parallel_loop3A_1212 : vector<16xf32>
        %parallel_loop3A_1240 = math.absf %parallel_loop3A_1239 : vector<16xf32>
        %parallel_loop3A_1241 = arith.subf %get3A_217, %parallel_loop3A_1218 : vector<16xf32>
        %parallel_loop3A_1242 = math.absf %parallel_loop3A_1241 : vector<16xf32>
        %parallel_loop3A_1243 = arith.subf %get3A_220, %parallel_loop3A_1224 : vector<16xf32>
        %parallel_loop3A_1244 = math.absf %parallel_loop3A_1243 : vector<16xf32>
        %parallel_loop3A_1245 = arith.subf %get3A_223, %parallel_loop3A_1230 : vector<16xf32>
        %parallel_loop3A_1246 = math.absf %parallel_loop3A_1245 : vector<16xf32>
        %parallel_loop3A_1247 = arith.addf %parallel_loop3A_1232, %parallel_loop3A_1234 : vector<16xf32>
        %parallel_loop3A_1248 = arith.addf %parallel_loop3A_1236, %parallel_loop3A_1238 : vector<16xf32>
        %parallel_loop3A_1249 = arith.addf %parallel_loop3A_1240, %parallel_loop3A_1242 : vector<16xf32>
        %parallel_loop3A_1250 = arith.addf %parallel_loop3A_1244, %parallel_loop3A_1246 : vector<16xf32>
        %parallel_loop3A_1251 = arith.addf %parallel_loop3A_1247, %parallel_loop3A_1248 : vector<16xf32>
        %parallel_loop3A_1252 = arith.addf %parallel_loop3A_1249, %parallel_loop3A_1250 : vector<16xf32>
        %parallel_loop3A_1253 = arith.addf %parallel_loop3A_1251, %parallel_loop3A_1252 : vector<16xf32>
        %parallel_loop3A_1254 = vector.broadcast %parallel_loop3A_233 : i32 to vector<16xi32>
        %parallel_loop3A_1255 = arith.addi %parallel_loop3A_1254, %add3A_167 : vector<16xi32>
        tpu.vector_store_idx %arg14[%parallel_loop3A_1255], %parallel_loop3A_1253 : memref<3328xf32, #tpu.memory_space<vmem>>[vector<16xi32>], vector<16xf32>,
        %parallel_loop3A_1256 = arith.constant 14 : i32
        %parallel_loop3A_1257 = arith.addi %parallel_loop3A_231, %parallel_loop3A_1256 : i32
        %parallel_loop3A_1258 = arith.index_cast %rem3A_191 : i32 to index
        %parallel_loop3A_1259 = arith.index_cast %parallel_loop3A_1257 : i32 to index
        %parallel_loop3A_1260 = arith.constant 0 : index
        %parallel_loop3A_1261 = tpu.vector_load %arg13[%parallel_loop3A_1258, %parallel_loop3A_1259, %parallel_loop3A_1260] {strides = array<i32>} : memref<3x200x128xf32, #tpu.memory_space<vmem>>, vector<16xf32>,
        %parallel_loop3A_1262 = arith.constant 14 : i32
        %parallel_loop3A_1263 = arith.addi %parallel_loop3A_231, %parallel_loop3A_1262 : i32
        %parallel_loop3A_1264 = arith.index_cast %rem3A_191 : i32 to index
        %parallel_loop3A_1265 = arith.index_cast %parallel_loop3A_1263 : i32 to index
        %parallel_loop3A_1266 = arith.constant 16 : index
        %parallel_loop3A_1267 = tpu.vector_load %arg13[%parallel_loop3A_1264, %parallel_loop3A_1265, %parallel_loop3A_1266] {strides = array<i32>} : memref<3x200x128xf32, #tpu.memory_space<vmem>>, vector<16xf32>,
        %parallel_loop3A_1268 = arith.constant 14 : i32
        %parallel_loop3A_1269 = arith.addi %parallel_loop3A_231, %parallel_loop3A_1268 : i32
        %parallel_loop3A_1270 = arith.index_cast %rem3A_191 : i32 to index
        %parallel_loop3A_1271 = arith.index_cast %parallel_loop3A_1269 : i32 to index
        %parallel_loop3A_1272 = arith.constant 32 : index
        %parallel_loop3A_1273 = tpu.vector_load %arg13[%parallel_loop3A_1270, %parallel_loop3A_1271, %parallel_loop3A_1272] {strides = array<i32>} : memref<3x200x128xf32, #tpu.memory_space<vmem>>, vector<16xf32>,
        %parallel_loop3A_1274 = arith.constant 14 : i32
        %parallel_loop3A_1275 = arith.addi %parallel_loop3A_231, %parallel_loop3A_1274 : i32
        %parallel_loop3A_1276 = arith.index_cast %rem3A_191 : i32 to index
        %parallel_loop3A_1277 = arith.index_cast %parallel_loop3A_1275 : i32 to index
        %parallel_loop3A_1278 = arith.constant 48 : index
        %parallel_loop3A_1279 = tpu.vector_load %arg13[%parallel_loop3A_1276, %parallel_loop3A_1277, %parallel_loop3A_1278] {strides = array<i32>} : memref<3x200x128xf32, #tpu.memory_space<vmem>>, vector<16xf32>,
        %parallel_loop3A_1280 = arith.constant 14 : i32
        %parallel_loop3A_1281 = arith.addi %parallel_loop3A_231, %parallel_loop3A_1280 : i32
        %parallel_loop3A_1282 = arith.index_cast %rem3A_191 : i32 to index
        %parallel_loop3A_1283 = arith.index_cast %parallel_loop3A_1281 : i32 to index
        %parallel_loop3A_1284 = arith.constant 64 : index
        %parallel_loop3A_1285 = tpu.vector_load %arg13[%parallel_loop3A_1282, %parallel_loop3A_1283, %parallel_loop3A_1284] {strides = array<i32>} : memref<3x200x128xf32, #tpu.memory_space<vmem>>, vector<16xf32>,
        %parallel_loop3A_1286 = arith.constant 14 : i32
        %parallel_loop3A_1287 = arith.addi %parallel_loop3A_231, %parallel_loop3A_1286 : i32
        %parallel_loop3A_1288 = arith.index_cast %rem3A_191 : i32 to index
        %parallel_loop3A_1289 = arith.index_cast %parallel_loop3A_1287 : i32 to index
        %parallel_loop3A_1290 = arith.constant 80 : index
        %parallel_loop3A_1291 = tpu.vector_load %arg13[%parallel_loop3A_1288, %parallel_loop3A_1289, %parallel_loop3A_1290] {strides = array<i32>} : memref<3x200x128xf32, #tpu.memory_space<vmem>>, vector<16xf32>,
        %parallel_loop3A_1292 = arith.constant 14 : i32
        %parallel_loop3A_1293 = arith.addi %parallel_loop3A_231, %parallel_loop3A_1292 : i32
        %parallel_loop3A_1294 = arith.index_cast %rem3A_191 : i32 to index
        %parallel_loop3A_1295 = arith.index_cast %parallel_loop3A_1293 : i32 to index
        %parallel_loop3A_1296 = arith.constant 96 : index
        %parallel_loop3A_1297 = tpu.vector_load %arg13[%parallel_loop3A_1294, %parallel_loop3A_1295, %parallel_loop3A_1296] {strides = array<i32>} : memref<3x200x128xf32, #tpu.memory_space<vmem>>, vector<16xf32>,
        %parallel_loop3A_1298 = arith.constant 14 : i32
        %parallel_loop3A_1299 = arith.addi %parallel_loop3A_231, %parallel_loop3A_1298 : i32
        %parallel_loop3A_1300 = arith.index_cast %rem3A_191 : i32 to index
        %parallel_loop3A_1301 = arith.index_cast %parallel_loop3A_1299 : i32 to index
        %parallel_loop3A_1302 = arith.constant 112 : index
        %parallel_loop3A_1303 = tpu.vector_load %arg13[%parallel_loop3A_1300, %parallel_loop3A_1301, %parallel_loop3A_1302] {strides = array<i32>} : memref<3x200x128xf32, #tpu.memory_space<vmem>>, vector<16xf32>,
        %parallel_loop3A_1304 = arith.subf %get3A_202, %parallel_loop3A_1261 : vector<16xf32>
        %parallel_loop3A_1305 = math.absf %parallel_loop3A_1304 : vector<16xf32>
        %parallel_loop3A_1306 = arith.subf %get3A_205, %parallel_loop3A_1267 : vector<16xf32>
        %parallel_loop3A_1307 = math.absf %parallel_loop3A_1306 : vector<16xf32>
        %parallel_loop3A_1308 = arith.subf %get3A_208, %parallel_loop3A_1273 : vector<16xf32>
        %parallel_loop3A_1309 = math.absf %parallel_loop3A_1308 : vector<16xf32>
        %parallel_loop3A_1310 = arith.subf %get3A_211, %parallel_loop3A_1279 : vector<16xf32>
        %parallel_loop3A_1311 = math.absf %parallel_loop3A_1310 : vector<16xf32>
        %parallel_loop3A_1312 = arith.subf %get3A_214, %parallel_loop3A_1285 : vector<16xf32>
        %parallel_loop3A_1313 = math.absf %parallel_loop3A_1312 : vector<16xf32>
        %parallel_loop3A_1314 = arith.subf %get3A_217, %parallel_loop3A_1291 : vector<16xf32>
        %parallel_loop3A_1315 = math.absf %parallel_loop3A_1314 : vector<16xf32>
        %parallel_loop3A_1316 = arith.subf %get3A_220, %parallel_loop3A_1297 : vector<16xf32>
        %parallel_loop3A_1317 = math.absf %parallel_loop3A_1316 : vector<16xf32>
        %parallel_loop3A_1318 = arith.subf %get3A_223, %parallel_loop3A_1303 : vector<16xf32>
        %parallel_loop3A_1319 = math.absf %parallel_loop3A_1318 : vector<16xf32>
        %parallel_loop3A_1320 = arith.addf %parallel_loop3A_1305, %parallel_loop3A_1307 : vector<16xf32>
        %parallel_loop3A_1321 = arith.addf %parallel_loop3A_1309, %parallel_loop3A_1311 : vector<16xf32>
        %parallel_loop3A_1322 = arith.addf %parallel_loop3A_1313, %parallel_loop3A_1315 : vector<16xf32>
        %parallel_loop3A_1323 = arith.addf %parallel_loop3A_1317, %parallel_loop3A_1319 : vector<16xf32>
        %parallel_loop3A_1324 = arith.addf %parallel_loop3A_1320, %parallel_loop3A_1321 : vector<16xf32>
        %parallel_loop3A_1325 = arith.addf %parallel_loop3A_1322, %parallel_loop3A_1323 : vector<16xf32>
        %parallel_loop3A_1326 = arith.addf %parallel_loop3A_1324, %parallel_loop3A_1325 : vector<16xf32>
        %parallel_loop3A_1327 = vector.broadcast %parallel_loop3A_233 : i32 to vector<16xi32>
        %parallel_loop3A_1328 = arith.addi %parallel_loop3A_1327, %add3A_174 : vector<16xi32>
        tpu.vector_store_idx %arg14[%parallel_loop3A_1328], %parallel_loop3A_1326 : memref<3328xf32, #tpu.memory_space<vmem>>[vector<16xi32>], vector<16xf32>,
        %parallel_loop3A_1329 = arith.constant 15 : i32
        %parallel_loop3A_1330 = arith.addi %parallel_loop3A_231, %parallel_loop3A_1329 : i32
        %parallel_loop3A_1331 = arith.index_cast %rem3A_191 : i32 to index
        %parallel_loop3A_1332 = arith.index_cast %parallel_loop3A_1330 : i32 to index
        %parallel_loop3A_1333 = arith.constant 0 : index
        %parallel_loop3A_1334 = tpu.vector_load %arg13[%parallel_loop3A_1331, %parallel_loop3A_1332, %parallel_loop3A_1333] {strides = array<i32>} : memref<3x200x128xf32, #tpu.memory_space<vmem>>, vector<16xf32>,
        %parallel_loop3A_1335 = arith.constant 15 : i32
        %parallel_loop3A_1336 = arith.addi %parallel_loop3A_231, %parallel_loop3A_1335 : i32
        %parallel_loop3A_1337 = arith.index_cast %rem3A_191 : i32 to index
        %parallel_loop3A_1338 = arith.index_cast %parallel_loop3A_1336 : i32 to index
        %parallel_loop3A_1339 = arith.constant 16 : index
        %parallel_loop3A_1340 = tpu.vector_load %arg13[%parallel_loop3A_1337, %parallel_loop3A_1338, %parallel_loop3A_1339] {strides = array<i32>} : memref<3x200x128xf32, #tpu.memory_space<vmem>>, vector<16xf32>,
        %parallel_loop3A_1341 = arith.constant 15 : i32
        %parallel_loop3A_1342 = arith.addi %parallel_loop3A_231, %parallel_loop3A_1341 : i32
        %parallel_loop3A_1343 = arith.index_cast %rem3A_191 : i32 to index
        %parallel_loop3A_1344 = arith.index_cast %parallel_loop3A_1342 : i32 to index
        %parallel_loop3A_1345 = arith.constant 32 : index
        %parallel_loop3A_1346 = tpu.vector_load %arg13[%parallel_loop3A_1343, %parallel_loop3A_1344, %parallel_loop3A_1345] {strides = array<i32>} : memref<3x200x128xf32, #tpu.memory_space<vmem>>, vector<16xf32>,
        %parallel_loop3A_1347 = arith.constant 15 : i32
        %parallel_loop3A_1348 = arith.addi %parallel_loop3A_231, %parallel_loop3A_1347 : i32
        %parallel_loop3A_1349 = arith.index_cast %rem3A_191 : i32 to index
        %parallel_loop3A_1350 = arith.index_cast %parallel_loop3A_1348 : i32 to index
        %parallel_loop3A_1351 = arith.constant 48 : index
        %parallel_loop3A_1352 = tpu.vector_load %arg13[%parallel_loop3A_1349, %parallel_loop3A_1350, %parallel_loop3A_1351] {strides = array<i32>} : memref<3x200x128xf32, #tpu.memory_space<vmem>>, vector<16xf32>,
        %parallel_loop3A_1353 = arith.constant 15 : i32
        %parallel_loop3A_1354 = arith.addi %parallel_loop3A_231, %parallel_loop3A_1353 : i32
        %parallel_loop3A_1355 = arith.index_cast %rem3A_191 : i32 to index
        %parallel_loop3A_1356 = arith.index_cast %parallel_loop3A_1354 : i32 to index
        %parallel_loop3A_1357 = arith.constant 64 : index
        %parallel_loop3A_1358 = tpu.vector_load %arg13[%parallel_loop3A_1355, %parallel_loop3A_1356, %parallel_loop3A_1357] {strides = array<i32>} : memref<3x200x128xf32, #tpu.memory_space<vmem>>, vector<16xf32>,
        %parallel_loop3A_1359 = arith.constant 15 : i32
        %parallel_loop3A_1360 = arith.addi %parallel_loop3A_231, %parallel_loop3A_1359 : i32
        %parallel_loop3A_1361 = arith.index_cast %rem3A_191 : i32 to index
        %parallel_loop3A_1362 = arith.index_cast %parallel_loop3A_1360 : i32 to index
        %parallel_loop3A_1363 = arith.constant 80 : index
        %parallel_loop3A_1364 = tpu.vector_load %arg13[%parallel_loop3A_1361, %parallel_loop3A_1362, %parallel_loop3A_1363] {strides = array<i32>} : memref<3x200x128xf32, #tpu.memory_space<vmem>>, vector<16xf32>,
        %parallel_loop3A_1365 = arith.constant 15 : i32
        %parallel_loop3A_1366 = arith.addi %parallel_loop3A_231, %parallel_loop3A_1365 : i32
        %parallel_loop3A_1367 = arith.index_cast %rem3A_191 : i32 to index
        %parallel_loop3A_1368 = arith.index_cast %parallel_loop3A_1366 : i32 to index
        %parallel_loop3A_1369 = arith.constant 96 : index
        %parallel_loop3A_1370 = tpu.vector_load %arg13[%parallel_loop3A_1367, %parallel_loop3A_1368, %parallel_loop3A_1369] {strides = array<i32>} : memref<3x200x128xf32, #tpu.memory_space<vmem>>, vector<16xf32>,
        %parallel_loop3A_1371 = arith.constant 15 : i32
        %parallel_loop3A_1372 = arith.addi %parallel_loop3A_231, %parallel_loop3A_1371 : i32
        %parallel_loop3A_1373 = arith.index_cast %rem3A_191 : i32 to index
        %parallel_loop3A_1374 = arith.index_cast %parallel_loop3A_1372 : i32 to index
        %parallel_loop3A_1375 = arith.constant 112 : index
        %parallel_loop3A_1376 = tpu.vector_load %arg13[%parallel_loop3A_1373, %parallel_loop3A_1374, %parallel_loop3A_1375] {strides = array<i32>} : memref<3x200x128xf32, #tpu.memory_space<vmem>>, vector<16xf32>,
        %parallel_loop3A_1377 = arith.subf %get3A_202, %parallel_loop3A_1334 : vector<16xf32>
        %parallel_loop3A_1378 = math.absf %parallel_loop3A_1377 : vector<16xf32>
        %parallel_loop3A_1379 = arith.subf %get3A_205, %parallel_loop3A_1340 : vector<16xf32>
        %parallel_loop3A_1380 = math.absf %parallel_loop3A_1379 : vector<16xf32>
        %parallel_loop3A_1381 = arith.subf %get3A_208, %parallel_loop3A_1346 : vector<16xf32>
        %parallel_loop3A_1382 = math.absf %parallel_loop3A_1381 : vector<16xf32>
        %parallel_loop3A_1383 = arith.subf %get3A_211, %parallel_loop3A_1352 : vector<16xf32>
        %parallel_loop3A_1384 = math.absf %parallel_loop3A_1383 : vector<16xf32>
        %parallel_loop3A_1385 = arith.subf %get3A_214, %parallel_loop3A_1358 : vector<16xf32>
        %parallel_loop3A_1386 = math.absf %parallel_loop3A_1385 : vector<16xf32>
        %parallel_loop3A_1387 = arith.subf %get3A_217, %parallel_loop3A_1364 : vector<16xf32>
        %parallel_loop3A_1388 = math.absf %parallel_loop3A_1387 : vector<16xf32>
        %parallel_loop3A_1389 = arith.subf %get3A_220, %parallel_loop3A_1370 : vector<16xf32>
        %parallel_loop3A_1390 = math.absf %parallel_loop3A_1389 : vector<16xf32>
        %parallel_loop3A_1391 = arith.subf %get3A_223, %parallel_loop3A_1376 : vector<16xf32>
        %parallel_loop3A_1392 = math.absf %parallel_loop3A_1391 : vector<16xf32>
        %parallel_loop3A_1393 = arith.addf %parallel_loop3A_1378, %parallel_loop3A_1380 : vector<16xf32>
        %parallel_loop3A_1394 = arith.addf %parallel_loop3A_1382, %parallel_loop3A_1384 : vector<16xf32>
        %parallel_loop3A_1395 = arith.addf %parallel_loop3A_1386, %parallel_loop3A_1388 : vector<16xf32>
        %parallel_loop3A_1396 = arith.addf %parallel_loop3A_1390, %parallel_loop3A_1392 : vector<16xf32>
        %parallel_loop3A_1397 = arith.addf %parallel_loop3A_1393, %parallel_loop3A_1394 : vector<16xf32>
        %parallel_loop3A_1398 = arith.addf %parallel_loop3A_1395, %parallel_loop3A_1396 : vector<16xf32>
        %parallel_loop3A_1399 = arith.addf %parallel_loop3A_1397, %parallel_loop3A_1398 : vector<16xf32>
        %parallel_loop3A_1400 = vector.broadcast %parallel_loop3A_233 : i32 to vector<16xi32>
        %parallel_loop3A_1401 = arith.addi %parallel_loop3A_1400, %add3A_181 : vector<16xi32>
        tpu.vector_store_idx %arg14[%parallel_loop3A_1401], %parallel_loop3A_1399 : memref<3328xf32, #tpu.memory_space<vmem>>[vector<16xi32>], vector<16xf32>,
        %parallel_loop3A_1402 = arith.index_cast %parallel_loop3A_233 : i32 to index
        %parallel_loop3A_1403 = tpu.vector_load %arg14[%parallel_loop3A_1402] {strides = array<i32>} : memref<3328xf32, #tpu.memory_space<vmem>>, vector<16xf32>,
        %parallel_loop3A_1404 = arith.constant 16 : i32
        %parallel_loop3A_1405 = arith.addi %parallel_loop3A_233, %parallel_loop3A_1404 : i32
        %parallel_loop3A_1406 = arith.index_cast %parallel_loop3A_1405 : i32 to index
        %parallel_loop3A_1407 = tpu.vector_load %arg14[%parallel_loop3A_1406] {strides = array<i32>} : memref<3328xf32, #tpu.memory_space<vmem>>, vector<16xf32>,
        %parallel_loop3A_1408 = arith.addf %parallel_loop3A_1403, %parallel_loop3A_1407 : vector<16xf32>
        %parallel_loop3A_1409 = arith.constant 32 : i32
        %parallel_loop3A_1410 = arith.addi %parallel_loop3A_233, %parallel_loop3A_1409 : i32
        %parallel_loop3A_1411 = arith.index_cast %parallel_loop3A_1410 : i32 to index
        %parallel_loop3A_1412 = tpu.vector_load %arg14[%parallel_loop3A_1411] {strides = array<i32>} : memref<3328xf32, #tpu.memory_space<vmem>>, vector<16xf32>,
        %parallel_loop3A_1413 = arith.addf %parallel_loop3A_1408, %parallel_loop3A_1412 : vector<16xf32>
        %parallel_loop3A_1414 = arith.constant 48 : i32
        %parallel_loop3A_1415 = arith.addi %parallel_loop3A_233, %parallel_loop3A_1414 : i32
        %parallel_loop3A_1416 = arith.index_cast %parallel_loop3A_1415 : i32 to index
        %parallel_loop3A_1417 = tpu.vector_load %arg14[%parallel_loop3A_1416] {strides = array<i32>} : memref<3328xf32, #tpu.memory_space<vmem>>, vector<16xf32>,
        %parallel_loop3A_1418 = arith.addf %parallel_loop3A_1413, %parallel_loop3A_1417 : vector<16xf32>
        %parallel_loop3A_1419 = arith.constant 64 : i32
        %parallel_loop3A_1420 = arith.addi %parallel_loop3A_233, %parallel_loop3A_1419 : i32
        %parallel_loop3A_1421 = arith.index_cast %parallel_loop3A_1420 : i32 to index
        %parallel_loop3A_1422 = tpu.vector_load %arg14[%parallel_loop3A_1421] {strides = array<i32>} : memref<3328xf32, #tpu.memory_space<vmem>>, vector<16xf32>,
        %parallel_loop3A_1423 = arith.addf %parallel_loop3A_1418, %parallel_loop3A_1422 : vector<16xf32>
        %parallel_loop3A_1424 = arith.constant 80 : i32
        %parallel_loop3A_1425 = arith.addi %parallel_loop3A_233, %parallel_loop3A_1424 : i32
        %parallel_loop3A_1426 = arith.index_cast %parallel_loop3A_1425 : i32 to index
        %parallel_loop3A_1427 = tpu.vector_load %arg14[%parallel_loop3A_1426] {strides = array<i32>} : memref<3328xf32, #tpu.memory_space<vmem>>, vector<16xf32>,
        %parallel_loop3A_1428 = arith.addf %parallel_loop3A_1423, %parallel_loop3A_1427 : vector<16xf32>
        %parallel_loop3A_1429 = arith.constant 96 : i32
        %parallel_loop3A_1430 = arith.addi %parallel_loop3A_233, %parallel_loop3A_1429 : i32
        %parallel_loop3A_1431 = arith.index_cast %parallel_loop3A_1430 : i32 to index
        %parallel_loop3A_1432 = tpu.vector_load %arg14[%parallel_loop3A_1431] {strides = array<i32>} : memref<3328xf32, #tpu.memory_space<vmem>>, vector<16xf32>,
        %parallel_loop3A_1433 = arith.addf %parallel_loop3A_1428, %parallel_loop3A_1432 : vector<16xf32>
        %parallel_loop3A_1434 = arith.constant 112 : i32
        %parallel_loop3A_1435 = arith.addi %parallel_loop3A_233, %parallel_loop3A_1434 : i32
        %parallel_loop3A_1436 = arith.index_cast %parallel_loop3A_1435 : i32 to index
        %parallel_loop3A_1437 = tpu.vector_load %arg14[%parallel_loop3A_1436] {strides = array<i32>} : memref<3328xf32, #tpu.memory_space<vmem>>, vector<16xf32>,
        %parallel_loop3A_1438 = arith.addf %parallel_loop3A_1433, %parallel_loop3A_1437 : vector<16xf32>
        %parallel_loop3A_1439 = arith.constant 128 : i32
        %parallel_loop3A_1440 = arith.addi %parallel_loop3A_233, %parallel_loop3A_1439 : i32
        %parallel_loop3A_1441 = arith.index_cast %parallel_loop3A_1440 : i32 to index
        %parallel_loop3A_1442 = tpu.vector_load %arg14[%parallel_loop3A_1441] {strides = array<i32>} : memref<3328xf32, #tpu.memory_space<vmem>>, vector<16xf32>,
        %parallel_loop3A_1443 = arith.addf %parallel_loop3A_1438, %parallel_loop3A_1442 : vector<16xf32>
        %parallel_loop3A_1444 = arith.constant 144 : i32
        %parallel_loop3A_1445 = arith.addi %parallel_loop3A_233, %parallel_loop3A_1444 : i32
        %parallel_loop3A_1446 = arith.index_cast %parallel_loop3A_1445 : i32 to index
        %parallel_loop3A_1447 = tpu.vector_load %arg14[%parallel_loop3A_1446] {strides = array<i32>} : memref<3328xf32, #tpu.memory_space<vmem>>, vector<16xf32>,
        %parallel_loop3A_1448 = arith.addf %parallel_loop3A_1443, %parallel_loop3A_1447 : vector<16xf32>
        %parallel_loop3A_1449 = arith.constant 160 : i32
        %parallel_loop3A_1450 = arith.addi %parallel_loop3A_233, %parallel_loop3A_1449 : i32
        %parallel_loop3A_1451 = arith.index_cast %parallel_loop3A_1450 : i32 to index
        %parallel_loop3A_1452 = tpu.vector_load %arg14[%parallel_loop3A_1451] {strides = array<i32>} : memref<3328xf32, #tpu.memory_space<vmem>>, vector<16xf32>,
        %parallel_loop3A_1453 = arith.addf %parallel_loop3A_1448, %parallel_loop3A_1452 : vector<16xf32>
        %parallel_loop3A_1454 = arith.constant 176 : i32
        %parallel_loop3A_1455 = arith.addi %parallel_loop3A_233, %parallel_loop3A_1454 : i32
        %parallel_loop3A_1456 = arith.index_cast %parallel_loop3A_1455 : i32 to index
        %parallel_loop3A_1457 = tpu.vector_load %arg14[%parallel_loop3A_1456] {strides = array<i32>} : memref<3328xf32, #tpu.memory_space<vmem>>, vector<16xf32>,
        %parallel_loop3A_1458 = arith.addf %parallel_loop3A_1453, %parallel_loop3A_1457 : vector<16xf32>
        %parallel_loop3A_1459 = arith.constant 192 : i32
        %parallel_loop3A_1460 = arith.addi %parallel_loop3A_233, %parallel_loop3A_1459 : i32
        %parallel_loop3A_1461 = arith.index_cast %parallel_loop3A_1460 : i32 to index
        %parallel_loop3A_1462 = tpu.vector_load %arg14[%parallel_loop3A_1461] {strides = array<i32>} : memref<3328xf32, #tpu.memory_space<vmem>>, vector<16xf32>,
        %parallel_loop3A_1463 = arith.addf %parallel_loop3A_1458, %parallel_loop3A_1462 : vector<16xf32>
        %parallel_loop3A_1464 = arith.constant 208 : i32
        %parallel_loop3A_1465 = arith.addi %parallel_loop3A_233, %parallel_loop3A_1464 : i32
        %parallel_loop3A_1466 = arith.index_cast %parallel_loop3A_1465 : i32 to index
        %parallel_loop3A_1467 = tpu.vector_load %arg14[%parallel_loop3A_1466] {strides = array<i32>} : memref<3328xf32, #tpu.memory_space<vmem>>, vector<16xf32>,
        %parallel_loop3A_1468 = arith.addf %parallel_loop3A_1463, %parallel_loop3A_1467 : vector<16xf32>
        %parallel_loop3A_1469 = arith.constant 224 : i32
        %parallel_loop3A_1470 = arith.addi %parallel_loop3A_233, %parallel_loop3A_1469 : i32
        %parallel_loop3A_1471 = arith.index_cast %parallel_loop3A_1470 : i32 to index
        %parallel_loop3A_1472 = tpu.vector_load %arg14[%parallel_loop3A_1471] {strides = array<i32>} : memref<3328xf32, #tpu.memory_space<vmem>>, vector<16xf32>,
        %parallel_loop3A_1473 = arith.addf %parallel_loop3A_1468, %parallel_loop3A_1472 : vector<16xf32>
        %parallel_loop3A_1474 = arith.constant 240 : i32
        %parallel_loop3A_1475 = arith.addi %parallel_loop3A_233, %parallel_loop3A_1474 : i32
        %parallel_loop3A_1476 = arith.index_cast %parallel_loop3A_1475 : i32 to index
        %parallel_loop3A_1477 = tpu.vector_load %arg14[%parallel_loop3A_1476] {strides = array<i32>} : memref<3328xf32, #tpu.memory_space<vmem>>, vector<16xf32>,
        %parallel_loop3A_1478 = arith.addf %parallel_loop3A_1473, %parallel_loop3A_1477 : vector<16xf32>
        %parallel_loop3A_1479 = arith.constant 1.200000e+01 : f32
        %parallel_loop3A_1480 = vector.broadcast %parallel_loop3A_1479 : f32 to vector<16xf32>
        %parallel_loop3A_1481 = arith.subf %parallel_loop3A_1480, %parallel_loop3A_1478 : vector<16xf32>
        %parallel_loop3A_1482 = arith.index_cast %scan3A_189 : i32 to index
        %parallel_loop3A_1483 = arith.index_cast %parallel_loop3A_231 : i32 to index
        %parallel_loop3A_1484 = tpu.vector_load %arg15[%parallel_loop3A_1482, %parallel_loop3A_1483] {strides = array<i32>} : memref<32x200xf32, #tpu.memory_space<vmem>>, vector<16xf32>,
        tpu.vector_store %arg15[%parallel_loop3A_1482, %parallel_loop3A_1483], %parallel_loop3A_1481 {strides = array<i32>} : memref<32x200xf32, #tpu.memory_space<vmem>>, vector<16xf32>,
      } {sc.loop_unroll_factor = 1 : i64, sc.parallel_access}
      %scan3A_226 = arith.constant 0 : i32
      scf.yield %scan3A_226 : i32
    }
    %scan3A_188 = arith.constant 32 : i32
    "tpu.region"() ({
      %run_scoped3A = tpu.sem_alloc : memref<!tpu.dma_semaphore, #tpu.memory_space<semaphore_mem>>
      %dma_start3A_189 = arith.constant 0 : i32
      %dma_start3A_190 = tpu.memref_slice %arg7[%mul3A_2, %dma_start3A_189] : memref<1024x200xf32, #tpu.memory_space<hbm>> -> memref<32x200xf32, #tpu.memory_space<hbm>>
      %dma_start3A_191 = arith.constant 0 : i32
      %dma_start3A_192 = tpu.memref_slice %arg7[%mul3A_2, %dma_start3A_191] : memref<1024x200xf32, #tpu.memory_space<hbm>> -> memref<32x200xf32, #tpu.memory_space<hbm>>
      tpu.enqueue_dma source(%arg15 : memref<32x200xf32, #tpu.memory_space<vmem>>) target(%dma_start3A_192 : memref<32x200xf32, #tpu.memory_space<hbm>>) target_semaphore(%run_scoped3A : memref<!tpu.dma_semaphore, #tpu.memory_space<semaphore_mem>>)
      %dma_wait3A_193 = arith.constant 0 : i32
      %dma_wait3A_194 = tpu.memref_slice %arg7[%mul3A_2, %dma_wait3A_193] : memref<1024x200xf32, #tpu.memory_space<hbm>> -> memref<32x200xf32, #tpu.memory_space<hbm>>
      %dma_wait3A_195 = arith.constant 0 : i32
      %dma_wait3A_196 = tpu.memref_slice %arg7[%mul3A_2, %dma_wait3A_195] : memref<1024x200xf32, #tpu.memory_space<hbm>> -> memref<32x200xf32, #tpu.memory_space<hbm>>
      tpu.wait_dma2 semaphore(%run_scoped3A : memref<!tpu.dma_semaphore, #tpu.memory_space<semaphore_mem>>) src(%arg15 : memref<32x200xf32, #tpu.memory_space<vmem>>) dst(%dma_wait3A_196 : memref<32x200xf32, #tpu.memory_space<hbm>>)
      tpu.yield
    }) : () -> ()
    return
  }
}

</mosaic_0001>

<sc_bundles>
// kernel: kernel.3.cloned.1.call-start
scs
__scs_entry_jumppad:
0x0: {  	(pc) =	sbr.rel $0x88, $3  }
0x1: {  	(tag) =	ssettag $0x0;
	lr =	simm.s32 $0x1  }
0x2: {  	[smem:$0x3F9D] =	sst lr;
	_ =	strace $0xD0000000  }
0x3: {  	_ = 	snop  }
0x4: {  	_ = 	snop  }
0x5: {  	_ = 	snop  }
0x6: {  	_ = 	snop  }
0x7: {  	_ = 	snop  }
__scs_overlays_trampoline_lowered:
0x8: {  	[smem:$0x3FAC] =	sst s0  }
0x9: {  	[smem:$0x3FAD] =	sst s1  }
0xa: {  	[smem:$0x3FAE] =	sst s2  }
0xb: {  	[smem:$0x3FAF] =	sst s3  }
0xc: {  	[smem:$0x3FB0] =	sst s4  }
0xd: {  	[smem:$0x3FB1] =	sst s5  }
0xe: {  	[smem:$0x3FB2] =	sst s6  }
0xf: {  	[smem:$0x3FB3] =	sst s7  }
0x10: {  	[smem:$0x3FB4] =	sst s8  }
0x11: {  	[smem:$0x3FB5] =	sst s9;
	s0 =	simm.s32 @!p0 $0x0  }
0x12: {  	s1 =	sld [smem:$0x3F9B];
	s0 =	simm.s32 @p0 $0x1  }
0x13: {  	[smem:$0x3FB6] =	sst s0;
	s0 =	simm.s32 @!p1 $0x0  }
0x14: {  	s2 =	sld [smem:$0x3F9A];
	s0 =	simm.s32 @p1 $0x1  }
0x15: {  	[smem:$0x3FB7] =	sst s0;
	s0 =	simm.s32 @!p2 $0x0  }
0x16: {  	s3 =	sld [smem:$0x3FDB];
	s0 =	simm.s32 @p2 $0x1  }
0x17: {  	s4 =	simm.s32 $0x1BF5;
	[smem:$0x3FB9] =	sst s0  }
0x18: {  	s0 =	sld [smem:$0x3F9C];
	_ =	swait.ge [sflag:s4], $0x0  }
0x19: {  	s7 =	sld [smem:$0x3F9D]  }
0x1a: {  	s8 =	sadd.s32 $0xFFFFE003, lr  }
0x1b: {  	s9 =	sadd.s32 $0xFFFFFEF7, lr;
	s5 =	simm.s32 $0xFFFFFFFF;
	p2 =	slt.u32 s8, $0xFFFFF086  }
0x1c: {  	p1 =	slt.u32 s9, $0xF7A;
	s5 =	simm.s32 @!p2 $0x0  }
0x1d: {  	s5 =	simm.s32 @p1 $0x1;
	p0 =	seq.s32 s7, s2  }
0x1e: {  	s7 =	smul.u32 @!p0 $0xF7A, s2;
	p2 =	seq.s32 @!p0 s5, $0x0  }
0x1f: {  	s9 =	smul.u32 $0xF7A, s1;
	s8 =	simm.s32 @!p0 $0x1BF5;
	p2 =	por !p2, p0  }
0x20: {  	[sflag:s8] =	ssyncset.s32 @!p0 $0xFFFFF086;
	s6 =	sadd.s32 @!p0 s3, s7;
	s7 =	simm.s32 @!p0 $0x108  }
0x21: {  	s3 =	sadd.s32 s3, s9;
	s6 =	sadd.s32 @!p0 $0x88, s6;
	s7 =	simm.s32 @p2 $0x1082  }
0x22: {  	[simem:s7], [sflag:s8] =	dma.local @!p0 [hbm:s6], $0xF7A  }
0x23: {  	s9 =	sor.u32 $0xD0000000, s2;
	s6 =	simm.s32 $0x108;
	_ =	swait.ge @!p0 [sflag:s8], $0x0  }
0x24: {  	s3 =	sadd.s32 $0x88, s3;
	s6 =	simm.s32 @!p1 $0x1082;
	[sflag:s4] =	ssyncset.s32 $0xFFFFF086  }
0x25: {  	[simem:s6], [sflag:s4] =	dma.local [hbm:s3], $0xF7A  }
0x26: {  	[smem:$0x3F9D] =	sst s1;
	(tag) =	ssettag s2;
	_ =	strace s9  }
0x27: {  	s1 =	sld [smem:$0x3FAD]  }
0x28: {  	s2 =	sld [smem:$0x3FAE]  }
0x29: {  	s4 =	sld [smem:$0x3FB0]  }
0x2a: {  	p0 =	seq.s32 s5, $0x0;
	s5 =	sld [smem:$0x3FB1]  }
0x2b: {  	s6 =	sld [smem:$0x3FB2]  }
0x2c: {  	s7 =	sld [smem:$0x3FB3]  }
0x2d: {  	s3 =	simm.s32 $0x108;
	s8 =	sld [smem:$0x3FB4]  }
0x2e: {  	s3 =	simm.s32 @!p0 $0x1082;
	s9 =	sld [smem:$0x3FB5]  }
0x2f: {  	lr =	sadd.s32 s0, s3;
	s0 =	sld [smem:$0x3FAC]  }
0x30: {  	s3 =	sld [smem:$0x3FAF]  }
0x31: {  	[smem:$0x3FB8] =	sst s10  }
0x32: {  	s10 =	sld [smem:$0x3FB6];
	_ =	sdelay $0x3  }
0x33: {  	p0 =	seq.s32 s10, $0x1;
	s10 =	sld [smem:$0x3FB8];
	_ =	sdelay $0x3  }
0x34: {  	[smem:$0x3FB8] =	sst s10  }
0x35: {  	s10 =	sld [smem:$0x3FB7];
	_ =	sdelay $0x3  }
0x36: {  	p1 =	seq.s32 s10, $0x1;
	s10 =	sld [smem:$0x3FB8];
	_ =	sdelay $0x3  }
0x37: {  	[smem:$0x3FB8] =	sst s10  }
0x38: {  	s10 =	sld [smem:$0x3FB9]  }
0x39: {  	_ = 	snop;
	(pc) =	sbr.ind lr, $3  }
0x3a: {  	_ = 	snop  }
0x3b: {  	_ = 	snop  }
0x3c: {  	p2 =	seq.s32 s10, $0x1;
	s10 =	sld [smem:$0x3FB8]  }
0x3d: {  	_ =	shalt  }
0x3e: {  	_ =	shalt  }
0x3f: {  	_ =	shalt  }
0x40: {  	_ =	shalt  }
0x41: {  	_ =	shalt  }
0x42: {  	_ =	shalt  }
0x43: {  	_ =	shalt  }
0x44: {  	_ =	shalt  }
0x45: {  	_ =	shalt  }
0x46: {  	_ =	shalt  }
0x47: {  	_ =	shalt  }
0x48: {  	_ =	shalt  }
0x49: {  	_ =	shalt  }
0x4a: {  	_ =	shalt  }
0x4b: {  	_ =	shalt  }
0x4c: {  	_ =	shalt  }
0x4d: {  	_ =	shalt  }
0x4e: {  	_ =	shalt  }
0x4f: {  	_ =	shalt  }
0x50: {  	_ =	shalt  }
0x51: {  	_ =	shalt  }
0x52: {  	_ =	shalt  }
0x53: {  	_ =	shalt  }
0x54: {  	_ =	shalt  }
0x55: {  	_ =	shalt  }
0x56: {  	_ =	shalt  }
0x57: {  	_ =	shalt  }
0x58: {  	_ =	shalt  }
0x59: {  	_ =	shalt  }
0x5a: {  	_ =	shalt  }
0x5b: {  	_ =	shalt  }
0x5c: {  	_ =	shalt  }
0x5d: {  	_ =	shalt  }
0x5e: {  	_ =	shalt  }
0x5f: {  	_ =	shalt  }
0x60: {  	_ =	shalt  }
0x61: {  	_ =	shalt  }
0x62: {  	_ =	shalt  }
0x63: {  	_ =	shalt  }
0x64: {  	_ =	shalt  }
0x65: {  	_ =	shalt  }
0x66: {  	_ =	shalt  }
0x67: {  	_ =	shalt  }
0x68: {  	_ =	shalt  }
0x69: {  	_ =	shalt  }
0x6a: {  	_ =	shalt  }
0x6b: {  	_ =	shalt  }
0x6c: {  	_ =	shalt  }
0x6d: {  	_ =	shalt  }
0x6e: {  	_ =	shalt  }
0x6f: {  	_ =	shalt  }
0x70: {  	_ =	shalt  }
0x71: {  	_ =	shalt  }
0x72: {  	_ =	shalt  }
0x73: {  	_ =	shalt  }
0x74: {  	_ =	shalt  }
0x75: {  	_ =	shalt  }
0x76: {  	_ =	shalt  }
0x77: {  	_ =	shalt  }
0x78: {  	_ =	shalt  }
0x79: {  	_ =	shalt  }
0x7a: {  	_ =	shalt  }
0x7b: {  	_ =	shalt  }
0x7c: {  	_ =	shalt  }
0x7d: {  	_ =	shalt  }
0x7e: {  	_ =	shalt  }
0x7f: {  	_ =	shalt  }
0x80: {  	_ =	shalt  }
0x81: {  	_ =	shalt  }
0x82: {  	_ =	shalt  }
0x83: {  	_ =	shalt  }
0x84: {  	_ =	shalt  }
0x85: {  	_ =	shalt  }
0x86: {  	_ =	shalt  }
0x87: {  	_ =	shalt  }
.Lfunc_end0:
.L_simem_size_0:
called_computation_lowered:
.L_overlay_start_0:
0x88: {  	s2 =	sld [smem:$0x3FD9]  }
0x89: {  	s3 =	sld [smem:$0x3FFE];
	_ =	sdelay $0x1  }
0x8a: {  	s1 =	srdreg.scid  }
0x8b: {  	s0 =	sand.u32 $0x1, s1  }
0x8c: {  	s17 =	sshll.u32 s0, $0xA;
	s2 =	sadd.s32 s3, s2  }
0x8d: {  	s2 =	sadd.s32 s2, s17  }
0x8e: {  	[smem:$0x3FC4] =	sst s2  }
0x8f: {  	_ = 	snop  }
0x90: {  	s2 =	sld [smem:$0x3FC9]  }
0x91: {  	s18 =	sld [smem:$0x3FC8]  }
0x92: {  	s4 =	sld [smem:$0x3FD0];
	(tm) =	ssettm $0x1  }
0x93: {  	s5 =	sld [smem:$0x3FFB];
	_ =	sdelay $0x3  }
0x94: {  	_ =	strace s5  }
0x95: {  	s5 =	sld [smem:$0x3FFC];
	_ =	sdelay $0x3  }
0x96: {  	_ =	strace s5  }
0x97: {  	s5 =	sld [smem:$0x3FFD];
	_ =	sdelay $0x3  }
0x98: {  	_ =	strace s5  }
0x99: {  	_ =	strace $0x8FFFFFFF  }
0x9a: {  	s19 =	sld [smem:$0x3FDB];
	_ =	sdelay $0x1  }
0x9b: {  	s6 =	simm.s32 $_scs_section_size  }
0x9c: {  	s7 =	simm.s32 $_size__tile_overlayer_lowered;
	s8 =	simm.s32 $_tile_overlayer_lowered  }
0x9d: {  	s22 =	simm.s32 $0x1BFF;
	s21 =	sshll.u32 s8, $0x1;
	s5 =	sadd.s32 s6, s19  }
0x9e: {  	s9 =	simm.s32 $0x0;
	s20 =	sshll.u32 s7, $0x1;
	s7 =	sadd.s32 s21, s5  }
0x9f: {  	[timem:s9], [sflag:s22] =	dma.local [hbm:s7], s20  }
0xa0: {  	_ =	swait.ge [sflag:s22], s20  }
0xa1: {  	s6 =	ssub.s32 $0x0, s20;
	[sflag:s22] =	ssyncset.done $0x0  }
0xa2: {  	[sflag:s22] =	ssyncadd.s32 s6;
	_ =	sdelay $0x1  }
0xa3: {  	s23 =	simm.s32 $0x1B8B  }
0xa4: {  	_ =	swait.ge [sflag:s23], $0x1  }
0xa5: {  	[sflag:s23] =	ssyncset.done $0x0  }
0xa6: {  	s25 =	simm.s32 $0x1B8E;
	s24 =	sld [smem:$0x3FFE];
	[sflag:s23] =	ssyncadd.s32 $0xFFFFFFFF  }
0xa7: {  	s26 =	simm.s32 $execute0_lowered;
	[smem:$0x3FD2] =	sst s25  }
0xa8: {  	s7 =	sshll.u32 s26, $0x1;
	_ =	strace $0x80000046;
	[dreg:$0x1] =	wrdreg $0xFFFFFFFF  }
0xa9: {  	s28 =	simm.s32 $_size_execute0_lowered;
	s5 =	sadd.s32 s5, s7;
	[dreg:$0x0] =	wrdreg $0x0  }
0xaa: {  	s7 =	sshll.u32 s28, $0x1;
	[dreg:$0x2] =	wrdreg s5  }
0xab: {  	[dreg:$0x3] =	wrdreg s7  }
0xac: {  	[dreg:$0x4] =	wrdreg $0xC0  }
0xad: {  	_ =	task [dreg:s9], $0x5FFFF  }
0xae: {  	[dreg:$0x1] =	wrdreg $0xFFFFFFFF  }
0xaf: {  	[dreg:$0x0] =	wrdreg $0x60  }
0xb0: {  	[dreg:$0x2] =	wrdreg s2  }
0xb1: {  	[dreg:$0x3] =	wrdreg s18  }
0xb2: {  	[dreg:$0x4] =	wrdreg s24  }
0xb3: {  	[dreg:$0x5] =	wrdreg s4  }
0xb4: {  	[dreg:$0x6] =	wrdreg $0x9  }
0xb5: {  	_ =	task.clear_ibuf [dreg:s9], $0x7FFFF;
	_ =	strace $0x90000046  }
0xb6: {  	s29 =	simm.s32 $0x9;
	_ =	strace $0x80000048  }
0xb7: {  	_ =	swait.ge [sflag:s29], $0x1  }
0xb8: {  	[sflag:s29] =	ssyncadd.s32 $0xFFFFFFFF  }
0xb9: {  	_ =	strace $0x90000048  }
0xba: {  	_ =	sfence  }
0xbb: {  	s30 =	sld [smem:$0x0];
	_ =	sdelay $0x2  }
0xbc: {  	s31 =	sshll.u32 s1, $0xD;
	s1 =	sshrl.u32 s1, $0x2  }
0xbd: {  	s3 =	sand.u32 $0x4000, s31;
	s1 =	sadd.s32 s1, s30  }
0xbe: {  	s0 =	sor.u32 s3, s0;
	s1 =	sshll.u32 s1, $0x11  }
0xbf: {  	s0 =	sor.u32 s1, s0  }
0xc0: {  	s0 =	sadd.s32 $0x8F2B, s0  }
0xc1: {  	[sflag:s0] =	ssyncadd.remote.s32 $0x1  }
0xc2: {  	_ =	sfence.sel $0xFFFF  }
0xc3: {  	[dreg:$0x0] =	wrdreg $0xFFFFFFFF;
	(pc) =	sbr.abs _section_cstart, $3  }
0xc4: {  	[dreg:$0x1] =	wrdreg $0xFFFFFFFF  }
0xc5: {  	_ =	task.clear_ibuf [dreg:s9], $0x2FFFF;
	_ =	strace $0x9FFFFFFF  }
0xc6: {  	(tm) =	ssettm $0x7FFFFFFF  }
0xc7: {  	_ =	shalt  }
tec
execute0_lowered:
.L_overlay_start_1:
0x0: {  	(tag) =	ssettag $0x1  }
0x1: {  	s1 =	rddreg [dreg:$0x0]  }
0x2: {  	s0 =	rddreg [dreg:$0x2]  }
0x3: {  	s2 =	rddreg [dreg:$0x3]  }
0x4: {  	s4 =	simm.s32 $0x0;
	s3 =	srdreg.scid;
	s5 =	stileid.u32  }
0x5: {  	s10 =	simm.s32 $0x100;
	s11 =	simm.s32 $0x5;
	s12 =	simm.s32 $0x64  }
0x6: {  	v0 =	vlaneseq.u32;
	s20 =	simm.s32 $0x80;
	s21 =	simm.s32 $0x20;
	s23 =	simm.s32 $0x1  }
0x7: {  	s25 =	simm.s32 $0x16D00;
	s26 =	simm.s32 $0x17A00;
	s28 =	simm.s32 $0x0;
	v0 =	vmul.u32 $0x10, v0  }
0x8: {  	[smem:$0x7FF] =	sst s4;
	s3 =	sand.u32 $0x1, s3;
	s5 =	sshll.u32 s5, $0x1  }
0x9: {  	s29 =	simm.s32 $0x0;
	_ =	strace $0x80000047;
	s5 =	sor.u32 s3, s5;
	v1 =	vor.u32 $0x1, v0;
	v2 =	vor.u32 $0x2, v0;
	v3 =	vor.u32 $0x3, v0  }
0xa: {  	s3 =	ssub.s32 $0x2, s3;
	s7 =	sshll.u32 s5, $0x2;
	s5 =	sshll.u32 s5, $0xA;
	v4 =	vor.u32 $0x4, v0;
	v5 =	vor.u32 $0x5, v0;
	v6 =	vor.u32 $0x6, v0  }
0xb: {  	s31 =	sshrl.u32 s3, $0x1;
	v7 =	vor.u32 $0x7, v0;
	v8 =	vor.u32 $0x8, v0;
	v9 =	vor.u32 $0x9, v0;
	s6 =	sadd.s32 s7, s0;
	s0 =	sadd.s32 s5, s0  }
0xc: {  	v10 =	vor.u32 $0xA, v0;
	v11 =	vor.u32 $0xB, v0;
	v12 =	vor.u32 $0xC, v0;
	s3 =	ssub.s32 s3, s31;
	s7 =	sadd.s32 s2, s7;
	s5 =	sadd.s32 $0x800, s0  }
0xd: {  	v13 =	vor.u32 $0xD, v0;
	v14 =	vor.u32 $0xE, v0;
	v15 =	vor.u32 $0xF, v0;
	s6 =	sadd.s32 $0x600, s6;
	s8 =	sadd.s32 $0x8800, s0;
	s9 =	smax.u32 s3, $0x1  }
.LBB2_1:
0xe: {  	[tilespmem:s10], [sflag:$0x5] =	stream.linear.gather [hbm4b:s5+s4], $0x2000, $0x38;
	[tilespmem:$0x19A00] =	vst v63  }
0xf: {  	_ =	swait.ge [sflag:s11], $0x2000  }
0x10: {  	[sflag:s11] =	ssyncset.done $0x0  }
0x11: {  	s0 =	simm.s32 $0x4100;
	[sflag:s11] =	ssyncadd.s32 $0xFFFFE000  }
0x12: {  	[tilespmem:s0], [sflag:$0x2] =	stream.indirect.gather [hbm4b:s1+s12], $0x80, s10, s12, $0xb8;
	[tilespmem:$0x19A00] =	vst v63  }
0x13: {  	s16 =	simm.s32 $0x180;
	s2 =	simm.s32 $0x7300  }
0x14: {  	[tilespmem:s2], [sflag:$0x2] =	stream.indirect.gather [hbm4b:s1+s12], $0x80, s16, s12, $0xb8;
	[tilespmem:$0x19A00] =	vst v63  }
0x15: {  	s17 =	simm.s32 $0x200;
	s18 =	simm.s32 $0xA500  }
0x16: {  	[tilespmem:s18], [sflag:$0x3] =	stream.indirect.gather [hbm4b:s1+s12], $0x80, s17, s12, $0xb8;
	[tilespmem:$0x19A00] =	vst v63  }
0x17: {  	s19 =	simm.s32 $0x280;
	s22 =	simm.s32 $0xD700  }
0x18: {  	[tilespmem:s22], [sflag:$0x3] =	stream.indirect.gather [hbm4b:s1+s12], $0x80, s19, s12, $0xb8;
	[tilespmem:$0x19A00] =	vst v63  }
0x19: {  	_ = 	snop  }
0x1a: {  	[tilespmem:s4], [sflag:$0x5] =	stream.linear.gather [hbm4b:s6+s4], $0x20, $0x38;
	[tilespmem:$0x19A00] =	vst v63  }
0x1b: {  	_ =	swait.ge [sflag:s11], $0x20  }
0x1c: {  	[sflag:s11] =	ssyncset.done $0x0  }
0x1d: {  	[sflag:s11] =	ssyncadd.s32 $0xFFFFFFE0  }
0x1e: {  	[tilespmem:s20], [sflag:$0x5] =	stream.linear.gather [hbm4b:s7+s4], $0x20, $0x38;
	[tilespmem:$0x19A00] =	vst v63  }
0x1f: {  	_ =	swait.ge [sflag:s11], $0x20  }
0x20: {  	[sflag:s11] =	ssyncset.done $0x0  }
0x21: {  	s24 =	simm.s32 $0x2100;
	[sflag:s11] =	ssyncadd.s32 $0xFFFFFFE0  }
0x22: {  	[tilespmem:s24], [sflag:$0x1] =	stream.indirect.gather [hbm4b:s1+s21], $0x80, s4, s21, $0xb8;
	[tilespmem:$0x19A00] =	vst v63  }
0x23: {  	_ =	swait.ge [sflag:s23], $0x1000  }
0x24: {  	[sflag:s23] =	ssyncset.done $0x0  }
0x25: {  	[sflag:s23] =	ssyncadd.s32 $0xFFFFF000  }
0x26: {  	s31 =	simm.s32 $0x3100;
	s30 =	rddreg [dreg:$0x1]  }
0x27: {  	[tilespmem:s31], [sflag:$0x1] =	stream.indirect.gather [hbm4b:s30+s21], $0x80, s20, s21, $0xb8;
	[tilespmem:$0x19A00] =	vst v63  }
0x28: {  	_ =	swait.ge [sflag:s23], $0x1000  }
0x29: {  	[sflag:s23] =	ssyncset.done $0x0  }
0x2a: {  	s0 =	simm.s32 $0x0;
	[sflag:s23] =	ssyncadd.s32 $0xFFFFF000  }
0x2b: {  	v23 =	vld [tilespmem:s0+$0x3100]  }
0x2c: {  	v27 =	vld [tilespmem:s0+$0x3110]  }
0x2d: {  	v21 =	vld [tilespmem:s0+$0x3120]  }
0x2e: {  	v20 =	vld [tilespmem:s0+$0x3130]  }
0x2f: {  	v19 =	vld [tilespmem:s0+$0x3140]  }
0x30: {  	v18 =	vld [tilespmem:s0+$0x3150]  }
0x31: {  	v17 =	vld [tilespmem:s0+$0x3160]  }
0x32: {  	v16 =	vld [tilespmem:s0+$0x3170]  }
0x33: {  	v28 =	vld [tilespmem:s0+$0x2100]  }
0x34: {  	v29 =	vld [tilespmem:s0+$0x2110]  }
0x35: {  	v26 =	vld [tilespmem:s0+$0x2120]  }
0x36: {  	v25 =	vld [tilespmem:s0+$0x2130]  }
0x37: {  	v24 =	vld [tilespmem:s0+$0x2140]  }
0x38: {  	v22 =	vld [tilespmem:s0+$0x2150];
	v28 =	vadd.f32 v23, v28  }
0x39: {  	s2 =	simm.s32 $0x200;
	v27 =	vadd.f32 v27, v29;
	v23 =	vld [tilespmem:s0+$0x2160]  }
.LBB2_2:
0x3a: {  	s3 =	sshra.s32 s2, $0x2;
	p0 =	sne.s32 s2, $0x3E00;
	[tilespmem:s0+$0x2100] =	vst v28;
	v21 =	vadd.f32 v21, v26;
	v26 =	vld [tilespmem:s0+$0x2170]  }
0x3b: {  	v28 =	vld [tilespmem:s3+$0x3100];
	[tilespmem:s0+$0x2110] =	vst v27;
	v20 =	vadd.f32 v20, v25  }
0x3c: {  	v27 =	vld [tilespmem:s3+$0x3110];
	[tilespmem:s0+$0x2120] =	vst v21;
	v19 =	vadd.f32 v19, v24  }
0x3d: {  	v21 =	vld [tilespmem:s3+$0x3120];
	[tilespmem:s0+$0x2130] =	vst v20;
	v18 =	vadd.f32 v18, v22  }
0x3e: {  	v20 =	vld [tilespmem:s3+$0x3130];
	[tilespmem:s0+$0x2140] =	vst v19;
	v17 =	vadd.f32 v17, v23  }
0x3f: {  	v19 =	vld [tilespmem:s3+$0x3140];
	[tilespmem:s0+$0x2150] =	vst v18;
	v16 =	vadd.f32 v16, v26  }
0x40: {  	v18 =	vld [tilespmem:s3+$0x3150];
	[tilespmem:s0+$0x2160] =	vst v17  }
0x41: {  	v17 =	vld [tilespmem:s3+$0x3160];
	[tilespmem:s0+$0x2170] =	vst v16;
	s0 =	smov.u32 s3  }
0x42: {  	v16 =	vld [tilespmem:s0+$0x3170]  }
0x43: {  	v22 =	vld [tilespmem:s0+$0x2100]  }
0x44: {  	v23 =	vld [tilespmem:s0+$0x2110]  }
.Ltmp0:
0x45: {  	v26 =	vld [tilespmem:s0+$0x2120];
	(pc) =	sbr.rel @p0 .LBB2_2-.Ltmp0, $4  }
0x46: {  	v25 =	vld [tilespmem:s0+$0x2130]  }
0x47: {  	v24 =	vld [tilespmem:s0+$0x2140]  }
0x48: {  	v28 =	vadd.f32 v28, v22;
	v22 =	vld [tilespmem:s0+$0x2150]  }
0x49: {  	s2 =	sadd.s32 $0x200, s2;
	v27 =	vadd.f32 v27, v23;
	v23 =	vld [tilespmem:s0+$0x2160]  }
0x4a: {  	[tilespmem:s0+$0x2100] =	vst v28;
	v21 =	vadd.f32 v21, v26;
	v63 =	vld [tilespmem:s0+$0x2170]  }
0x4b: {  	[tilespmem:s0+$0x2110] =	vst v27;
	v20 =	vadd.f32 v20, v25  }
0x4c: {  	[tilespmem:s0+$0x2120] =	vst v21;
	v19 =	vadd.f32 v19, v24  }
0x4d: {  	[tilespmem:s0+$0x2130] =	vst v20;
	v18 =	vadd.f32 v18, v22  }
0x4e: {  	[tilespmem:s0+$0x2140] =	vst v19;
	v17 =	vadd.f32 v17, v23  }
0x4f: {  	[tilespmem:s0+$0x2150] =	vst v18;
	v16 =	vadd.f32 v16, v63  }
0x50: {  	[tilespmem:s0+$0x2160] =	vst v17  }
0x51: {  	s30 =	simm.s32 $0x0;
	[tilespmem:s0+$0x2170] =	vst v16  }
.LBB2_4:
0x52: {  	s0 =	smul.u32 $0xAB, s30;
	_ =	sdelay $0x1  }
0x53: {  	s0 =	sshrl.u32 s0, $0x9  }
0x54: {  	s0 =	sand.u32 $0x7F, s0  }
0x55: {  	s0 =	smul.u32 $0x3, s0  }
0x56: {  	p0 =	sgt.u32 s30, $0x1D  }
0x57: {  	s2 =	sadd.s32 @!p0 $0x2, s30;
	s0 =	ssub.s32 s30, s0  }
0x58: {  	s3 =	smul.u32 @!p0 $0xAB, s2;
	s0 =	sand.u32 $0xFF, s0  }
0x59: {  	p1 =	seq.s32 s0, $0x0  }
0x5a: {  	s3 =	sshrl.u32 @!p0 s3, $0x9;
	p2 =	sne.s32 @!p1 s0, $0x1  }
0x5b: {  	s13 =	simm.s32 $0x4;
	s3 =	sand.u32 @!p0 $0x7F, s3;
	p2 =	por !p2, p1  }
0x5c: {  	s3 =	smul.u32 @!p0 $0x3, s3;
	s13 =	simm.s32 @p2 $0x3  }
0x5d: {  	s13 =	simm.s32 @p1 $0x2  }
0x5e: {  	s3 =	ssub.s32 @!p0 s2, s3;
	_ =	swait.ge [sflag:s13], $0x3200  }
0x5f: {  	s3 =	sand.u32 @!p0 $0xFF, s3;
	[sflag:s13] =	ssyncset.done $0x0  }
0x60: {  	p1 =	seq.s32 @!p0 s3, $0x0;
	[sflag:s13] =	ssyncadd.s32 $0xFFFFCE00  }
0x61: {  	s2 =	sshll.u32 @!p0 s2, $0x8;
	p2 =	por !p1, p0;
	_ =	swait.ge [sflag:s13], $0x3200  }
0x62: {  	s2 =	sand.u32 @!p0 $0x3FFFFF00, s2;
	s14 =	simm.s32 @!p2 $0x64;
	[sflag:s13] =	ssyncset.done $0x0  }
0x63: {  	s15 =	simm.s32 @!p2 $0x4100;
	[sflag:s13] =	ssyncadd.s32 $0xFFFFCE00;
	s13 =	sadd.s32 @!p0 $0x100, s2  }
0x64: {  	[tilespmem:s15], [sflag:$0x2] =	stream.indirect.gather @!p2 [hbm4b:s1+s14], $0x80, s13, s14, $0xb8;
	[tilespmem:$0x19A00] =	vst v63  }
0x65: {  	s2 =	sadd.s32 @!p0 $0x180, s2;
	s15 =	simm.s32 @!p2 $0x7300  }
0x66: {  	[tilespmem:s15], [sflag:$0x2] =	stream.indirect.gather @!p2 [hbm4b:s1+s14], $0x80, s2, s14, $0xb8;
	[tilespmem:$0x19A00] =	vst v63  }
0x67: {  	p2 =	por p1, p0  }
0x68: {  	p2 =	seq.s32 @!p2 s3, $0x1  }
0x69: {  	p3 =	por @!p0 !p2, p1  }
0x6a: {  	p3 =	por p3, p0  }
0x6b: {  	p1 =	por @!p0 p2, p1;
	s3 =	simm.s32 @!p3 $0x64;
	s14 =	simm.s32 @!p3 $0xA500  }
0x6c: {  	[tilespmem:s14], [sflag:$0x3] =	stream.indirect.gather @!p3 [hbm4b:s1+s3], $0x80, s13, s3, $0xb8;
	[tilespmem:$0x19A00] =	vst v63  }
0x6d: {  	p0 =	por p1, p0;
	s14 =	simm.s32 @!p3 $0xD700  }
0x6e: {  	[tilespmem:s14], [sflag:$0x3] =	stream.indirect.gather @!p3 [hbm4b:s1+s3], $0x80, s2, s3, $0xb8;
	[tilespmem:$0x19A00] =	vst v63  }
0x6f: {  	s3 =	simm.s32 @!p0 $0x64;
	s14 =	simm.s32 @!p0 $0x10900  }
0x70: {  	[tilespmem:s14], [sflag:$0x4] =	stream.indirect.gather @!p0 [hbm4b:s1+s3], $0x80, s13, s3, $0xb8;
	[tilespmem:$0x19A00] =	vst v63  }
0x71: {  	s24 =	sshll.u32 s30, $0x7;
	s0 =	smul.u32 $0x19000, s0;
	s13 =	simm.s32 @!p0 $0x13B00  }
0x72: {  	[tilespmem:s13], [sflag:$0x4] =	stream.indirect.gather @!p0 [hbm4b:s1+s3], $0x80, s2, s3, $0xb8;
	[tilespmem:$0x19A00] =	vst v63  }
0x73: {  	v16 =	vld [tilespmem:s24+$0x2100]  }
0x74: {  	s0 =	sshrl.u32 s0, $0x2;
	v17 =	vld [tilespmem:s24+$0x2110]  }
0x75: {  	s0 =	sadd.s32 $0x4100, s0;
	v18 =	vld [tilespmem:s24+$0x2120]  }
0x76: {  	v24 =	vmov s0;
	v20 =	vld [tilespmem:s24+$0x2130]  }
0x77: {  	v21 =	vld [tilespmem:s24+$0x2140]  }
0x78: {  	v22 =	vld [tilespmem:s24+$0x2150]  }
0x79: {  	s17 =	smin.u32 s29, $0xB8;
	v19 =	vld [tilespmem:s24+$0x2160]  }
0x7a: {  	s18 =	sshll.u32 s17, $0x7;
	v23 =	vld [tilespmem:s24+$0x2170]  }
0x7b: {  	v25 =	vld.idx.msk [tilespmem:v24+s18+$0x0 ss:$0x1], $0xffff  }
0x7c: {  	v26 =	vld.idx.msk [tilespmem:v24+s18+$0x10 ss:$0x1], $0xffff  }
0x7d: {  	v27 =	vld.idx.msk [tilespmem:v24+s18+$0x20 ss:$0x1], $0xffff  }
0x7e: {  	v28 =	vld.idx.msk [tilespmem:v24+s18+$0x30 ss:$0x1], $0xffff  }
0x7f: {  	v29 =	vld.idx.msk [tilespmem:v24+s18+$0x40 ss:$0x1], $0xffff  }
0x80: {  	v30 =	vld.idx.msk [tilespmem:v24+s18+$0x50 ss:$0x1], $0xffff  }
0x81: {  	v31 =	vld.idx.msk [tilespmem:v24+s18+$0x60 ss:$0x1], $0xffff  }
0x82: {  	v32 =	vld.idx.msk [tilespmem:v24+s18+$0x70 ss:$0x1], $0xffff;
	_ =	sdelay $0x1  }
0x83: {  	v25 =	vsub.f32 v16, v25;
	v26 =	vsub.f32 v17, v26  }
0x84: {  	v27 =	vsub.f32 v18, v27;
	v28 =	vsub.f32 v20, v28  }
0x85: {  	v29 =	vsub.f32 v21, v29;
	v30 =	vsub.f32 v22, v30  }
0x86: {  	v31 =	vsub.f32 v19, v31;
	v32 =	vsub.f32 v23, v32;
	v25 =	vand.u32 $0x7FFFFFFF, v25  }
0x87: {  	v26 =	vand.u32 $0x7FFFFFFF, v26;
	v27 =	vand.u32 $0x7FFFFFFF, v27;
	v28 =	vand.u32 $0x7FFFFFFF, v28  }
0x88: {  	v25 =	vadd.f32 v26, v25;
	v26 =	vadd.f32 v28, v27;
	v27 =	vand.u32 $0x7FFFFFFF, v29  }
0x89: {  	v28 =	vand.u32 $0x7FFFFFFF, v30;
	v29 =	vand.u32 $0x7FFFFFFF, v31;
	v30 =	vand.u32 $0x7FFFFFFF, v32  }
0x8a: {  	v27 =	vadd.f32 v28, v27;
	v28 =	vadd.f32 v30, v29  }
0x8b: {  	v29 =	vor.u32 s29, v0  }
0x8c: {  	v25 =	vadd.f32 v26, v25;
	v26 =	vadd.f32 v28, v27;
	_ =	sdelay $0x1  }
0x8d: {  	v25 =	vadd.f32 v26, v25;
	_ =	sdelay $0x1  }
0x8e: {  	[tilespmem:v29+s25+$0x0] =	vst.idx.msk $0xffff, v25  }
0x8f: {  	v25 =	vld.idx.msk [tilespmem:v24+s18+$0x80 ss:$0x1], $0xffff  }
0x90: {  	v26 =	vld.idx.msk [tilespmem:v24+s18+$0x90 ss:$0x1], $0xffff  }
0x91: {  	v27 =	vld.idx.msk [tilespmem:v24+s18+$0xA0 ss:$0x1], $0xffff  }
0x92: {  	v28 =	vld.idx.msk [tilespmem:v24+s18+$0xB0 ss:$0x1], $0xffff  }
0x93: {  	v29 =	vld.idx.msk [tilespmem:v24+s18+$0xC0 ss:$0x1], $0xffff  }
0x94: {  	v30 =	vld.idx.msk [tilespmem:v24+s18+$0xD0 ss:$0x1], $0xffff  }
0x95: {  	v31 =	vld.idx.msk [tilespmem:v24+s18+$0xE0 ss:$0x1], $0xffff  }
0x96: {  	v45 =	vld.idx.msk [tilespmem:v24+s18+$0xF0 ss:$0x1], $0xffff;
	_ =	sdelay $0x1  }
0x97: {  	v25 =	vsub.f32 v16, v25;
	v26 =	vsub.f32 v17, v26  }
0x98: {  	v27 =	vsub.f32 v18, v27;
	v28 =	vsub.f32 v20, v28  }
0x99: {  	v29 =	vsub.f32 v21, v29;
	v30 =	vsub.f32 v22, v30  }
0x9a: {  	v31 =	vsub.f32 v19, v31;
	v32 =	vsub.f32 v23, v45;
	v25 =	vand.u32 $0x7FFFFFFF, v25  }
0x9b: {  	v26 =	vand.u32 $0x7FFFFFFF, v26;
	v27 =	vand.u32 $0x7FFFFFFF, v27;
	v28 =	vand.u32 $0x7FFFFFFF, v28  }
0x9c: {  	v29 =	vand.u32 $0x7FFFFFFF, v29;
	v30 =	vand.u32 $0x7FFFFFFF, v30;
	v31 =	vand.u32 $0x7FFFFFFF, v31  }
0x9d: {  	v25 =	vadd.f32 v26, v25;
	v26 =	vand.u32 $0x7FFFFFFF, v32;
	v27 =	vadd.f32 v28, v27  }
0x9e: {  	v28 =	vadd.f32 v30, v29;
	v26 =	vadd.f32 v26, v31  }
0x9f: {  	v29 =	vor.u32 s29, v1  }
0xa0: {  	v25 =	vadd.f32 v27, v25;
	v26 =	vadd.f32 v26, v28;
	_ =	sdelay $0x1  }
0xa1: {  	v25 =	vadd.f32 v26, v25;
	_ =	sdelay $0x1  }
0xa2: {  	[tilespmem:v29+s25+$0x0] =	vst.idx.msk $0xffff, v25  }
0xa3: {  	v25 =	vld.idx.msk [tilespmem:v24+s18+$0x100 ss:$0x1], $0xffff  }
0xa4: {  	v26 =	vld.idx.msk [tilespmem:v24+s18+$0x110 ss:$0x1], $0xffff  }
0xa5: {  	v27 =	vld.idx.msk [tilespmem:v24+s18+$0x120 ss:$0x1], $0xffff  }
0xa6: {  	v28 =	vld.idx.msk [tilespmem:v24+s18+$0x130 ss:$0x1], $0xffff  }
0xa7: {  	v29 =	vld.idx.msk [tilespmem:v24+s18+$0x140 ss:$0x1], $0xffff  }
0xa8: {  	v30 =	vld.idx.msk [tilespmem:v24+s18+$0x150 ss:$0x1], $0xffff  }
0xa9: {  	v31 =	vld.idx.msk [tilespmem:v24+s18+$0x160 ss:$0x1], $0xffff  }
0xaa: {  	v46 =	vld.idx.msk [tilespmem:v24+s18+$0x170 ss:$0x1], $0xffff;
	_ =	sdelay $0x1  }
0xab: {  	v25 =	vsub.f32 v16, v25;
	v26 =	vsub.f32 v17, v26  }
0xac: {  	v27 =	vsub.f32 v18, v27;
	v28 =	vsub.f32 v20, v28  }
0xad: {  	v29 =	vsub.f32 v21, v29;
	v30 =	vsub.f32 v22, v30  }
0xae: {  	v31 =	vsub.f32 v19, v31;
	v32 =	vsub.f32 v23, v46;
	v25 =	vand.u32 $0x7FFFFFFF, v25  }
0xaf: {  	v26 =	vand.u32 $0x7FFFFFFF, v26;
	v27 =	vand.u32 $0x7FFFFFFF, v27;
	v28 =	vand.u32 $0x7FFFFFFF, v28  }
0xb0: {  	v29 =	vand.u32 $0x7FFFFFFF, v29;
	v30 =	vand.u32 $0x7FFFFFFF, v30;
	v31 =	vand.u32 $0x7FFFFFFF, v31  }
0xb1: {  	v32 =	vand.u32 $0x7FFFFFFF, v32;
	v25 =	vadd.f32 v26, v25;
	v26 =	vadd.f32 v28, v27  }
0xb2: {  	v27 =	vadd.f32 v30, v29;
	v28 =	vadd.f32 v32, v31  }
0xb3: {  	v29 =	vor.u32 s29, v2  }
0xb4: {  	v25 =	vadd.f32 v26, v25;
	v26 =	vadd.f32 v28, v27;
	_ =	sdelay $0x1  }
0xb5: {  	v25 =	vadd.f32 v26, v25;
	_ =	sdelay $0x1  }
0xb6: {  	[tilespmem:v29+s25+$0x0] =	vst.idx.msk $0xffff, v25  }
0xb7: {  	v25 =	vld.idx.msk [tilespmem:v24+s18+$0x180 ss:$0x1], $0xffff  }
0xb8: {  	v26 =	vld.idx.msk [tilespmem:v24+s18+$0x190 ss:$0x1], $0xffff  }
0xb9: {  	v27 =	vld.idx.msk [tilespmem:v24+s18+$0x1A0 ss:$0x1], $0xffff  }
0xba: {  	v28 =	vld.idx.msk [tilespmem:v24+s18+$0x1B0 ss:$0x1], $0xffff  }
0xbb: {  	v29 =	vld.idx.msk [tilespmem:v24+s18+$0x1C0 ss:$0x1], $0xffff  }
0xbc: {  	v30 =	vld.idx.msk [tilespmem:v24+s18+$0x1D0 ss:$0x1], $0xffff  }
0xbd: {  	v31 =	vld.idx.msk [tilespmem:v24+s18+$0x1E0 ss:$0x1], $0xffff  }
0xbe: {  	v47 =	vld.idx.msk [tilespmem:v24+s18+$0x1F0 ss:$0x1], $0xffff;
	_ =	sdelay $0x1  }
0xbf: {  	v25 =	vsub.f32 v16, v25;
	v26 =	vsub.f32 v17, v26  }
0xc0: {  	v27 =	vsub.f32 v18, v27;
	v28 =	vsub.f32 v20, v28  }
0xc1: {  	v29 =	vsub.f32 v21, v29;
	v30 =	vsub.f32 v22, v30  }
0xc2: {  	v31 =	vsub.f32 v19, v31;
	v32 =	vsub.f32 v23, v47;
	v25 =	vand.u32 $0x7FFFFFFF, v25  }
0xc3: {  	v26 =	vand.u32 $0x7FFFFFFF, v26;
	v27 =	vand.u32 $0x7FFFFFFF, v27;
	v28 =	vand.u32 $0x7FFFFFFF, v28  }
0xc4: {  	v29 =	vand.u32 $0x7FFFFFFF, v29;
	v30 =	vand.u32 $0x7FFFFFFF, v30;
	v31 =	vand.u32 $0x7FFFFFFF, v31  }
0xc5: {  	v32 =	vand.u32 $0x7FFFFFFF, v32;
	v25 =	vadd.f32 v26, v25;
	v26 =	vadd.f32 v28, v27  }
0xc6: {  	v27 =	vadd.f32 v30, v29;
	v28 =	vadd.f32 v32, v31  }
0xc7: {  	v29 =	vor.u32 s29, v3  }
0xc8: {  	v25 =	vadd.f32 v26, v25;
	v26 =	vadd.f32 v28, v27;
	_ =	sdelay $0x1  }
0xc9: {  	v25 =	vadd.f32 v26, v25;
	_ =	sdelay $0x1  }
0xca: {  	[tilespmem:v29+s25+$0x0] =	vst.idx.msk $0xffff, v25  }
0xcb: {  	v25 =	vld.idx.msk [tilespmem:v24+s18+$0x200 ss:$0x1], $0xffff  }
0xcc: {  	v26 =	vld.idx.msk [tilespmem:v24+s18+$0x210 ss:$0x1], $0xffff  }
0xcd: {  	v27 =	vld.idx.msk [tilespmem:v24+s18+$0x220 ss:$0x1], $0xffff  }
0xce: {  	v28 =	vld.idx.msk [tilespmem:v24+s18+$0x230 ss:$0x1], $0xffff  }
0xcf: {  	v29 =	vld.idx.msk [tilespmem:v24+s18+$0x240 ss:$0x1], $0xffff  }
0xd0: {  	v30 =	vld.idx.msk [tilespmem:v24+s18+$0x250 ss:$0x1], $0xffff  }
0xd1: {  	v31 =	vld.idx.msk [tilespmem:v24+s18+$0x260 ss:$0x1], $0xffff  }
0xd2: {  	v48 =	vld.idx.msk [tilespmem:v24+s18+$0x270 ss:$0x1], $0xffff;
	_ =	sdelay $0x1  }
0xd3: {  	v25 =	vsub.f32 v16, v25;
	v26 =	vsub.f32 v17, v26  }
0xd4: {  	v27 =	vsub.f32 v18, v27;
	v28 =	vsub.f32 v20, v28  }
0xd5: {  	v29 =	vsub.f32 v21, v29;
	v30 =	vsub.f32 v22, v30  }
0xd6: {  	v31 =	vsub.f32 v19, v31;
	v32 =	vsub.f32 v23, v48;
	v25 =	vand.u32 $0x7FFFFFFF, v25  }
0xd7: {  	v26 =	vand.u32 $0x7FFFFFFF, v26;
	v27 =	vand.u32 $0x7FFFFFFF, v27;
	v28 =	vand.u32 $0x7FFFFFFF, v28  }
0xd8: {  	v29 =	vand.u32 $0x7FFFFFFF, v29;
	v30 =	vand.u32 $0x7FFFFFFF, v30;
	v31 =	vand.u32 $0x7FFFFFFF, v31  }
0xd9: {  	v32 =	vand.u32 $0x7FFFFFFF, v32;
	v25 =	vadd.f32 v26, v25;
	v26 =	vadd.f32 v28, v27  }
0xda: {  	v27 =	vadd.f32 v30, v29;
	v28 =	vadd.f32 v32, v31  }
0xdb: {  	v29 =	vor.u32 s29, v4  }
0xdc: {  	v25 =	vadd.f32 v26, v25;
	v26 =	vadd.f32 v28, v27;
	_ =	sdelay $0x1  }
0xdd: {  	v25 =	vadd.f32 v26, v25;
	_ =	sdelay $0x1  }
0xde: {  	[tilespmem:v29+s25+$0x0] =	vst.idx.msk $0xffff, v25  }
0xdf: {  	v25 =	vld.idx.msk [tilespmem:v24+s18+$0x280 ss:$0x1], $0xffff  }
0xe0: {  	v26 =	vld.idx.msk [tilespmem:v24+s18+$0x290 ss:$0x1], $0xffff  }
0xe1: {  	v27 =	vld.idx.msk [tilespmem:v24+s18+$0x2A0 ss:$0x1], $0xffff  }
0xe2: {  	v28 =	vld.idx.msk [tilespmem:v24+s18+$0x2B0 ss:$0x1], $0xffff  }
0xe3: {  	v29 =	vld.idx.msk [tilespmem:v24+s18+$0x2C0 ss:$0x1], $0xffff  }
0xe4: {  	v30 =	vld.idx.msk [tilespmem:v24+s18+$0x2D0 ss:$0x1], $0xffff  }
0xe5: {  	v31 =	vld.idx.msk [tilespmem:v24+s18+$0x2E0 ss:$0x1], $0xffff  }
0xe6: {  	v49 =	vld.idx.msk [tilespmem:v24+s18+$0x2F0 ss:$0x1], $0xffff;
	_ =	sdelay $0x1  }
0xe7: {  	v25 =	vsub.f32 v16, v25;
	v26 =	vsub.f32 v17, v26  }
0xe8: {  	v27 =	vsub.f32 v18, v27;
	v28 =	vsub.f32 v20, v28  }
0xe9: {  	v29 =	vsub.f32 v21, v29;
	v30 =	vsub.f32 v22, v30  }
0xea: {  	v31 =	vsub.f32 v19, v31;
	v32 =	vsub.f32 v23, v49;
	v25 =	vand.u32 $0x7FFFFFFF, v25  }
0xeb: {  	v26 =	vand.u32 $0x7FFFFFFF, v26;
	v27 =	vand.u32 $0x7FFFFFFF, v27;
	v28 =	vand.u32 $0x7FFFFFFF, v28  }
0xec: {  	v29 =	vand.u32 $0x7FFFFFFF, v29;
	v30 =	vand.u32 $0x7FFFFFFF, v30;
	v31 =	vand.u32 $0x7FFFFFFF, v31  }
0xed: {  	v32 =	vand.u32 $0x7FFFFFFF, v32;
	v25 =	vadd.f32 v26, v25;
	v26 =	vadd.f32 v28, v27  }
0xee: {  	v27 =	vadd.f32 v30, v29;
	v28 =	vadd.f32 v32, v31  }
0xef: {  	v29 =	vor.u32 s29, v5  }
0xf0: {  	v25 =	vadd.f32 v26, v25;
	v26 =	vadd.f32 v28, v27;
	_ =	sdelay $0x1  }
0xf1: {  	v25 =	vadd.f32 v26, v25;
	_ =	sdelay $0x1  }
0xf2: {  	[tilespmem:v29+s25+$0x0] =	vst.idx.msk $0xffff, v25  }
0xf3: {  	v25 =	vld.idx.msk [tilespmem:v24+s18+$0x300 ss:$0x1], $0xffff  }
0xf4: {  	v26 =	vld.idx.msk [tilespmem:v24+s18+$0x310 ss:$0x1], $0xffff  }
0xf5: {  	v27 =	vld.idx.msk [tilespmem:v24+s18+$0x320 ss:$0x1], $0xffff  }
0xf6: {  	v28 =	vld.idx.msk [tilespmem:v24+s18+$0x330 ss:$0x1], $0xffff  }
0xf7: {  	v29 =	vld.idx.msk [tilespmem:v24+s18+$0x340 ss:$0x1], $0xffff  }
0xf8: {  	v30 =	vld.idx.msk [tilespmem:v24+s18+$0x350 ss:$0x1], $0xffff  }
0xf9: {  	v31 =	vld.idx.msk [tilespmem:v24+s18+$0x360 ss:$0x1], $0xffff  }
0xfa: {  	v50 =	vld.idx.msk [tilespmem:v24+s18+$0x370 ss:$0x1], $0xffff;
	_ =	sdelay $0x1  }
0xfb: {  	v25 =	vsub.f32 v16, v25;
	v26 =	vsub.f32 v17, v26  }
0xfc: {  	v27 =	vsub.f32 v18, v27;
	v28 =	vsub.f32 v20, v28  }
0xfd: {  	v29 =	vsub.f32 v21, v29;
	v30 =	vsub.f32 v22, v30  }
0xfe: {  	v31 =	vsub.f32 v19, v31;
	v32 =	vsub.f32 v23, v50;
	v25 =	vand.u32 $0x7FFFFFFF, v25  }
0xff: {  	v26 =	vand.u32 $0x7FFFFFFF, v26;
	v27 =	vand.u32 $0x7FFFFFFF, v27;
	v28 =	vand.u32 $0x7FFFFFFF, v28  }
0x100: {  	v29 =	vand.u32 $0x7FFFFFFF, v29;
	v30 =	vand.u32 $0x7FFFFFFF, v30;
	v31 =	vand.u32 $0x7FFFFFFF, v31  }
0x101: {  	v32 =	vand.u32 $0x7FFFFFFF, v32;
	v25 =	vadd.f32 v26, v25;
	v26 =	vadd.f32 v28, v27  }
0x102: {  	v27 =	vadd.f32 v30, v29;
	v28 =	vadd.f32 v32, v31  }
0x103: {  	v29 =	vor.u32 s29, v6  }
0x104: {  	v25 =	vadd.f32 v26, v25;
	v26 =	vadd.f32 v28, v27;
	_ =	sdelay $0x1  }
0x105: {  	v25 =	vadd.f32 v26, v25;
	_ =	sdelay $0x1  }
0x106: {  	[tilespmem:v29+s25+$0x0] =	vst.idx.msk $0xffff, v25  }
0x107: {  	v25 =	vld.idx.msk [tilespmem:v24+s18+$0x380 ss:$0x1], $0xffff  }
0x108: {  	v26 =	vld.idx.msk [tilespmem:v24+s18+$0x390 ss:$0x1], $0xffff  }
0x109: {  	v27 =	vld.idx.msk [tilespmem:v24+s18+$0x3A0 ss:$0x1], $0xffff  }
0x10a: {  	v28 =	vld.idx.msk [tilespmem:v24+s18+$0x3B0 ss:$0x1], $0xffff  }
0x10b: {  	v29 =	vld.idx.msk [tilespmem:v24+s18+$0x3C0 ss:$0x1], $0xffff  }
0x10c: {  	v30 =	vld.idx.msk [tilespmem:v24+s18+$0x3D0 ss:$0x1], $0xffff  }
0x10d: {  	v31 =	vld.idx.msk [tilespmem:v24+s18+$0x3E0 ss:$0x1], $0xffff  }
0x10e: {  	v51 =	vld.idx.msk [tilespmem:v24+s18+$0x3F0 ss:$0x1], $0xffff  }
0x10f: {  	s19 =	simm.s32 $0x10  }
0x110: {  	s31 =	smin.u32 s19, $0xB8;
	v25 =	vsub.f32 v16, v25;
	v26 =	vsub.f32 v17, v26  }
0x111: {  	s0 =	sshll.u32 s31, $0x7;
	v27 =	vsub.f32 v18, v27;
	v28 =	vsub.f32 v20, v28  }
0x112: {  	v33 =	vld.idx.msk [tilespmem:v24+s0+$0x0 ss:$0x1], $0xffff;
	v29 =	vsub.f32 v21, v29;
	v30 =	vsub.f32 v22, v30  }
0x113: {  	v34 =	vld.idx.msk [tilespmem:v24+s0+$0x10 ss:$0x1], $0xffff;
	v31 =	vsub.f32 v19, v31;
	v32 =	vsub.f32 v23, v51;
	v25 =	vand.u32 $0x7FFFFFFF, v25  }
0x114: {  	v35 =	vld.idx.msk [tilespmem:v24+s0+$0x20 ss:$0x1], $0xffff;
	v26 =	vand.u32 $0x7FFFFFFF, v26;
	v27 =	vand.u32 $0x7FFFFFFF, v27;
	v28 =	vand.u32 $0x7FFFFFFF, v28  }
0x115: {  	v36 =	vld.idx.msk [tilespmem:v24+s0+$0x30 ss:$0x1], $0xffff;
	v29 =	vand.u32 $0x7FFFFFFF, v29;
	v30 =	vand.u32 $0x7FFFFFFF, v30;
	v31 =	vand.u32 $0x7FFFFFFF, v31  }
0x116: {  	v37 =	vld.idx.msk [tilespmem:v24+s0+$0x40 ss:$0x1], $0xffff;
	v32 =	vand.u32 $0x7FFFFFFF, v32;
	v25 =	vadd.f32 v26, v25;
	v26 =	vadd.f32 v28, v27  }
0x117: {  	v52 =	vld.idx.msk [tilespmem:v24+s0+$0x70 ss:$0x1], $0xffff;
	v28 =	vadd.f32 v30, v29;
	v29 =	vadd.f32 v32, v31  }
0x118: {  	v27 =	vld.idx.msk [tilespmem:v24+s0+$0x50 ss:$0x1], $0xffff;
	v31 =	vor.u32 s29, v7  }
0x119: {  	v30 =	vld.idx.msk [tilespmem:v24+s0+$0x60 ss:$0x1], $0xffff;
	v25 =	vadd.f32 v26, v25;
	v26 =	vadd.f32 v29, v28  }
0x11a: {  	v53 =	vsub.f32 v20, v36;
	v28 =	vsub.f32 v16, v33  }
0x11b: {  	v29 =	vsub.f32 v17, v34;
	v25 =	vadd.f32 v26, v25  }
0x11c: {  	v54 =	vsub.f32 v21, v37;
	v55 =	vand.u32 $0x7FFFFFFF, v53;
	v26 =	vsub.f32 v18, v35  }
0x11d: {  	v29 =	vand.u32 $0x7FFFFFFF, v29;
	v27 =	vsub.f32 v22, v27;
	[tilespmem:v31+s25+$0x0] =	vst.idx.msk $0xffff, v25;
	v25 =	vand.u32 $0x7FFFFFFF, v28  }
0x11e: {  	v28 =	vsub.f32 v19, v30;
	v30 =	vsub.f32 v23, v52;
	v26 =	vand.u32 $0x7FFFFFFF, v26;
	v31 =	vld.idx.msk [tilespmem:v24+s18+$0x400 ss:$0x1], $0xffff  }
0x11f: {  	v56 =	vld.idx.msk [tilespmem:v24+s18+$0x410 ss:$0x1], $0xffff;
	v25 =	vadd.f32 v29, v25;
	v26 =	vadd.f32 v55, v26;
	v29 =	vand.u32 $0x7FFFFFFF, v54  }
0x120: {  	v57 =	vld.idx.msk [tilespmem:v24+s18+$0x420 ss:$0x1], $0xffff;
	v27 =	vand.u32 $0x7FFFFFFF, v27;
	v28 =	vand.u32 $0x7FFFFFFF, v28;
	v30 =	vand.u32 $0x7FFFFFFF, v30  }
0x121: {  	v58 =	vld.idx.msk [tilespmem:v24+s18+$0x430 ss:$0x1], $0xffff;
	v27 =	vadd.f32 v27, v29;
	v28 =	vadd.f32 v30, v28  }
0x122: {  	s3 =	simm.s32 $0x100;
	v59 =	vld.idx.msk [tilespmem:v24+s18+$0x470 ss:$0x1], $0xffff  }
0x123: {  	v29 =	vld.idx.msk [tilespmem:v24+s18+$0x440 ss:$0x1], $0xffff;
	v25 =	vadd.f32 v26, v25;
	v26 =	vadd.f32 v28, v27;
	v27 =	vor.u32 s3, v0  }
0x124: {  	v30 =	vld.idx.msk [tilespmem:v24+s18+$0x450 ss:$0x1], $0xffff  }
0x125: {  	v28 =	vld.idx.msk [tilespmem:v24+s18+$0x460 ss:$0x1], $0xffff;
	v32 =	vsub.f32 v18, v57  }
0x126: {  	v60 =	vsub.f32 v20, v58;
	v25 =	vadd.f32 v26, v25  }
0x127: {  	v26 =	vsub.f32 v16, v31  }
0x128: {  	v31 =	vsub.f32 v17, v56;
	v32 =	vand.u32 $0x7FFFFFFF, v32;
	v33 =	vand.u32 $0x7FFFFFFF, v60;
	[tilespmem:v27+s25+$0x0] =	vst.idx.msk $0xffff, v25  }
0x129: {  	v26 =	vand.u32 $0x7FFFFFFF, v26;
	v25 =	vsub.f32 v21, v29;
	v27 =	vsub.f32 v22, v30;
	v29 =	vld.idx.msk [tilespmem:v24+s0+$0x80 ss:$0x1], $0xffff  }
0x12a: {  	v31 =	vand.u32 $0x7FFFFFFF, v31;
	v28 =	vsub.f32 v19, v28;
	v30 =	vsub.f32 v23, v59;
	v61 =	vld.idx.msk [tilespmem:v24+s0+$0x90 ss:$0x1], $0xffff  }
0x12b: {  	v26 =	vadd.f32 v31, v26;
	v31 =	vadd.f32 v33, v32;
	v62 =	vld.idx.msk [tilespmem:v24+s0+$0xA0 ss:$0x1], $0xffff  }
0x12c: {  	v63 =	vld.idx.msk [tilespmem:v24+s0+$0xB0 ss:$0x1], $0xffff;
	v25 =	vand.u32 $0x7FFFFFFF, v25;
	v27 =	vand.u32 $0x7FFFFFFF, v27  }
0x12d: {  	v37 =	vld.idx.msk [tilespmem:v24+s0+$0xC0 ss:$0x1], $0xffff;
	v28 =	vand.u32 $0x7FFFFFFF, v28;
	v30 =	vand.u32 $0x7FFFFFFF, v30;
	v26 =	vadd.f32 v31, v26  }
0x12e: {  	v31 =	vld.idx.msk [tilespmem:v24+s0+$0xF0 ss:$0x1], $0xffff;
	v25 =	vadd.f32 v27, v25;
	v27 =	vadd.f32 v30, v28  }
0x12f: {  	v28 =	vld.idx.msk [tilespmem:v24+s0+$0xD0 ss:$0x1], $0xffff;
	v30 =	vor.u32 s29, v8  }
0x130: {  	v25 =	vadd.f32 v27, v25;
	v27 =	vld.idx.msk [tilespmem:v24+s0+$0xE0 ss:$0x1], $0xffff  }
0x131: {  	v38 =	vsub.f32 v18, v62;
	v39 =	vsub.f32 v20, v63  }
0x132: {  	v25 =	vadd.f32 v25, v26;
	v26 =	vsub.f32 v16, v29  }
0x133: {  	v29 =	vsub.f32 v17, v61;
	v31 =	vsub.f32 v23, v31  }
0x134: {  	v28 =	vsub.f32 v22, v28;
	[tilespmem:v30+s25+$0x0] =	vst.idx.msk $0xffff, v25;
	v25 =	vsub.f32 v21, v37  }
0x135: {  	v26 =	vand.u32 $0x7FFFFFFF, v26;
	v29 =	vand.u32 $0x7FFFFFFF, v29;
	v30 =	vld.idx.msk [tilespmem:v24+s18+$0x480 ss:$0x1], $0xffff;
	v27 =	vsub.f32 v19, v27  }
0x136: {  	v33 =	vand.u32 $0x7FFFFFFF, v38;
	v40 =	vld.idx.msk [tilespmem:v24+s18+$0x490 ss:$0x1], $0xffff;
	v28 =	vand.u32 $0x7FFFFFFF, v28;
	v26 =	vadd.f32 v29, v26  }
0x137: {  	v41 =	vld.idx.msk [tilespmem:v24+s18+$0x4A0 ss:$0x1], $0xffff;
	v29 =	vand.u32 $0x7FFFFFFF, v31;
	v25 =	vand.u32 $0x7FFFFFFF, v25;
	v27 =	vand.u32 $0x7FFFFFFF, v27  }
0x138: {  	v34 =	vand.u32 $0x7FFFFFFF, v39;
	v42 =	vld.idx.msk [tilespmem:v24+s18+$0x4B0 ss:$0x1], $0xffff;
	v25 =	vadd.f32 v28, v25;
	v27 =	vadd.f32 v29, v27  }
0x139: {  	v31 =	vadd.f32 v34, v33;
	v43 =	vld.idx.msk [tilespmem:v24+s18+$0x4C0 ss:$0x1], $0xffff  }
0x13a: {  	v28 =	vld.idx.msk [tilespmem:v24+s18+$0x4D0 ss:$0x1], $0xffff;
	v25 =	vadd.f32 v27, v25;
	v27 =	vor.u32 s3, v1  }
0x13b: {  	v26 =	vadd.f32 v31, v26;
	v31 =	vld.idx.msk [tilespmem:v24+s18+$0x4F0 ss:$0x1], $0xffff  }
0x13c: {  	v29 =	vld.idx.msk [tilespmem:v24+s18+$0x4E0 ss:$0x1], $0xffff  }
0x13d: {  	v44 =	vsub.f32 v18, v41;
	v25 =	vadd.f32 v25, v26  }
0x13e: {  	v45 =	vsub.f32 v20, v42;
	v26 =	vsub.f32 v16, v30  }
0x13f: {  	v33 =	vsub.f32 v21, v43;
	v30 =	vsub.f32 v17, v40;
	v32 =	vand.u32 $0x7FFFFFFF, v44;
	[tilespmem:v27+s25+$0x0] =	vst.idx.msk $0xffff, v25  }
0x140: {  	v34 =	vand.u32 $0x7FFFFFFF, v45;
	v26 =	vand.u32 $0x7FFFFFFF, v26;
	v25 =	vsub.f32 v22, v28;
	v28 =	vld.idx.msk [tilespmem:v24+s0+$0x100 ss:$0x1], $0xffff  }
0x141: {  	v30 =	vand.u32 $0x7FFFFFFF, v30;
	v27 =	vsub.f32 v19, v29;
	v29 =	vsub.f32 v23, v31;
	v31 =	vld.idx.msk [tilespmem:v24+s0+$0x110 ss:$0x1], $0xffff  }
0x142: {  	v33 =	vand.u32 $0x7FFFFFFF, v33;
	v26 =	vadd.f32 v30, v26;
	v30 =	vadd.f32 v34, v32;
	v46 =	vld.idx.msk [tilespmem:v24+s0+$0x120 ss:$0x1], $0xffff  }
0x143: {  	v49 =	vld.idx.msk [tilespmem:v24+s0+$0x160 ss:$0x1], $0xffff;
	v25 =	vand.u32 $0x7FFFFFFF, v25;
	v27 =	vand.u32 $0x7FFFFFFF, v27;
	v29 =	vand.u32 $0x7FFFFFFF, v29  }
0x144: {  	v47 =	vld.idx.msk [tilespmem:v24+s0+$0x130 ss:$0x1], $0xffff;
	v25 =	vadd.f32 v25, v33;
	v27 =	vadd.f32 v29, v27  }
0x145: {  	v29 =	vld.idx.msk [tilespmem:v24+s0+$0x150 ss:$0x1], $0xffff  }
0x146: {  	v50 =	vor.u32 s29, v9;
	v48 =	vld.idx.msk [tilespmem:v24+s0+$0x140 ss:$0x1], $0xffff;
	v26 =	vadd.f32 v30, v26;
	v25 =	vadd.f32 v27, v25  }
0x147: {  	v27 =	vld.idx.msk [tilespmem:v24+s0+$0x170 ss:$0x1], $0xffff;
	v30 =	vsub.f32 v18, v46  }
0x148: {  	v33 =	vsub.f32 v19, v49;
	v25 =	vadd.f32 v25, v26  }
0x149: {  	v26 =	vsub.f32 v16, v28;
	v28 =	vsub.f32 v17, v31  }
0x14a: {  	v31 =	vsub.f32 v20, v47;
	v29 =	vsub.f32 v22, v29  }
0x14b: {  	v30 =	vand.u32 $0x7FFFFFFF, v30;
	v33 =	vand.u32 $0x7FFFFFFF, v33;
	[tilespmem:v50+s25+$0x0] =	vst.idx.msk $0xffff, v25;
	v25 =	vsub.f32 v21, v48  }
0x14c: {  	v26 =	vand.u32 $0x7FFFFFFF, v26;
	v28 =	vand.u32 $0x7FFFFFFF, v28;
	v51 =	vld.idx.msk [tilespmem:v24+s18+$0x500 ss:$0x1], $0xffff;
	v27 =	vsub.f32 v23, v27  }
0x14d: {  	v31 =	vand.u32 $0x7FFFFFFF, v31;
	v34 =	vld.idx.msk [tilespmem:v24+s18+$0x510 ss:$0x1], $0xffff;
	v29 =	vand.u32 $0x7FFFFFFF, v29;
	v26 =	vadd.f32 v28, v26  }
0x14e: {  	v52 =	vld.idx.msk [tilespmem:v24+s18+$0x520 ss:$0x1], $0xffff;
	v28 =	vadd.f32 v31, v30;
	v25 =	vand.u32 $0x7FFFFFFF, v25;
	v27 =	vand.u32 $0x7FFFFFFF, v27  }
0x14f: {  	v53 =	vld.idx.msk [tilespmem:v24+s18+$0x530 ss:$0x1], $0xffff;
	v25 =	vadd.f32 v29, v25;
	v27 =	vadd.f32 v27, v33  }
0x150: {  	v30 =	vld.idx.msk [tilespmem:v24+s18+$0x540 ss:$0x1], $0xffff;
	v31 =	vor.u32 s3, v2  }
0x151: {  	v29 =	vld.idx.msk [tilespmem:v24+s18+$0x550 ss:$0x1], $0xffff;
	v26 =	vadd.f32 v28, v26;
	v25 =	vadd.f32 v27, v25  }
0x152: {  	v54 =	vld.idx.msk [tilespmem:v24+s18+$0x560 ss:$0x1], $0xffff  }
0x153: {  	v27 =	vld.idx.msk [tilespmem:v24+s18+$0x570 ss:$0x1], $0xffff;
	v25 =	vadd.f32 v25, v26  }
0x154: {  	v28 =	vsub.f32 v17, v34;
	v55 =	vsub.f32 v18, v52  }
0x155: {  	v56 =	vsub.f32 v20, v53;
	v26 =	vsub.f32 v16, v51;
	[tilespmem:v31+s25+$0x0] =	vst.idx.msk $0xffff, v25  }
0x156: {  	v29 =	vsub.f32 v22, v29;
	v25 =	vsub.f32 v21, v30;
	v30 =	vld.idx.msk [tilespmem:v24+s0+$0x180 ss:$0x1], $0xffff  }
0x157: {  	v28 =	vand.u32 $0x7FFFFFFF, v28;
	v32 =	vand.u32 $0x7FFFFFFF, v55;
	v34 =	vand.u32 $0x7FFFFFFF, v56;
	v57 =	vld.idx.msk [tilespmem:v24+s0+$0x190 ss:$0x1], $0xffff  }
0x158: {  	v26 =	vand.u32 $0x7FFFFFFF, v26;
	v31 =	vsub.f32 v19, v54;
	v27 =	vsub.f32 v23, v27;
	v58 =	vld.idx.msk [tilespmem:v24+s0+$0x1A0 ss:$0x1], $0xffff  }
0x159: {  	v29 =	vand.u32 $0x7FFFFFFF, v29;
	v59 =	vld.idx.msk [tilespmem:v24+s0+$0x1B0 ss:$0x1], $0xffff;
	v26 =	vadd.f32 v28, v26;
	v28 =	vadd.f32 v34, v32  }
0x15a: {  	v60 =	vld.idx.msk [tilespmem:v24+s0+$0x1C0 ss:$0x1], $0xffff;
	v25 =	vand.u32 $0x7FFFFFFF, v25;
	v31 =	vand.u32 $0x7FFFFFFF, v31;
	v27 =	vand.u32 $0x7FFFFFFF, v27  }
0x15b: {  	v25 =	vadd.f32 v29, v25;
	v29 =	vld.idx.msk [tilespmem:v24+s0+$0x1D0 ss:$0x1], $0xffff;
	v27 =	vadd.f32 v27, v31  }
0x15c: {  	v61 =	vor.u32 s29, v10;
	v31 =	vld.idx.msk [tilespmem:v24+s0+$0x1E0 ss:$0x1], $0xffff  }
0x15d: {  	v26 =	vadd.f32 v28, v26;
	v25 =	vadd.f32 v27, v25;
	v27 =	vld.idx.msk [tilespmem:v24+s0+$0x1F0 ss:$0x1], $0xffff  }
0x15e: {  	v28 =	vsub.f32 v17, v57;
	v62 =	vsub.f32 v20, v59  }
0x15f: {  	v25 =	vadd.f32 v25, v26;
	v26 =	vsub.f32 v16, v30  }
0x160: {  	v30 =	vsub.f32 v18, v58;
	v29 =	vsub.f32 v22, v29;
	v28 =	vand.u32 $0x7FFFFFFF, v28  }
0x161: {  	v33 =	vand.u32 $0x7FFFFFFF, v62;
	v31 =	vsub.f32 v19, v31;
	[tilespmem:v61+s25+$0x0] =	vst.idx.msk $0xffff, v25;
	v25 =	vsub.f32 v21, v60  }
0x162: {  	v26 =	vand.u32 $0x7FFFFFFF, v26;
	v30 =	vand.u32 $0x7FFFFFFF, v30;
	v63 =	vld.idx.msk [tilespmem:v24+s18+$0x580 ss:$0x1], $0xffff;
	v27 =	vsub.f32 v23, v27  }
0x163: {  	v29 =	vand.u32 $0x7FFFFFFF, v29;
	v34 =	vld.idx.msk [tilespmem:v24+s18+$0x590 ss:$0x1], $0xffff;
	v31 =	vand.u32 $0x7FFFFFFF, v31;
	v26 =	vadd.f32 v28, v26  }
0x164: {  	v40 =	vld.idx.msk [tilespmem:v24+s18+$0x5A0 ss:$0x1], $0xffff;
	v28 =	vadd.f32 v33, v30;
	v25 =	vand.u32 $0x7FFFFFFF, v25;
	v27 =	vand.u32 $0x7FFFFFFF, v27  }
0x165: {  	v41 =	vld.idx.msk [tilespmem:v24+s18+$0x5B0 ss:$0x1], $0xffff;
	v25 =	vadd.f32 v29, v25;
	v27 =	vadd.f32 v27, v31  }
0x166: {  	v30 =	vld.idx.msk [tilespmem:v24+s18+$0x5C0 ss:$0x1], $0xffff;
	v31 =	vor.u32 s3, v3  }
0x167: {  	v29 =	vld.idx.msk [tilespmem:v24+s18+$0x5D0 ss:$0x1], $0xffff;
	v26 =	vadd.f32 v28, v26;
	v25 =	vadd.f32 v27, v25  }
0x168: {  	v42 =	vld.idx.msk [tilespmem:v24+s18+$0x5E0 ss:$0x1], $0xffff  }
0x169: {  	v27 =	vld.idx.msk [tilespmem:v24+s18+$0x5F0 ss:$0x1], $0xffff;
	v25 =	vadd.f32 v25, v26  }
0x16a: {  	v28 =	vsub.f32 v17, v34;
	v43 =	vsub.f32 v18, v40  }
0x16b: {  	v44 =	vsub.f32 v20, v41;
	v26 =	vsub.f32 v16, v63;
	[tilespmem:v31+s25+$0x0] =	vst.idx.msk $0xffff, v25  }
0x16c: {  	v29 =	vsub.f32 v22, v29;
	v25 =	vsub.f32 v21, v30;
	v30 =	vld.idx.msk [tilespmem:v24+s0+$0x200 ss:$0x1], $0xffff  }
0x16d: {  	v28 =	vand.u32 $0x7FFFFFFF, v28;
	v32 =	vand.u32 $0x7FFFFFFF, v43;
	v34 =	vand.u32 $0x7FFFFFFF, v44;
	v45 =	vld.idx.msk [tilespmem:v24+s0+$0x210 ss:$0x1], $0xffff  }
0x16e: {  	v26 =	vand.u32 $0x7FFFFFFF, v26;
	v31 =	vsub.f32 v19, v42;
	v27 =	vsub.f32 v23, v27;
	v46 =	vld.idx.msk [tilespmem:v24+s0+$0x220 ss:$0x1], $0xffff  }
0x16f: {  	v29 =	vand.u32 $0x7FFFFFFF, v29;
	v47 =	vld.idx.msk [tilespmem:v24+s0+$0x230 ss:$0x1], $0xffff;
	v26 =	vadd.f32 v28, v26;
	v28 =	vadd.f32 v34, v32  }
0x170: {  	v48 =	vld.idx.msk [tilespmem:v24+s0+$0x240 ss:$0x1], $0xffff;
	v25 =	vand.u32 $0x7FFFFFFF, v25;
	v31 =	vand.u32 $0x7FFFFFFF, v31;
	v27 =	vand.u32 $0x7FFFFFFF, v27  }
0x171: {  	v25 =	vadd.f32 v29, v25;
	v29 =	vld.idx.msk [tilespmem:v24+s0+$0x250 ss:$0x1], $0xffff;
	v27 =	vadd.f32 v27, v31  }
0x172: {  	v49 =	vor.u32 s29, v11;
	v31 =	vld.idx.msk [tilespmem:v24+s0+$0x260 ss:$0x1], $0xffff  }
0x173: {  	v26 =	vadd.f32 v28, v26;
	v25 =	vadd.f32 v27, v25;
	v27 =	vld.idx.msk [tilespmem:v24+s0+$0x270 ss:$0x1], $0xffff  }
0x174: {  	v28 =	vsub.f32 v17, v45;
	v50 =	vsub.f32 v20, v47  }
0x175: {  	v25 =	vadd.f32 v25, v26;
	v26 =	vsub.f32 v16, v30  }
0x176: {  	v30 =	vsub.f32 v18, v46;
	v29 =	vsub.f32 v22, v29;
	v28 =	vand.u32 $0x7FFFFFFF, v28  }
0x177: {  	v33 =	vand.u32 $0x7FFFFFFF, v50;
	v31 =	vsub.f32 v19, v31;
	[tilespmem:v49+s25+$0x0] =	vst.idx.msk $0xffff, v25;
	v25 =	vsub.f32 v21, v48  }
0x178: {  	v26 =	vand.u32 $0x7FFFFFFF, v26;
	v30 =	vand.u32 $0x7FFFFFFF, v30;
	v51 =	vld.idx.msk [tilespmem:v24+s18+$0x600 ss:$0x1], $0xffff;
	v27 =	vsub.f32 v23, v27  }
0x179: {  	v29 =	vand.u32 $0x7FFFFFFF, v29;
	v34 =	vld.idx.msk [tilespmem:v24+s18+$0x610 ss:$0x1], $0xffff;
	v31 =	vand.u32 $0x7FFFFFFF, v31;
	v26 =	vadd.f32 v28, v26  }
0x17a: {  	v52 =	vld.idx.msk [tilespmem:v24+s18+$0x620 ss:$0x1], $0xffff;
	v28 =	vadd.f32 v33, v30;
	v25 =	vand.u32 $0x7FFFFFFF, v25;
	v27 =	vand.u32 $0x7FFFFFFF, v27  }
0x17b: {  	v53 =	vld.idx.msk [tilespmem:v24+s18+$0x630 ss:$0x1], $0xffff;
	v25 =	vadd.f32 v29, v25;
	v27 =	vadd.f32 v27, v31  }
0x17c: {  	v30 =	vld.idx.msk [tilespmem:v24+s18+$0x640 ss:$0x1], $0xffff;
	v31 =	vor.u32 s3, v4  }
0x17d: {  	v29 =	vld.idx.msk [tilespmem:v24+s18+$0x650 ss:$0x1], $0xffff;
	v26 =	vadd.f32 v28, v26;
	v25 =	vadd.f32 v27, v25  }
0x17e: {  	v54 =	vld.idx.msk [tilespmem:v24+s18+$0x660 ss:$0x1], $0xffff  }
0x17f: {  	v27 =	vld.idx.msk [tilespmem:v24+s18+$0x670 ss:$0x1], $0xffff;
	v25 =	vadd.f32 v25, v26  }
0x180: {  	v28 =	vsub.f32 v17, v34;
	v55 =	vsub.f32 v18, v52  }
0x181: {  	v56 =	vsub.f32 v20, v53;
	v26 =	vsub.f32 v16, v51;
	[tilespmem:v31+s25+$0x0] =	vst.idx.msk $0xffff, v25  }
0x182: {  	v29 =	vsub.f32 v22, v29;
	v25 =	vsub.f32 v21, v30;
	v30 =	vld.idx.msk [tilespmem:v24+s0+$0x280 ss:$0x1], $0xffff  }
0x183: {  	v28 =	vand.u32 $0x7FFFFFFF, v28;
	v32 =	vand.u32 $0x7FFFFFFF, v55;
	v34 =	vand.u32 $0x7FFFFFFF, v56;
	v57 =	vld.idx.msk [tilespmem:v24+s0+$0x290 ss:$0x1], $0xffff  }
0x184: {  	v26 =	vand.u32 $0x7FFFFFFF, v26;
	v31 =	vsub.f32 v19, v54;
	v27 =	vsub.f32 v23, v27;
	v58 =	vld.idx.msk [tilespmem:v24+s0+$0x2A0 ss:$0x1], $0xffff  }
0x185: {  	v29 =	vand.u32 $0x7FFFFFFF, v29;
	v59 =	vld.idx.msk [tilespmem:v24+s0+$0x2B0 ss:$0x1], $0xffff;
	v26 =	vadd.f32 v28, v26;
	v28 =	vadd.f32 v34, v32  }
0x186: {  	v60 =	vld.idx.msk [tilespmem:v24+s0+$0x2C0 ss:$0x1], $0xffff;
	v25 =	vand.u32 $0x7FFFFFFF, v25;
	v31 =	vand.u32 $0x7FFFFFFF, v31;
	v27 =	vand.u32 $0x7FFFFFFF, v27  }
0x187: {  	v25 =	vadd.f32 v29, v25;
	v29 =	vld.idx.msk [tilespmem:v24+s0+$0x2D0 ss:$0x1], $0xffff;
	v27 =	vadd.f32 v27, v31  }
0x188: {  	s22 =	simm.s32 $0x20;
	v61 =	vor.u32 s29, v12;
	v31 =	vld.idx.msk [tilespmem:v24+s0+$0x2E0 ss:$0x1], $0xffff  }
0x189: {  	s2 =	smin.u32 s22, $0xB8;
	v26 =	vadd.f32 v28, v26;
	v25 =	vadd.f32 v27, v25;
	v27 =	vld.idx.msk [tilespmem:v24+s0+$0x2F0 ss:$0x1], $0xffff  }
0x18a: {  	s13 =	sshll.u32 s2, $0x7;
	v28 =	vsub.f32 v17, v57;
	v62 =	vsub.f32 v20, v59  }
0x18b: {  	v39 =	vld.idx.msk [tilespmem:v24+s13+$0x40 ss:$0x1], $0xffff;
	v25 =	vadd.f32 v25, v26;
	v26 =	vsub.f32 v16, v30  }
0x18c: {  	v43 =	vld.idx.msk [tilespmem:v24+s13+$0x0 ss:$0x1], $0xffff;
	v30 =	vsub.f32 v18, v58;
	v29 =	vsub.f32 v22, v29;
	v28 =	vand.u32 $0x7FFFFFFF, v28  }
0x18d: {  	v33 =	vand.u32 $0x7FFFFFFF, v62;
	v31 =	vsub.f32 v19, v31;
	[tilespmem:v61+s25+$0x0] =	vst.idx.msk $0xffff, v25;
	v25 =	vsub.f32 v21, v60  }
0x18e: {  	v26 =	vand.u32 $0x7FFFFFFF, v26;
	v30 =	vand.u32 $0x7FFFFFFF, v30;
	v63 =	vld.idx.msk [tilespmem:v24+s18+$0x680 ss:$0x1], $0xffff;
	v27 =	vsub.f32 v23, v27  }
0x18f: {  	v29 =	vand.u32 $0x7FFFFFFF, v29;
	v34 =	vld.idx.msk [tilespmem:v24+s18+$0x690 ss:$0x1], $0xffff;
	v31 =	vand.u32 $0x7FFFFFFF, v31;
	v26 =	vadd.f32 v28, v26  }
0x190: {  	v40 =	vld.idx.msk [tilespmem:v24+s18+$0x6A0 ss:$0x1], $0xffff;
	v28 =	vadd.f32 v33, v30;
	v25 =	vand.u32 $0x7FFFFFFF, v25;
	v27 =	vand.u32 $0x7FFFFFFF, v27  }
0x191: {  	v41 =	vld.idx.msk [tilespmem:v24+s18+$0x6B0 ss:$0x1], $0xffff;
	v25 =	vadd.f32 v29, v25;
	v27 =	vadd.f32 v27, v31  }
0x192: {  	v30 =	vld.idx.msk [tilespmem:v24+s18+$0x6C0 ss:$0x1], $0xffff;
	v31 =	vor.u32 s3, v5  }
0x193: {  	v29 =	vld.idx.msk [tilespmem:v24+s18+$0x6D0 ss:$0x1], $0xffff;
	v26 =	vadd.f32 v28, v26;
	v25 =	vadd.f32 v27, v25  }
0x194: {  	v56 =	vsub.f32 v21, v39;
	v42 =	vld.idx.msk [tilespmem:v24+s18+$0x6E0 ss:$0x1], $0xffff  }
0x195: {  	v32 =	vsub.f32 v16, v43;
	v27 =	vld.idx.msk [tilespmem:v24+s18+$0x6F0 ss:$0x1], $0xffff;
	v25 =	vadd.f32 v25, v26  }
0x196: {  	v61 =	vld.idx.msk [tilespmem:v24+s13+$0x70 ss:$0x1], $0xffff;
	v28 =	vsub.f32 v17, v34;
	v44 =	vsub.f32 v18, v40  }
0x197: {  	v45 =	vsub.f32 v20, v41;
	v40 =	vld.idx.msk [tilespmem:v24+s13+$0x50 ss:$0x1], $0xffff;
	v26 =	vsub.f32 v16, v63;
	[tilespmem:v31+s25+$0x0] =	vst.idx.msk $0xffff, v25  }
0x198: {  	v29 =	vsub.f32 v22, v29;
	v25 =	vsub.f32 v21, v30;
	v30 =	vld.idx.msk [tilespmem:v24+s0+$0x300 ss:$0x1], $0xffff  }
0x199: {  	v28 =	vand.u32 $0x7FFFFFFF, v28;
	v34 =	vand.u32 $0x7FFFFFFF, v44;
	v35 =	vand.u32 $0x7FFFFFFF, v45;
	v47 =	vld.idx.msk [tilespmem:v24+s0+$0x310 ss:$0x1], $0xffff  }
0x19a: {  	v26 =	vand.u32 $0x7FFFFFFF, v26;
	v31 =	vsub.f32 v19, v42;
	v27 =	vsub.f32 v23, v27;
	v48 =	vld.idx.msk [tilespmem:v24+s0+$0x320 ss:$0x1], $0xffff  }
0x19b: {  	v29 =	vand.u32 $0x7FFFFFFF, v29;
	v38 =	vld.idx.msk [tilespmem:v24+s0+$0x330 ss:$0x1], $0xffff;
	v26 =	vadd.f32 v28, v26;
	v28 =	vadd.f32 v35, v34  }
0x19c: {  	v49 =	vld.idx.msk [tilespmem:v24+s0+$0x340 ss:$0x1], $0xffff;
	v25 =	vand.u32 $0x7FFFFFFF, v25;
	v31 =	vand.u32 $0x7FFFFFFF, v31;
	v27 =	vand.u32 $0x7FFFFFFF, v27  }
0x19d: {  	v25 =	vadd.f32 v29, v25;
	v29 =	vld.idx.msk [tilespmem:v24+s0+$0x350 ss:$0x1], $0xffff;
	v27 =	vadd.f32 v27, v31  }
0x19e: {  	v50 =	vor.u32 s29, v13;
	v39 =	vsub.f32 v22, v40;
	v26 =	vadd.f32 v28, v26;
	v31 =	vld.idx.msk [tilespmem:v24+s0+$0x360 ss:$0x1], $0xffff  }
0x19f: {  	v25 =	vadd.f32 v27, v25;
	v27 =	vld.idx.msk [tilespmem:v24+s0+$0x370 ss:$0x1], $0xffff;
	v30 =	vsub.f32 v16, v30  }
0x1a0: {  	v46 =	vld.idx.msk [tilespmem:v24+s13+$0x10 ss:$0x1], $0xffff;
	v33 =	vsub.f32 v17, v47;
	v37 =	vsub.f32 v18, v48  }
0x1a1: {  	v58 =	vld.idx.msk [tilespmem:v24+s13+$0x60 ss:$0x1], $0xffff;
	v38 =	vsub.f32 v20, v38;
	v25 =	vadd.f32 v25, v26  }
0x1a2: {  	v28 =	vld.idx.msk [tilespmem:v24+s13+$0x20 ss:$0x1], $0xffff;
	v48 =	vsub.f32 v23, v61;
	v29 =	vsub.f32 v22, v29;
	v30 =	vand.u32 $0x7FFFFFFF, v30  }
0x1a3: {  	v26 =	vld.idx.msk [tilespmem:v24+s13+$0x30 ss:$0x1], $0xffff;
	v33 =	vand.u32 $0x7FFFFFFF, v33;
	v37 =	vand.u32 $0x7FFFFFFF, v37;
	v31 =	vsub.f32 v19, v31;
	[tilespmem:v50+s25+$0x0] =	vst.idx.msk $0xffff, v25  }
0x1a4: {  	v38 =	vand.u32 $0x7FFFFFFF, v38;
	v25 =	vsub.f32 v21, v49;
	v27 =	vsub.f32 v23, v27;
	v35 =	vld.idx.msk [tilespmem:v24+s18+$0x710 ss:$0x1], $0xffff  }
0x1a5: {  	v30 =	vadd.f32 v33, v30;
	v52 =	vadd.f32 v38, v37;
	v29 =	vand.u32 $0x7FFFFFFF, v29;
	v41 =	vld.idx.msk [tilespmem:v24+s18+$0x720 ss:$0x1], $0xffff  }
0x1a6: {  	v31 =	vand.u32 $0x7FFFFFFF, v31;
	v42 =	vld.idx.msk [tilespmem:v24+s18+$0x730 ss:$0x1], $0xffff;
	v25 =	vand.u32 $0x7FFFFFFF, v25;
	v27 =	vand.u32 $0x7FFFFFFF, v27  }
0x1a7: {  	v55 =	vld.idx.msk [tilespmem:v24+s18+$0x760 ss:$0x1], $0xffff;
	v25 =	vadd.f32 v29, v25;
	v27 =	vadd.f32 v27, v31  }
0x1a8: {  	v54 =	vor.u32 s3, v6;
	v28 =	vsub.f32 v18, v28;
	v51 =	vld.idx.msk [tilespmem:v24+s18+$0x700 ss:$0x1], $0xffff;
	v30 =	vadd.f32 v52, v30  }
0x1a9: {  	v29 =	vld.idx.msk [tilespmem:v24+s18+$0x750 ss:$0x1], $0xffff;
	v26 =	vsub.f32 v20, v26;
	v25 =	vadd.f32 v27, v25  }
0x1aa: {  	v53 =	vld.idx.msk [tilespmem:v24+s18+$0x740 ss:$0x1], $0xffff;
	v31 =	vsub.f32 v17, v46;
	v57 =	vsub.f32 v17, v35  }
0x1ab: {  	v28 =	vand.u32 $0x7FFFFFFF, v28;
	v27 =	vld.idx.msk [tilespmem:v24+s18+$0x770 ss:$0x1], $0xffff;
	v59 =	vsub.f32 v18, v41;
	v25 =	vadd.f32 v25, v30  }
0x1ac: {  	v26 =	vand.u32 $0x7FFFFFFF, v26;
	v60 =	vsub.f32 v20, v42;
	v62 =	vsub.f32 v19, v55  }
0x1ad: {  	v35 =	vsub.f32 v19, v58;
	v26 =	vadd.f32 v26, v28;
	[tilespmem:v54+s25+$0x0] =	vst.idx.msk $0xffff, v25  }
0x1ae: {  	v32 =	vand.u32 $0x7FFFFFFF, v32;
	v30 =	vsub.f32 v16, v51;
	v29 =	vsub.f32 v22, v29;
	v36 =	vld.idx.msk [tilespmem:v24+s0+$0x380 ss:$0x1], $0xffff  }
0x1af: {  	v34 =	vand.u32 $0x7FFFFFFF, v57;
	v40 =	vand.u32 $0x7FFFFFFF, v59;
	v41 =	vand.u32 $0x7FFFFFFF, v60;
	v43 =	vld.idx.msk [tilespmem:v24+s0+$0x3A0 ss:$0x1], $0xffff  }
0x1b0: {  	v37 =	vand.u32 $0x7FFFFFFF, v62;
	v25 =	vsub.f32 v21, v53;
	v27 =	vsub.f32 v23, v27;
	v44 =	vld.idx.msk [tilespmem:v24+s0+$0x3B0 ss:$0x1], $0xffff  }
0x1b1: {  	v45 =	vadd.f32 v41, v40;
	v30 =	vand.u32 $0x7FFFFFFF, v30;
	v29 =	vand.u32 $0x7FFFFFFF, v29;
	v46 =	vld.idx.msk [tilespmem:v24+s0+$0x3C0 ss:$0x1], $0xffff  }
0x1b2: {  	v30 =	vadd.f32 v34, v30;
	v47 =	vld.idx.msk [tilespmem:v24+s0+$0x3D0 ss:$0x1], $0xffff;
	v25 =	vand.u32 $0x7FFFFFFF, v25;
	v27 =	vand.u32 $0x7FFFFFFF, v27  }
0x1b3: {  	v31 =	vand.u32 $0x7FFFFFFF, v31;
	v63 =	vld.idx.msk [tilespmem:v24+s0+$0x390 ss:$0x1], $0xffff;
	v25 =	vadd.f32 v29, v25;
	v27 =	vadd.f32 v27, v37  }
0x1b4: {  	v31 =	vadd.f32 v31, v32;
	v49 =	vld.idx.msk [tilespmem:v24+s0+$0x3E0 ss:$0x1], $0xffff;
	v30 =	vadd.f32 v45, v30  }
0x1b5: {  	v29 =	vor.u32 s29, v14;
	v25 =	vadd.f32 v27, v25;
	v27 =	vld.idx.msk [tilespmem:v24+s0+$0x3F0 ss:$0x1], $0xffff;
	v28 =	vsub.f32 v16, v36  }
0x1b6: {  	v50 =	vsub.f32 v18, v43;
	v51 =	vsub.f32 v20, v44  }
0x1b7: {  	v52 =	vsub.f32 v21, v46;
	v37 =	vsub.f32 v22, v47  }
0x1b8: {  	v25 =	vadd.f32 v25, v30;
	v30 =	vsub.f32 v17, v63  }
0x1b9: {  	v32 =	vand.u32 $0x7FFFFFFF, v50;
	v36 =	vand.u32 $0x7FFFFFFF, v52;
	v37 =	vand.u32 $0x7FFFFFFF, v37  }
0x1ba: {  	[tilespmem:v29+s25+$0x0] =	vst.idx.msk $0xffff, v25;
	v25 =	vand.u32 $0x7FFFFFFF, v28;
	v28 =	vsub.f32 v19, v49;
	v27 =	vsub.f32 v23, v27  }
0x1bb: {  	v34 =	vand.u32 $0x7FFFFFFF, v51;
	v57 =	vadd.f32 v37, v36;
	v30 =	vand.u32 $0x7FFFFFFF, v30;
	v29 =	vld.idx.msk [tilespmem:v24+s18+$0x780 ss:$0x1], $0xffff  }
0x1bc: {  	v25 =	vadd.f32 v30, v25;
	v58 =	vld.idx.msk [tilespmem:v24+s18+$0x7C0 ss:$0x1], $0xffff;
	v28 =	vand.u32 $0x7FFFFFFF, v28;
	v27 =	vand.u32 $0x7FFFFFFF, v27  }
0x1bd: {  	v30 =	vadd.f32 v34, v32;
	v61 =	vld.idx.msk [tilespmem:v24+s18+$0x7D0 ss:$0x1], $0xffff;
	v27 =	vadd.f32 v27, v28  }
0x1be: {  	v59 =	vor.u32 s3, v7;
	v62 =	vld.idx.msk [tilespmem:v24+s18+$0x7E0 ss:$0x1], $0xffff  }
0x1bf: {  	v55 =	vand.u32 $0x7FFFFFFF, v56;
	v63 =	vld.idx.msk [tilespmem:v24+s18+$0x7F0 ss:$0x1], $0xffff;
	v25 =	vadd.f32 v30, v25;
	v27 =	vadd.f32 v27, v57  }
0x1c0: {  	v35 =	vand.u32 $0x7FFFFFFF, v35;
	v60 =	vand.u32 $0x7FFFFFFF, v48;
	v26 =	vadd.f32 v26, v31;
	v53 =	vld.idx.msk [tilespmem:v24+s18+$0x790 ss:$0x1], $0xffff  }
0x1c1: {  	v56 =	vld.idx.msk [tilespmem:v24+s18+$0x7B0 ss:$0x1], $0xffff;
	v30 =	vadd.f32 v60, v35;
	v28 =	vand.u32 $0x7FFFFFFF, v39;
	v25 =	vadd.f32 v27, v25  }
0x1c2: {  	v54 =	vld.idx.msk [tilespmem:v24+s18+$0x7A0 ss:$0x1], $0xffff;
	v28 =	vadd.f32 v28, v55;
	v40 =	vsub.f32 v21, v58  }
0x1c3: {  	v42 =	vsub.f32 v22, v61;
	v32 =	vsub.f32 v19, v62;
	[tilespmem:v59+s25+$0x0] =	vst.idx.msk $0xffff, v25  }
0x1c4: {  	v34 =	vsub.f32 v23, v63;
	v27 =	vadd.f32 v30, v28;
	v31 =	vld.idx.msk [tilespmem:v24+s0+$0x400 ss:$0x1], $0xffff  }
0x1c5: {  	v28 =	vsub.f32 v16, v29;
	v29 =	vsub.f32 v17, v53;
	v43 =	vld.idx.msk [tilespmem:v24+s0+$0x410 ss:$0x1], $0xffff  }
0x1c6: {  	v30 =	vsub.f32 v20, v56;
	v33 =	vand.u32 $0x7FFFFFFF, v40;
	v35 =	vand.u32 $0x7FFFFFFF, v42;
	v37 =	vld.idx.msk [tilespmem:v24+s0+$0x420 ss:$0x1], $0xffff  }
0x1c7: {  	v32 =	vand.u32 $0x7FFFFFFF, v32;
	v34 =	vand.u32 $0x7FFFFFFF, v34;
	v25 =	vsub.f32 v18, v54;
	v44 =	vld.idx.msk [tilespmem:v24+s0+$0x430 ss:$0x1], $0xffff  }
0x1c8: {  	v33 =	vadd.f32 v35, v33;
	v28 =	vand.u32 $0x7FFFFFFF, v28;
	v29 =	vand.u32 $0x7FFFFFFF, v29;
	v45 =	vld.idx.msk [tilespmem:v24+s0+$0x440 ss:$0x1], $0xffff  }
0x1c9: {  	s16 =	simm.s32 $0x200;
	v30 =	vand.u32 $0x7FFFFFFF, v30;
	v28 =	vadd.f32 v29, v28;
	v29 =	vld.idx.msk [tilespmem:v24+s0+$0x450 ss:$0x1], $0xffff;
	v25 =	vand.u32 $0x7FFFFFFF, v25  }
0x1ca: {  	v32 =	vadd.f32 v34, v32;
	v46 =	vld.idx.msk [tilespmem:v24+s0+$0x460 ss:$0x1], $0xffff;
	v25 =	vadd.f32 v30, v25;
	v30 =	vor.u32 s16, v0  }
0x1cb: {  	v26 =	vadd.f32 v27, v26;
	v27 =	vld.idx.msk [tilespmem:v24+s0+$0x470 ss:$0x1], $0xffff  }
0x1cc: {  	v25 =	vadd.f32 v25, v28;
	v28 =	vadd.f32 v32, v33  }
0x1cd: {  	v31 =	vsub.f32 v16, v31;
	v47 =	vsub.f32 v17, v43  }
0x1ce: {  	v48 =	vsub.f32 v18, v37;
	v49 =	vsub.f32 v20, v44  }
0x1cf: {  	v50 =	vor.u32 s29, v15;
	v29 =	vsub.f32 v22, v29;
	v34 =	vsub.f32 v19, v46;
	[tilespmem:v30+s25+$0x0] =	vst.idx.msk $0xffff, v26  }
0x1d0: {  	v27 =	vsub.f32 v23, v27;
	v26 =	vsub.f32 v21, v45;
	v31 =	vand.u32 $0x7FFFFFFF, v31;
	v30 =	vld.idx.msk [tilespmem:v24+s13+$0x80 ss:$0x1], $0xffff  }
0x1d1: {  	v32 =	vand.u32 $0x7FFFFFFF, v47;
	v33 =	vand.u32 $0x7FFFFFFF, v48;
	v35 =	vand.u32 $0x7FFFFFFF, v49;
	v51 =	vld.idx.msk [tilespmem:v24+s13+$0x90 ss:$0x1], $0xffff  }
0x1d2: {  	v29 =	vand.u32 $0x7FFFFFFF, v29;
	v34 =	vand.u32 $0x7FFFFFFF, v34;
	v27 =	vand.u32 $0x7FFFFFFF, v27;
	v52 =	vld.idx.msk [tilespmem:v24+s13+$0xA0 ss:$0x1], $0xffff  }
0x1d3: {  	v53 =	vld.idx.msk [tilespmem:v24+s13+$0xB0 ss:$0x1], $0xffff;
	v31 =	vadd.f32 v32, v31;
	v54 =	vadd.f32 v35, v33;
	v26 =	vand.u32 $0x7FFFFFFF, v26  }
0x1d4: {  	v55 =	vld.idx.msk [tilespmem:v24+s13+$0xC0 ss:$0x1], $0xffff;
	v27 =	vadd.f32 v27, v34;
	v26 =	vadd.f32 v29, v26  }
0x1d5: {  	v25 =	vadd.f32 v28, v25;
	v28 =	vld.idx.msk [tilespmem:v24+s13+$0xD0 ss:$0x1], $0xffff;
	v29 =	vor.u32 s3, v8  }
0x1d6: {  	v56 =	vld.idx.msk [tilespmem:v24+s13+$0xF0 ss:$0x1], $0xffff;
	v31 =	vadd.f32 v54, v31;
	v26 =	vadd.f32 v27, v26  }
0x1d7: {  	s14 =	simm.s32 $0x16D80;
	[tilespmem:v50+s25+$0x0] =	vst.idx.msk $0xffff, v25;
	v27 =	vld.idx.msk [tilespmem:v24+s13+$0xE0 ss:$0x1], $0xffff  }
0x1d8: {  	v57 =	vld [tilespmem:s14+$0xFFFFFF90];
	v25 =	vadd.f32 v26, v31  }
0x1d9: {  	v60 =	vld [tilespmem:s14+$0xFFFFFFA0];
	v30 =	vsub.f32 v16, v30;
	v58 =	vsub.f32 v18, v52  }
0x1da: {  	v59 =	vsub.f32 v20, v53;
	v26 =	vld [tilespmem:s14+$0xFFFFFF80];
	v31 =	vsub.f32 v17, v51;
	[tilespmem:v29+s25+$0x0] =	vst.idx.msk $0xffff, v25  }
0x1db: {  	v28 =	vsub.f32 v22, v28;
	v32 =	vsub.f32 v23, v56;
	v30 =	vand.u32 $0x7FFFFFFF, v30;
	v29 =	vld.idx.msk [tilespmem:v24+s0+$0x480 ss:$0x1], $0xffff  }
0x1dc: {  	v25 =	vsub.f32 v21, v55;
	v31 =	vand.u32 $0x7FFFFFFF, v31;
	v27 =	vsub.f32 v19, v27;
	v61 =	vld.idx.msk [tilespmem:v24+s0+$0x490 ss:$0x1], $0xffff  }
0x1dd: {  	v35 =	vand.u32 $0x7FFFFFFF, v58;
	v28 =	vand.u32 $0x7FFFFFFF, v28;
	v62 =	vld.idx.msk [tilespmem:v24+s0+$0x4A0 ss:$0x1], $0xffff;
	v30 =	vadd.f32 v31, v30  }
0x1de: {  	v63 =	vld.idx.msk [tilespmem:v24+s0+$0x4B0 ss:$0x1], $0xffff;
	v31 =	vand.u32 $0x7FFFFFFF, v32;
	v25 =	vand.u32 $0x7FFFFFFF, v25;
	v27 =	vand.u32 $0x7FFFFFFF, v27  }
0x1df: {  	v36 =	vand.u32 $0x7FFFFFFF, v59;
	v40 =	vld.idx.msk [tilespmem:v24+s0+$0x4C0 ss:$0x1], $0xffff;
	v25 =	vadd.f32 v28, v25;
	v27 =	vadd.f32 v31, v27  }
0x1e0: {  	v36 =	vadd.f32 v36, v35;
	v41 =	vld.idx.msk [tilespmem:v24+s0+$0x4F0 ss:$0x1], $0xffff;
	v26 =	vadd.f32 v57, v26  }
0x1e1: {  	v28 =	vld.idx.msk [tilespmem:v24+s0+$0x4D0 ss:$0x1], $0xffff;
	v25 =	vadd.f32 v27, v25;
	v27 =	vor.u32 s16, v1  }
0x1e2: {  	v30 =	vadd.f32 v36, v30;
	v31 =	vld.idx.msk [tilespmem:v24+s0+$0x4E0 ss:$0x1], $0xffff;
	v26 =	vadd.f32 v60, v26  }
0x1e3: {  	v29 =	vsub.f32 v16, v29;
	v43 =	vsub.f32 v18, v62  }
0x1e4: {  	v44 =	vsub.f32 v20, v63;
	v25 =	vadd.f32 v25, v30  }
0x1e5: {  	v42 =	vld [tilespmem:s14+$0xFFFFFFB0];
	v35 =	vsub.f32 v21, v40;
	v30 =	vsub.f32 v17, v61;
	v29 =	vand.u32 $0x7FFFFFFF, v29  }
0x1e6: {  	v45 =	vld [tilespmem:s14+$0xFFFFFFC0];
	v34 =	vand.u32 $0x7FFFFFFF, v43;
	v36 =	vand.u32 $0x7FFFFFFF, v44;
	[tilespmem:v27+s25+$0x0] =	vst.idx.msk $0xffff, v25;
	v25 =	vsub.f32 v22, v28  }
0x1e7: {  	v30 =	vand.u32 $0x7FFFFFFF, v30;
	v27 =	vsub.f32 v19, v31;
	v31 =	vsub.f32 v23, v41;
	v28 =	vld.idx.msk [tilespmem:v24+s13+$0x100 ss:$0x1], $0xffff  }
0x1e8: {  	v35 =	vand.u32 $0x7FFFFFFF, v35;
	v29 =	vadd.f32 v30, v29;
	v46 =	vld.idx.msk [tilespmem:v24+s13+$0x110 ss:$0x1], $0xffff;
	v25 =	vand.u32 $0x7FFFFFFF, v25  }
0x1e9: {  	v47 =	vld.idx.msk [tilespmem:v24+s13+$0x120 ss:$0x1], $0xffff;
	v27 =	vand.u32 $0x7FFFFFFF, v27;
	v30 =	vand.u32 $0x7FFFFFFF, v31;
	v31 =	vadd.f32 v36, v34  }
0x1ea: {  	v48 =	vld.idx.msk [tilespmem:v24+s13+$0x130 ss:$0x1], $0xffff;
	v25 =	vadd.f32 v25, v35;
	v27 =	vadd.f32 v30, v27  }
0x1eb: {  	v51 =	vor.u32 s3, v9;
	v26 =	vadd.f32 v42, v26;
	v50 =	vld.idx.msk [tilespmem:v24+s13+$0x160 ss:$0x1], $0xffff  }
0x1ec: {  	v30 =	vld.idx.msk [tilespmem:v24+s13+$0x150 ss:$0x1], $0xffff;
	v29 =	vadd.f32 v31, v29;
	v25 =	vadd.f32 v27, v25  }
0x1ed: {  	v49 =	vld.idx.msk [tilespmem:v24+s13+$0x140 ss:$0x1], $0xffff  }
0x1ee: {  	v26 =	vadd.f32 v45, v26;
	v27 =	vld.idx.msk [tilespmem:v24+s13+$0x170 ss:$0x1], $0xffff;
	v25 =	vadd.f32 v25, v29  }
0x1ef: {  	v31 =	vld [tilespmem:s14+$0xFFFFFFD0];
	v28 =	vsub.f32 v16, v28;
	v52 =	vsub.f32 v18, v47  }
0x1f0: {  	v54 =	vld [tilespmem:s14+$0xFFFFFFE0];
	v53 =	vsub.f32 v20, v48;
	v33 =	vsub.f32 v19, v50;
	[tilespmem:v51+s25+$0x0] =	vst.idx.msk $0xffff, v25  }
0x1f1: {  	v29 =	vsub.f32 v17, v46;
	v30 =	vsub.f32 v22, v30;
	v28 =	vand.u32 $0x7FFFFFFF, v28;
	v55 =	vld.idx.msk [tilespmem:v24+s0+$0x500 ss:$0x1], $0xffff  }
0x1f2: {  	v32 =	vand.u32 $0x7FFFFFFF, v52;
	v36 =	vand.u32 $0x7FFFFFFF, v53;
	v33 =	vand.u32 $0x7FFFFFFF, v33;
	v35 =	vld.idx.msk [tilespmem:v24+s0+$0x510 ss:$0x1], $0xffff  }
0x1f3: {  	v25 =	vsub.f32 v21, v49;
	v29 =	vand.u32 $0x7FFFFFFF, v29;
	v27 =	vsub.f32 v23, v27;
	v56 =	vld.idx.msk [tilespmem:v24+s0+$0x520 ss:$0x1], $0xffff  }
0x1f4: {  	v26 =	vadd.f32 v31, v26;
	v30 =	vand.u32 $0x7FFFFFFF, v30;
	v57 =	vld.idx.msk [tilespmem:v24+s0+$0x530 ss:$0x1], $0xffff;
	v28 =	vadd.f32 v29, v28  }
0x1f5: {  	v29 =	vadd.f32 v36, v32;
	v59 =	vld.idx.msk [tilespmem:v24+s0+$0x560 ss:$0x1], $0xffff;
	v25 =	vand.u32 $0x7FFFFFFF, v25;
	v27 =	vand.u32 $0x7FFFFFFF, v27  }
0x1f6: {  	v25 =	vadd.f32 v30, v25;
	v30 =	vld.idx.msk [tilespmem:v24+s0+$0x550 ss:$0x1], $0xffff;
	v27 =	vadd.f32 v27, v33  }
0x1f7: {  	v31 =	vor.u32 s16, v2;
	v58 =	vld.idx.msk [tilespmem:v24+s0+$0x540 ss:$0x1], $0xffff;
	v26 =	vadd.f32 v54, v26;
	v28 =	vadd.f32 v29, v28  }
0x1f8: {  	v25 =	vadd.f32 v27, v25;
	v27 =	vld.idx.msk [tilespmem:v24+s0+$0x570 ss:$0x1], $0xffff;
	v29 =	vsub.f32 v17, v35  }
0x1f9: {  	v61 =	vsub.f32 v18, v56;
	v62 =	vsub.f32 v20, v57  }
0x1fa: {  	v42 =	vsub.f32 v19, v59;
	v25 =	vadd.f32 v25, v28  }
0x1fb: {  	v60 =	vld [tilespmem:s14+$0xFFFFFFF0];
	v28 =	vsub.f32 v16, v55;
	v30 =	vsub.f32 v22, v30  }
0x1fc: {  	v63 =	vld [tilespmem:s14+$0x0];
	v29 =	vand.u32 $0x7FFFFFFF, v29;
	v35 =	vand.u32 $0x7FFFFFFF, v61;
	v36 =	vand.u32 $0x7FFFFFFF, v62;
	[tilespmem:v31+s25+$0x0] =	vst.idx.msk $0xffff, v25  }
0x1fd: {  	v25 =	vsub.f32 v21, v58;
	v28 =	vand.u32 $0x7FFFFFFF, v28;
	v31 =	vld.idx.msk [tilespmem:v24+s13+$0x180 ss:$0x1], $0xffff;
	v27 =	vsub.f32 v23, v27  }
0x1fe: {  	v32 =	vand.u32 $0x7FFFFFFF, v42;
	v30 =	vand.u32 $0x7FFFFFFF, v30;
	v43 =	vld.idx.msk [tilespmem:v24+s13+$0x190 ss:$0x1], $0xffff;
	v28 =	vadd.f32 v29, v28  }
0x1ff: {  	v44 =	vld.idx.msk [tilespmem:v24+s13+$0x1A0 ss:$0x1], $0xffff;
	v29 =	vadd.f32 v36, v35;
	v25 =	vand.u32 $0x7FFFFFFF, v25;
	v27 =	vand.u32 $0x7FFFFFFF, v27  }
0x200: {  	v45 =	vld.idx.msk [tilespmem:v24+s13+$0x1B0 ss:$0x1], $0xffff;
	v25 =	vadd.f32 v30, v25;
	v27 =	vadd.f32 v27, v32  }
0x201: {  	v48 =	vor.u32 s3, v10;
	v26 =	vadd.f32 v60, v26;
	v47 =	vld.idx.msk [tilespmem:v24+s13+$0x1E0 ss:$0x1], $0xffff  }
0x202: {  	v30 =	vld.idx.msk [tilespmem:v24+s13+$0x1D0 ss:$0x1], $0xffff;
	v28 =	vadd.f32 v29, v28;
	v25 =	vadd.f32 v27, v25  }
0x203: {  	v46 =	vld.idx.msk [tilespmem:v24+s13+$0x1C0 ss:$0x1], $0xffff  }
0x204: {  	v26 =	vadd.f32 v63, v26;
	v27 =	vld.idx.msk [tilespmem:v24+s13+$0x1F0 ss:$0x1], $0xffff;
	v25 =	vadd.f32 v25, v28  }
0x205: {  	v29 =	vsub.f32 v17, v43;
	v49 =	vsub.f32 v18, v44  }
0x206: {  	v50 =	vsub.f32 v20, v45;
	v28 =	vsub.f32 v16, v31;
	v31 =	vld [tilespmem:s14+$0x10];
	[tilespmem:v48+s25+$0x0] =	vst.idx.msk $0xffff, v25  }
0x207: {  	v32 =	vsub.f32 v19, v47;
	v30 =	vsub.f32 v22, v30;
	v34 =	vld.idx.msk [tilespmem:v24+s0+$0x580 ss:$0x1], $0xffff  }
0x208: {  	v29 =	vand.u32 $0x7FFFFFFF, v29;
	v33 =	vand.u32 $0x7FFFFFFF, v49;
	v36 =	vand.u32 $0x7FFFFFFF, v50;
	v52 =	vld.idx.msk [tilespmem:v24+s0+$0x590 ss:$0x1], $0xffff  }
0x209: {  	v25 =	vsub.f32 v21, v46;
	v28 =	vand.u32 $0x7FFFFFFF, v28;
	v27 =	vsub.f32 v23, v27;
	v53 =	vld.idx.msk [tilespmem:v24+s0+$0x5A0 ss:$0x1], $0xffff  }
0x20a: {  	v32 =	vand.u32 $0x7FFFFFFF, v32;
	v30 =	vand.u32 $0x7FFFFFFF, v30;
	v54 =	vld.idx.msk [tilespmem:v24+s0+$0x5B0 ss:$0x1], $0xffff;
	v28 =	vadd.f32 v29, v28  }
0x20b: {  	v29 =	vadd.f32 v36, v33;
	v56 =	vld.idx.msk [tilespmem:v24+s0+$0x5E0 ss:$0x1], $0xffff;
	v25 =	vand.u32 $0x7FFFFFFF, v25;
	v27 =	vand.u32 $0x7FFFFFFF, v27  }
0x20c: {  	v25 =	vadd.f32 v30, v25;
	v30 =	vld.idx.msk [tilespmem:v24+s0+$0x5D0 ss:$0x1], $0xffff;
	v27 =	vadd.f32 v27, v32  }
0x20d: {  	v55 =	vld.idx.msk [tilespmem:v24+s0+$0x5C0 ss:$0x1], $0xffff;
	v26 =	vadd.f32 v31, v26;
	v31 =	vor.u32 s16, v3;
	v28 =	vadd.f32 v29, v28  }
0x20e: {  	v25 =	vadd.f32 v27, v25;
	v27 =	vld.idx.msk [tilespmem:v24+s0+$0x5F0 ss:$0x1], $0xffff;
	v29 =	vsub.f32 v17, v52  }
0x20f: {  	v58 =	vsub.f32 v18, v53;
	v59 =	vsub.f32 v20, v54  }
0x210: {  	v51 =	vld [tilespmem:s14+$0x20];
	v32 =	vsub.f32 v19, v56;
	v25 =	vadd.f32 v25, v28  }
0x211: {  	v60 =	vld [tilespmem:s14+$0x40];
	v28 =	vsub.f32 v16, v34;
	v30 =	vsub.f32 v22, v30  }
0x212: {  	v57 =	vld [tilespmem:s14+$0x30];
	v29 =	vand.u32 $0x7FFFFFFF, v29;
	v35 =	vand.u32 $0x7FFFFFFF, v58;
	v36 =	vand.u32 $0x7FFFFFFF, v59;
	[tilespmem:v31+s25+$0x0] =	vst.idx.msk $0xffff, v25  }
0x213: {  	v25 =	vsub.f32 v21, v55;
	v28 =	vand.u32 $0x7FFFFFFF, v28;
	v31 =	vld.idx.msk [tilespmem:v24+s13+$0x200 ss:$0x1], $0xffff;
	v27 =	vsub.f32 v23, v27  }
0x214: {  	v32 =	vand.u32 $0x7FFFFFFF, v32;
	v30 =	vand.u32 $0x7FFFFFFF, v30;
	v61 =	vld.idx.msk [tilespmem:v24+s13+$0x210 ss:$0x1], $0xffff;
	v28 =	vadd.f32 v29, v28  }
0x215: {  	v62 =	vld.idx.msk [tilespmem:v24+s13+$0x220 ss:$0x1], $0xffff;
	v29 =	vadd.f32 v36, v35;
	v25 =	vand.u32 $0x7FFFFFFF, v25;
	v27 =	vand.u32 $0x7FFFFFFF, v27  }
0x216: {  	v63 =	vld.idx.msk [tilespmem:v24+s13+$0x230 ss:$0x1], $0xffff;
	v25 =	vadd.f32 v30, v25;
	v27 =	vadd.f32 v27, v32  }
0x217: {  	v42 =	vor.u32 s3, v11;
	v26 =	vadd.f32 v51, v26;
	v41 =	vld.idx.msk [tilespmem:v24+s13+$0x260 ss:$0x1], $0xffff  }
0x218: {  	v30 =	vld.idx.msk [tilespmem:v24+s13+$0x250 ss:$0x1], $0xffff;
	v28 =	vadd.f32 v29, v28;
	v25 =	vadd.f32 v27, v25  }
0x219: {  	v26 =	vadd.f32 v57, v26;
	v40 =	vld.idx.msk [tilespmem:v24+s13+$0x240 ss:$0x1], $0xffff  }
0x21a: {  	v27 =	vld.idx.msk [tilespmem:v24+s13+$0x270 ss:$0x1], $0xffff;
	v29 =	vsub.f32 v17, v61;
	v25 =	vadd.f32 v25, v28  }
0x21b: {  	v45 =	vld [tilespmem:s14+$0x60];
	v43 =	vsub.f32 v18, v62;
	v44 =	vsub.f32 v20, v63  }
0x21c: {  	v32 =	vsub.f32 v19, v41;
	v28 =	vsub.f32 v16, v31;
	v31 =	vld [tilespmem:s14+$0x50];
	[tilespmem:v42+s25+$0x0] =	vst.idx.msk $0xffff, v25  }
0x21d: {  	v26 =	vadd.f32 v60, v26;
	v30 =	vsub.f32 v22, v30;
	v29 =	vand.u32 $0x7FFFFFFF, v29;
	v34 =	vld.idx.msk [tilespmem:v24+s0+$0x600 ss:$0x1], $0xffff  }
0x21e: {  	v33 =	vand.u32 $0x7FFFFFFF, v43;
	v36 =	vand.u32 $0x7FFFFFFF, v44;
	v32 =	vand.u32 $0x7FFFFFFF, v32;
	v46 =	vld.idx.msk [tilespmem:v24+s0+$0x610 ss:$0x1], $0xffff  }
0x21f: {  	v25 =	vsub.f32 v21, v40;
	v28 =	vand.u32 $0x7FFFFFFF, v28;
	v27 =	vsub.f32 v23, v27;
	v47 =	vld.idx.msk [tilespmem:v24+s0+$0x620 ss:$0x1], $0xffff  }
0x220: {  	v30 =	vand.u32 $0x7FFFFFFF, v30;
	v48 =	vld.idx.msk [tilespmem:v24+s0+$0x630 ss:$0x1], $0xffff;
	v28 =	vadd.f32 v29, v28;
	v29 =	vadd.f32 v36, v33  }
0x221: {  	v50 =	vld.idx.msk [tilespmem:v24+s0+$0x660 ss:$0x1], $0xffff;
	v25 =	vand.u32 $0x7FFFFFFF, v25;
	v27 =	vand.u32 $0x7FFFFFFF, v27;
	v26 =	vadd.f32 v31, v26  }
0x222: {  	v25 =	vadd.f32 v30, v25;
	v30 =	vld.idx.msk [tilespmem:v24+s0+$0x650 ss:$0x1], $0xffff;
	v27 =	vadd.f32 v27, v32  }
0x223: {  	v49 =	vld.idx.msk [tilespmem:v24+s0+$0x640 ss:$0x1], $0xffff;
	v31 =	vor.u32 s16, v4;
	v28 =	vadd.f32 v29, v28;
	v26 =	vadd.f32 v45, v26  }
0x224: {  	v25 =	vadd.f32 v27, v25;
	v27 =	vld.idx.msk [tilespmem:v24+s0+$0x670 ss:$0x1], $0xffff;
	v29 =	vsub.f32 v17, v46  }
0x225: {  	v51 =	vsub.f32 v18, v47;
	v52 =	vsub.f32 v20, v48  }
0x226: {  	v32 =	vsub.f32 v19, v50;
	v25 =	vadd.f32 v25, v28  }
0x227: {  	v28 =	vsub.f32 v16, v34;
	v30 =	vsub.f32 v22, v30  }
0x228: {  	v53 =	vld [tilespmem:s14+$0x70];
	v29 =	vand.u32 $0x7FFFFFFF, v29;
	v34 =	vand.u32 $0x7FFFFFFF, v51;
	v35 =	vand.u32 $0x7FFFFFFF, v52;
	[tilespmem:v31+s25+$0x0] =	vst.idx.msk $0xffff, v25  }
0x229: {  	v25 =	vsub.f32 v21, v49;
	v28 =	vand.u32 $0x7FFFFFFF, v28;
	v31 =	vld.idx.msk [tilespmem:v24+s13+$0x280 ss:$0x1], $0xffff;
	v27 =	vsub.f32 v23, v27  }
0x22a: {  	v32 =	vand.u32 $0x7FFFFFFF, v32;
	v30 =	vand.u32 $0x7FFFFFFF, v30;
	v54 =	vld.idx.msk [tilespmem:v24+s13+$0x290 ss:$0x1], $0xffff;
	v28 =	vadd.f32 v29, v28  }
0x22b: {  	v55 =	vld.idx.msk [tilespmem:v24+s13+$0x2A0 ss:$0x1], $0xffff;
	v29 =	vadd.f32 v35, v34;
	v25 =	vand.u32 $0x7FFFFFFF, v25;
	v27 =	vand.u32 $0x7FFFFFFF, v27  }
0x22c: {  	v56 =	vld.idx.msk [tilespmem:v24+s13+$0x2B0 ss:$0x1], $0xffff;
	v25 =	vadd.f32 v30, v25;
	v27 =	vadd.f32 v27, v32  }
0x22d: {  	v58 =	vor.u32 s3, v12;
	v26 =	vadd.f32 v53, v26;
	v57 =	vld.idx.msk [tilespmem:v24+s13+$0x2C0 ss:$0x1], $0xffff  }
0x22e: {  	v59 =	vld.idx.msk [tilespmem:v24+s13+$0x2E0 ss:$0x1], $0xffff;
	v28 =	vadd.f32 v29, v28;
	v25 =	vadd.f32 v27, v25  }
0x22f: {  	v30 =	vld.idx.msk [tilespmem:v24+s13+$0x2D0 ss:$0x1], $0xffff  }
0x230: {  	s18 =	sshll.u32 s30, $0x8;
	v36 =	vsub.f32 $1.200000000e+01, v26;
	v27 =	vld.idx.msk [tilespmem:v24+s13+$0x2F0 ss:$0x1], $0xffff;
	v25 =	vadd.f32 v25, v28  }
0x231: {  	s15 =	sand.u32 $0x380, s24;
	s18 =	sand.u32 $0x1800, s18;
	v26 =	vsub.f32 v16, v31;
	v60 =	vsub.f32 v18, v55  }
0x232: {  	s24 =	sshll.u32 s17, $0x3;
	s15 =	sor.u32 s15, s18;
	v61 =	vsub.f32 v20, v56;
	v34 =	vsub.f32 v21, v57;
	[tilespmem:v58+s25+$0x0] =	vst.idx.msk $0xffff, v25  }
0x233: {  	s18 =	sand.u32 $0x400, s24;
	s15 =	sadd.s32 $0x17A00, s15;
	v63 =	vsub.f32 v19, v59;
	v28 =	vsub.f32 v17, v54;
	v25 =	vld.idx.msk [tilespmem:v24+s0+$0x680 ss:$0x1], $0xffff  }
0x234: {  	s17 =	sand.u32 $0x78, s17;
	s18 =	sadd.s32 s18, s15;
	v62 =	vsub.f32 v22, v30;
	v29 =	vand.u32 $0x7FFFFFFF, v26;
	v32 =	vand.u32 $0x7FFFFFFF, v60;
	v26 =	vld.idx.msk [tilespmem:v24+s0+$0x690 ss:$0x1], $0xffff  }
0x235: {  	s17 =	sadd.s32 s17, s18;
	v33 =	vand.u32 $0x7FFFFFFF, v61;
	v34 =	vand.u32 $0x7FFFFFFF, v34;
	v30 =	vsub.f32 v23, v27;
	v27 =	vld.idx.msk [tilespmem:v24+s0+$0x6A0 ss:$0x1], $0xffff  }
0x236: {  	s18 =	simm.s32 $0x30;
	[tilespmem:s17+$0x0] =	vst v36;
	s17 =	simm.s32 $0x200;
	v36 =	vand.u32 $0x7FFFFFFF, v63;
	v31 =	vand.u32 $0x7FFFFFFF, v28;
	v35 =	vand.u32 $0x7FFFFFFF, v62;
	v28 =	vld.idx.msk [tilespmem:v24+s0+$0x6B0 ss:$0x1], $0xffff  }
.LBB2_5:
0x237: {  	p0 =	sne.s32 s18, $0xC0;
	v30 =	vand.u32 $0x7FFFFFFF, v30;
	v29 =	vadd.f32 v31, v29;
	v31 =	vadd.f32 v33, v32;
	v32 =	vld.idx.msk [tilespmem:v24+s0+$0x6C0 ss:$0x1], $0xffff  }
0x238: {  	v33 =	vadd.f32 v35, v34;
	v30 =	vadd.f32 v30, v36;
	v34 =	vld.idx.msk [tilespmem:v24+s0+$0x6D0 ss:$0x1], $0xffff  }
0x239: {  	v35 =	vor.u32 s16, v5;
	v36 =	vld.idx.msk [tilespmem:v24+s0+$0x6E0 ss:$0x1], $0xffff  }
0x23a: {  	v29 =	vadd.f32 v31, v29;
	v30 =	vadd.f32 v30, v33;
	v31 =	vld.idx.msk [tilespmem:v24+s0+$0x6F0 ss:$0x1], $0xffff  }
0x23b: {  	s19 =	smin.u32 s18, $0xB8  }
0x23c: {  	s22 =	sshll.u32 s19, $0x7;
	v29 =	vadd.f32 v30, v29  }
0x23d: {  	v25 =	vsub.f32 v16, v25;
	v26 =	vsub.f32 v17, v26;
	v30 =	vld.idx.msk [tilespmem:v24+s22+$0x0 ss:$0x1], $0xffff  }
0x23e: {  	v27 =	vsub.f32 v18, v27;
	v28 =	vsub.f32 v20, v28;
	v33 =	vld.idx.msk [tilespmem:v24+s22+$0x10 ss:$0x1], $0xffff;
	[tilespmem:v35+s25+$0x0] =	vst.idx.msk $0xffff, v29  }
0x23f: {  	v32 =	vsub.f32 v21, v32;
	v34 =	vsub.f32 v22, v34;
	v29 =	vld.idx.msk [tilespmem:v24+s13+$0x300 ss:$0x1], $0xffff  }
0x240: {  	v25 =	vand.u32 $0x7FFFFFFF, v25;
	v36 =	vsub.f32 v19, v36;
	v31 =	vsub.f32 v23, v31;
	v35 =	vld.idx.msk [tilespmem:v24+s13+$0x310 ss:$0x1], $0xffff  }
0x241: {  	v26 =	vand.u32 $0x7FFFFFFF, v26;
	v27 =	vand.u32 $0x7FFFFFFF, v27;
	v28 =	vand.u32 $0x7FFFFFFF, v28;
	v37 =	vld.idx.msk [tilespmem:v24+s13+$0x320 ss:$0x1], $0xffff  }
0x242: {  	v32 =	vand.u32 $0x7FFFFFFF, v32;
	v34 =	vand.u32 $0x7FFFFFFF, v34;
	v36 =	vand.u32 $0x7FFFFFFF, v36;
	v38 =	vld.idx.msk [tilespmem:v24+s13+$0x330 ss:$0x1], $0xffff  }
0x243: {  	v25 =	vadd.f32 v26, v25;
	v26 =	vadd.f32 v28, v27;
	v31 =	vand.u32 $0x7FFFFFFF, v31;
	v39 =	vld.idx.msk [tilespmem:v24+s13+$0x340 ss:$0x1], $0xffff  }
0x244: {  	v28 =	vadd.f32 v34, v32;
	v31 =	vadd.f32 v31, v36;
	v27 =	vld.idx.msk [tilespmem:v24+s13+$0x350 ss:$0x1], $0xffff  }
0x245: {  	v34 =	vor.u32 s3, v13;
	v32 =	vld.idx.msk [tilespmem:v24+s13+$0x360 ss:$0x1], $0xffff  }
0x246: {  	v25 =	vadd.f32 v26, v25;
	v26 =	vadd.f32 v31, v28;
	v36 =	vld.idx.msk [tilespmem:v24+s13+$0x370 ss:$0x1], $0xffff  }
0x247: {  	v28 =	vld.idx.msk [tilespmem:v24+s22+$0x20 ss:$0x1], $0xffff  }
0x248: {  	v30 =	vsub.f32 v16, v30;
	v25 =	vadd.f32 v26, v25;
	v31 =	vld.idx.msk [tilespmem:v24+s22+$0x30 ss:$0x1], $0xffff  }
0x249: {  	v29 =	vsub.f32 v16, v29;
	v35 =	vsub.f32 v17, v35;
	v26 =	vld.idx.msk [tilespmem:v24+s22+$0x40 ss:$0x1], $0xffff  }
0x24a: {  	v37 =	vsub.f32 v18, v37;
	v38 =	vsub.f32 v20, v38;
	v40 =	vld.idx.msk [tilespmem:v24+s22+$0x50 ss:$0x1], $0xffff;
	[tilespmem:v34+s25+$0x0] =	vst.idx.msk $0xffff, v25  }
0x24b: {  	v27 =	vsub.f32 v22, v27;
	v25 =	vsub.f32 v21, v39;
	v34 =	vld.idx.msk [tilespmem:v24+s0+$0x700 ss:$0x1], $0xffff  }
0x24c: {  	v29 =	vand.u32 $0x7FFFFFFF, v29;
	v32 =	vsub.f32 v19, v32;
	v36 =	vsub.f32 v23, v36;
	v39 =	vld.idx.msk [tilespmem:v24+s0+$0x710 ss:$0x1], $0xffff  }
0x24d: {  	v35 =	vand.u32 $0x7FFFFFFF, v35;
	v37 =	vand.u32 $0x7FFFFFFF, v37;
	v38 =	vand.u32 $0x7FFFFFFF, v38;
	v41 =	vld.idx.msk [tilespmem:v24+s0+$0x720 ss:$0x1], $0xffff  }
0x24e: {  	v27 =	vand.u32 $0x7FFFFFFF, v27;
	v25 =	vand.u32 $0x7FFFFFFF, v25;
	v32 =	vand.u32 $0x7FFFFFFF, v32;
	v42 =	vld.idx.msk [tilespmem:v24+s0+$0x730 ss:$0x1], $0xffff  }
0x24f: {  	v29 =	vadd.f32 v35, v29;
	v35 =	vadd.f32 v38, v37;
	v36 =	vand.u32 $0x7FFFFFFF, v36;
	v37 =	vld.idx.msk [tilespmem:v24+s0+$0x740 ss:$0x1], $0xffff  }
0x250: {  	v25 =	vadd.f32 v27, v25;
	v27 =	vadd.f32 v36, v32;
	v32 =	vld.idx.msk [tilespmem:v24+s0+$0x750 ss:$0x1], $0xffff  }
0x251: {  	v33 =	vsub.f32 v17, v33;
	v28 =	vsub.f32 v18, v28;
	v36 =	vor.u32 s16, v6;
	v38 =	vld.idx.msk [tilespmem:v24+s0+$0x760 ss:$0x1], $0xffff  }
0x252: {  	v29 =	vadd.f32 v35, v29;
	v25 =	vadd.f32 v27, v25;
	v27 =	vld.idx.msk [tilespmem:v24+s0+$0x770 ss:$0x1], $0xffff  }
0x253: {  	v31 =	vsub.f32 v20, v31;
	v26 =	vsub.f32 v21, v26  }
0x254: {  	v35 =	vsub.f32 v22, v40;
	v25 =	vadd.f32 v25, v29  }
0x255: {  	v34 =	vsub.f32 v16, v34;
	v39 =	vsub.f32 v17, v39;
	v29 =	vld.idx.msk [tilespmem:v24+s22+$0x60 ss:$0x1], $0xffff  }
0x256: {  	v40 =	vld.idx.msk [tilespmem:v24+s22+$0x70 ss:$0x1], $0xffff;
	[tilespmem:v36+s25+$0x0] =	vst.idx.msk $0xffff, v25;
	v25 =	vsub.f32 v18, v41;
	v36 =	vsub.f32 v20, v42  }
0x257: {  	v37 =	vsub.f32 v21, v37;
	v32 =	vsub.f32 v22, v32;
	v41 =	vld.idx.msk [tilespmem:v24+s13+$0x380 ss:$0x1], $0xffff  }
0x258: {  	v34 =	vand.u32 $0x7FFFFFFF, v34;
	v38 =	vsub.f32 v19, v38;
	v27 =	vsub.f32 v23, v27;
	v42 =	vld.idx.msk [tilespmem:v24+s13+$0x390 ss:$0x1], $0xffff  }
0x259: {  	v39 =	vand.u32 $0x7FFFFFFF, v39;
	v25 =	vand.u32 $0x7FFFFFFF, v25;
	v36 =	vand.u32 $0x7FFFFFFF, v36;
	v43 =	vld.idx.msk [tilespmem:v24+s13+$0x3A0 ss:$0x1], $0xffff  }
0x25a: {  	v37 =	vand.u32 $0x7FFFFFFF, v37;
	v32 =	vand.u32 $0x7FFFFFFF, v32;
	v38 =	vand.u32 $0x7FFFFFFF, v38;
	v44 =	vld.idx.msk [tilespmem:v24+s13+$0x3B0 ss:$0x1], $0xffff  }
0x25b: {  	v34 =	vadd.f32 v39, v34;
	v27 =	vand.u32 $0x7FFFFFFF, v27;
	v25 =	vadd.f32 v36, v25;
	v45 =	vld.idx.msk [tilespmem:v24+s13+$0x3C0 ss:$0x1], $0xffff  }
0x25c: {  	v32 =	vadd.f32 v32, v37;
	v37 =	vor.u32 s3, v14;
	v27 =	vadd.f32 v27, v38;
	v36 =	vld.idx.msk [tilespmem:v24+s13+$0x3D0 ss:$0x1], $0xffff  }
0x25d: {  	v30 =	vand.u32 $0x7FFFFFFF, v30;
	v29 =	vsub.f32 v19, v29;
	v38 =	vsub.f32 v23, v40;
	v39 =	vld.idx.msk [tilespmem:v24+s13+$0x3E0 ss:$0x1], $0xffff  }
0x25e: {  	v33 =	vand.u32 $0x7FFFFFFF, v33;
	v25 =	vadd.f32 v25, v34;
	v27 =	vadd.f32 v27, v32;
	v40 =	vld.idx.msk [tilespmem:v24+s13+$0x3F0 ss:$0x1], $0xffff  }
0x25f: {  	v30 =	vadd.f32 v33, v30;
	v28 =	vand.u32 $0x7FFFFFFF, v28;
	v31 =	vand.u32 $0x7FFFFFFF, v31  }
0x260: {  	v28 =	vadd.f32 v31, v28;
	v25 =	vadd.f32 v27, v25  }
0x261: {  	v26 =	vand.u32 $0x7FFFFFFF, v26;
	v31 =	vsub.f32 v17, v42;
	v27 =	vsub.f32 v16, v41  }
0x262: {  	v32 =	vand.u32 $0x7FFFFFFF, v35;
	v33 =	vsub.f32 v18, v43;
	v34 =	vsub.f32 v20, v44;
	[tilespmem:v37+s25+$0x0] =	vst.idx.msk $0xffff, v25  }
0x263: {  	v35 =	vsub.f32 v22, v36;
	v25 =	vand.u32 $0x7FFFFFFF, v29;
	v29 =	vsub.f32 v21, v45;
	v36 =	vld.idx.msk [tilespmem:v24+s0+$0x780 ss:$0x1], $0xffff  }
0x264: {  	v27 =	vand.u32 $0x7FFFFFFF, v27;
	v37 =	vsub.f32 v19, v39;
	v39 =	vsub.f32 v23, v40;
	v40 =	vld.idx.msk [tilespmem:v24+s0+$0x790 ss:$0x1], $0xffff  }
0x265: {  	v31 =	vand.u32 $0x7FFFFFFF, v31;
	v33 =	vand.u32 $0x7FFFFFFF, v33;
	v34 =	vand.u32 $0x7FFFFFFF, v34;
	v41 =	vld.idx.msk [tilespmem:v24+s0+$0x7A0 ss:$0x1], $0xffff  }
0x266: {  	v35 =	vand.u32 $0x7FFFFFFF, v35;
	v29 =	vand.u32 $0x7FFFFFFF, v29;
	v37 =	vand.u32 $0x7FFFFFFF, v37;
	v42 =	vld.idx.msk [tilespmem:v24+s0+$0x7B0 ss:$0x1], $0xffff  }
0x267: {  	v27 =	vadd.f32 v31, v27;
	v31 =	vadd.f32 v34, v33;
	v39 =	vand.u32 $0x7FFFFFFF, v39;
	v33 =	vld.idx.msk [tilespmem:v24+s0+$0x7C0 ss:$0x1], $0xffff  }
0x268: {  	v34 =	vand.u32 $0x7FFFFFFF, v38;
	v29 =	vadd.f32 v35, v29;
	v35 =	vadd.f32 v39, v37;
	v37 =	vld.idx.msk [tilespmem:v24+s0+$0x7D0 ss:$0x1], $0xffff  }
0x269: {  	v26 =	vadd.f32 v32, v26;
	v32 =	vor.u32 s16, v7;
	v25 =	vadd.f32 v34, v25;
	v34 =	vld.idx.msk [tilespmem:v24+s0+$0x7E0 ss:$0x1], $0xffff  }
0x26a: {  	v27 =	vadd.f32 v31, v27;
	v29 =	vadd.f32 v35, v29;
	v31 =	vld.idx.msk [tilespmem:v24+s0+$0x7F0 ss:$0x1], $0xffff;
	s0 =	smov.u32 s13;
	s13 =	smov.u32 s22  }
0x26b: {  	v28 =	vadd.f32 v28, v30  }
0x26c: {  	v25 =	vadd.f32 v25, v26;
	v26 =	vadd.f32 v29, v27  }
0x26d: {  	v27 =	vsub.f32 v16, v36;
	v29 =	vsub.f32 v17, v40  }
0x26e: {  	s16 =	sadd.s32 $0x100, s16;
	v30 =	vsub.f32 v20, v42;
	[tilespmem:v32+s25+$0x0] =	vst.idx.msk $0xffff, v26;
	v26 =	vsub.f32 v18, v41  }
0x26f: {  	v33 =	vsub.f32 v21, v33;
	v36 =	vsub.f32 v22, v37;
	v32 =	vor.u32 s16, v0;
	v35 =	vld.idx.msk [tilespmem:v24+s0+$0x400 ss:$0x1], $0xffff  }
0x270: {  	v27 =	vand.u32 $0x7FFFFFFF, v27;
	v34 =	vsub.f32 v19, v34;
	v31 =	vsub.f32 v23, v31;
	v37 =	vld.idx.msk [tilespmem:v24+s0+$0x410 ss:$0x1], $0xffff  }
0x271: {  	v29 =	vand.u32 $0x7FFFFFFF, v29;
	v30 =	vand.u32 $0x7FFFFFFF, v30;
	v26 =	vand.u32 $0x7FFFFFFF, v26;
	v38 =	vld.idx.msk [tilespmem:v24+s0+$0x420 ss:$0x1], $0xffff  }
0x272: {  	v33 =	vand.u32 $0x7FFFFFFF, v33;
	v36 =	vand.u32 $0x7FFFFFFF, v36;
	v34 =	vand.u32 $0x7FFFFFFF, v34;
	v39 =	vld.idx.msk [tilespmem:v24+s0+$0x430 ss:$0x1], $0xffff  }
0x273: {  	v27 =	vadd.f32 v29, v27;
	v31 =	vand.u32 $0x7FFFFFFF, v31;
	v26 =	vadd.f32 v30, v26;
	v40 =	vld.idx.msk [tilespmem:v24+s0+$0x440 ss:$0x1], $0xffff  }
0x274: {  	v30 =	vadd.f32 v36, v33;
	v31 =	vadd.f32 v31, v34;
	v29 =	vld.idx.msk [tilespmem:v24+s0+$0x450 ss:$0x1], $0xffff  }
0x275: {  	v25 =	vadd.f32 v25, v28;
	v33 =	vor.u32 s3, v15;
	s3 =	smov.u32 s17;
	s17 =	smov.u32 s16;
	v28 =	vld.idx.msk [tilespmem:v24+s0+$0x460 ss:$0x1], $0xffff  }
0x276: {  	v26 =	vadd.f32 v26, v27;
	v27 =	vadd.f32 v31, v30;
	v34 =	vld.idx.msk [tilespmem:v24+s0+$0x470 ss:$0x1], $0xffff  }
0x277: {  	[tilespmem:v32+s25+$0x0] =	vst.idx.msk $0xffff, v25  }
0x278: {  	v26 =	vadd.f32 v27, v26;
	v25 =	vld.idx.msk [tilespmem:v24+s13+$0x80 ss:$0x1], $0xffff  }
0x279: {  	v30 =	vsub.f32 v16, v35;
	v31 =	vsub.f32 v17, v37;
	v27 =	vld.idx.msk [tilespmem:v24+s13+$0x90 ss:$0x1], $0xffff  }
0x27a: {  	s14 =	sadd.s32 $0x100, s14;
	v35 =	vsub.f32 v18, v38;
	v36 =	vsub.f32 v20, v39;
	v32 =	vld.idx.msk [tilespmem:v24+s13+$0xA0 ss:$0x1], $0xffff;
	[tilespmem:v33+s25+$0x0] =	vst.idx.msk $0xffff, v26  }
0x27b: {  	v29 =	vsub.f32 v22, v29;
	v26 =	vsub.f32 v21, v40;
	v33 =	vld [tilespmem:s14+$0xFFFFFF80]  }
0x27c: {  	v30 =	vand.u32 $0x7FFFFFFF, v30;
	v28 =	vsub.f32 v19, v28;
	v34 =	vsub.f32 v23, v34;
	v37 =	vld [tilespmem:s14+$0xFFFFFF90]  }
0x27d: {  	v31 =	vand.u32 $0x7FFFFFFF, v31;
	v35 =	vand.u32 $0x7FFFFFFF, v35;
	v36 =	vand.u32 $0x7FFFFFFF, v36;
	v38 =	vld.idx.msk [tilespmem:v24+s13+$0xB0 ss:$0x1], $0xffff  }
0x27e: {  	v29 =	vand.u32 $0x7FFFFFFF, v29;
	v26 =	vand.u32 $0x7FFFFFFF, v26;
	v28 =	vand.u32 $0x7FFFFFFF, v28;
	v39 =	vld [tilespmem:s14+$0xFFFFFFA0]  }
0x27f: {  	v30 =	vadd.f32 v31, v30;
	v31 =	vadd.f32 v36, v35;
	v34 =	vand.u32 $0x7FFFFFFF, v34;
	v40 =	vld.idx.msk [tilespmem:v24+s13+$0xC0 ss:$0x1], $0xffff  }
0x280: {  	v26 =	vadd.f32 v29, v26;
	v28 =	vadd.f32 v34, v28;
	v29 =	vld [tilespmem:s14+$0xFFFFFFB0]  }
0x281: {  	v35 =	vor.u32 s3, v8;
	v34 =	vld.idx.msk [tilespmem:v24+s13+$0xD0 ss:$0x1], $0xffff;
	v33 =	vadd.f32 v37, v33  }
0x282: {  	v30 =	vadd.f32 v31, v30;
	v26 =	vadd.f32 v28, v26;
	v28 =	vld [tilespmem:s14+$0xFFFFFFC0]  }
0x283: {  	v31 =	vld.idx.msk [tilespmem:v24+s13+$0xE0 ss:$0x1], $0xffff;
	v33 =	vadd.f32 v39, v33  }
0x284: {  	v26 =	vadd.f32 v26, v30;
	v30 =	vld [tilespmem:s14+$0xFFFFFFD0]  }
0x285: {  	v36 =	vld.idx.msk [tilespmem:v24+s13+$0xF0 ss:$0x1], $0xffff;
	v29 =	vadd.f32 v29, v33  }
0x286: {  	[tilespmem:v35+s25+$0x0] =	vst.idx.msk $0xffff, v26;
	v26 =	vld [tilespmem:s14+$0xFFFFFFE0]  }
0x287: {  	v33 =	vld.idx.msk [tilespmem:v24+s0+$0x480 ss:$0x1], $0xffff;
	v28 =	vadd.f32 v28, v29  }
0x288: {  	v25 =	vsub.f32 v16, v25;
	v29 =	vld [tilespmem:s14+$0xFFFFFFF0]  }
0x289: {  	v27 =	vsub.f32 v17, v27;
	v35 =	vld.idx.msk [tilespmem:v24+s0+$0x490 ss:$0x1], $0xffff;
	v28 =	vadd.f32 v30, v28  }
0x28a: {  	v30 =	vsub.f32 v18, v32;
	v32 =	vsub.f32 v20, v38;
	v37 =	vld [tilespmem:s14+$0x0]  }
0x28b: {  	v38 =	vsub.f32 v21, v40;
	v39 =	vld.idx.msk [tilespmem:v24+s0+$0x4A0 ss:$0x1], $0xffff;
	v26 =	vadd.f32 v26, v28  }
0x28c: {  	v31 =	vsub.f32 v19, v31;
	v28 =	vsub.f32 v22, v34;
	v34 =	vld [tilespmem:s14+$0x10]  }
0x28d: {  	v36 =	vsub.f32 v23, v36;
	v40 =	vld.idx.msk [tilespmem:v24+s0+$0x4B0 ss:$0x1], $0xffff;
	v26 =	vadd.f32 v29, v26  }
0x28e: {  	v25 =	vand.u32 $0x7FFFFFFF, v25;
	v27 =	vand.u32 $0x7FFFFFFF, v27;
	v29 =	vand.u32 $0x7FFFFFFF, v30;
	v30 =	vld [tilespmem:s14+$0x20]  }
0x28f: {  	v32 =	vand.u32 $0x7FFFFFFF, v32;
	v38 =	vand.u32 $0x7FFFFFFF, v38;
	v41 =	vld.idx.msk [tilespmem:v24+s0+$0x4C0 ss:$0x1], $0xffff;
	v26 =	vadd.f32 v37, v26  }
0x290: {  	v25 =	vadd.f32 v27, v25;
	v31 =	vand.u32 $0x7FFFFFFF, v31;
	v28 =	vand.u32 $0x7FFFFFFF, v28;
	v27 =	vld [tilespmem:s14+$0x30]  }
0x291: {  	v36 =	vand.u32 $0x7FFFFFFF, v36;
	v29 =	vadd.f32 v32, v29;
	v32 =	vld.idx.msk [tilespmem:v24+s0+$0x4D0 ss:$0x1], $0xffff;
	v26 =	vadd.f32 v34, v26  }
0x292: {  	v31 =	vadd.f32 v36, v31;
	v28 =	vadd.f32 v28, v38;
	v34 =	vld [tilespmem:s14+$0x40]  }
0x293: {  	v36 =	vld.idx.msk [tilespmem:v24+s0+$0x4E0 ss:$0x1], $0xffff;
	v26 =	vadd.f32 v30, v26  }
0x294: {  	v25 =	vadd.f32 v29, v25;
	v28 =	vadd.f32 v31, v28;
	v29 =	vld [tilespmem:s14+$0x50]  }
0x295: {  	v30 =	vor.u32 s16, v1;
	v31 =	vld.idx.msk [tilespmem:v24+s0+$0x4F0 ss:$0x1], $0xffff;
	v26 =	vadd.f32 v27, v26  }
0x296: {  	v25 =	vadd.f32 v28, v25;
	v27 =	vsub.f32 v16, v33;
	v28 =	vld [tilespmem:s14+$0x60]  }
0x297: {  	v33 =	vsub.f32 v17, v35;
	v26 =	vadd.f32 v34, v26  }
0x298: {  	v35 =	vsub.f32 v20, v40;
	v34 =	vsub.f32 v18, v39;
	v37 =	vld [tilespmem:s14+$0x70]  }
0x299: {  	v38 =	vsub.f32 v21, v41;
	v26 =	vadd.f32 v29, v26  }
0x29a: {  	v29 =	vsub.f32 v19, v36;
	[tilespmem:v30+s25+$0x0] =	vst.idx.msk $0xffff, v25;
	v25 =	vsub.f32 v22, v32  }
0x29b: {  	v31 =	vsub.f32 v23, v31;
	v30 =	vld.idx.msk [tilespmem:v24+s13+$0x100 ss:$0x1], $0xffff;
	v26 =	vadd.f32 v28, v26  }
0x29c: {  	v27 =	vand.u32 $0x7FFFFFFF, v27;
	v32 =	vand.u32 $0x7FFFFFFF, v33;
	v33 =	vand.u32 $0x7FFFFFFF, v34;
	v28 =	vld.idx.msk [tilespmem:v24+s13+$0x110 ss:$0x1], $0xffff  }
0x29d: {  	s22 =	sshll.u32 s31, $0x3;
	v35 =	vand.u32 $0x7FFFFFFF, v35;
	v36 =	vand.u32 $0x7FFFFFFF, v38;
	v34 =	vld.idx.msk [tilespmem:v24+s13+$0x120 ss:$0x1], $0xffff;
	v26 =	vadd.f32 v37, v26  }
0x29e: {  	s22 =	sand.u32 $0x400, s22;
	v29 =	vand.u32 $0x7FFFFFFF, v29;
	v27 =	vadd.f32 v32, v27;
	v25 =	vand.u32 $0x7FFFFFFF, v25;
	v37 =	vld.idx.msk [tilespmem:v24+s13+$0x130 ss:$0x1], $0xffff  }
0x29f: {  	s24 =	sand.u32 $0x78, s31;
	s31 =	smov.u32 s2;
	s22 =	sadd.s32 s22, s15;
	v33 =	vadd.f32 v35, v33;
	v31 =	vand.u32 $0x7FFFFFFF, v31;
	v32 =	vld.idx.msk [tilespmem:v24+s13+$0x140 ss:$0x1], $0xffff;
	v26 =	vsub.f32 $1.200000000e+01, v26  }
0x2a0: {  	s2 =	smov.u32 s19;
	s22 =	sadd.s32 s24, s22;
	v25 =	vadd.f32 v25, v36;
	v29 =	vadd.f32 v31, v29;
	v35 =	vld.idx.msk [tilespmem:v24+s13+$0x150 ss:$0x1], $0xffff  }
0x2a1: {  	v36 =	vor.u32 s3, v9;
	v31 =	vld.idx.msk [tilespmem:v24+s13+$0x160 ss:$0x1], $0xffff;
	[tilespmem:s22+$0x0] =	vst v26  }
0x2a2: {  	v27 =	vadd.f32 v33, v27;
	v25 =	vadd.f32 v29, v25;
	v26 =	vld.idx.msk [tilespmem:v24+s13+$0x170 ss:$0x1], $0xffff;
	_ =	sdelay $0x1  }
0x2a3: {  	v25 =	vadd.f32 v25, v27  }
0x2a4: {  	v27 =	vsub.f32 v16, v30;
	v28 =	vsub.f32 v17, v28  }
0x2a5: {  	v29 =	vsub.f32 v18, v34;
	v30 =	vsub.f32 v20, v37;
	[tilespmem:v36+s25+$0x0] =	vst.idx.msk $0xffff, v25  }
0x2a6: {  	v25 =	vsub.f32 v21, v32;
	v32 =	vsub.f32 v22, v35;
	v33 =	vld.idx.msk [tilespmem:v24+s0+$0x500 ss:$0x1], $0xffff  }
0x2a7: {  	v27 =	vand.u32 $0x7FFFFFFF, v27;
	v31 =	vsub.f32 v19, v31;
	v26 =	vsub.f32 v23, v26;
	v34 =	vld.idx.msk [tilespmem:v24+s0+$0x510 ss:$0x1], $0xffff  }
0x2a8: {  	v28 =	vand.u32 $0x7FFFFFFF, v28;
	v29 =	vand.u32 $0x7FFFFFFF, v29;
	v30 =	vand.u32 $0x7FFFFFFF, v30;
	v35 =	vld.idx.msk [tilespmem:v24+s0+$0x520 ss:$0x1], $0xffff  }
0x2a9: {  	v25 =	vand.u32 $0x7FFFFFFF, v25;
	v32 =	vand.u32 $0x7FFFFFFF, v32;
	v31 =	vand.u32 $0x7FFFFFFF, v31;
	v36 =	vld.idx.msk [tilespmem:v24+s0+$0x530 ss:$0x1], $0xffff  }
0x2aa: {  	v27 =	vadd.f32 v28, v27;
	v28 =	vadd.f32 v30, v29;
	v26 =	vand.u32 $0x7FFFFFFF, v26;
	v29 =	vld.idx.msk [tilespmem:v24+s0+$0x540 ss:$0x1], $0xffff  }
0x2ab: {  	v25 =	vadd.f32 v32, v25;
	v26 =	vadd.f32 v26, v31;
	v30 =	vld.idx.msk [tilespmem:v24+s0+$0x550 ss:$0x1], $0xffff  }
0x2ac: {  	v31 =	vor.u32 s16, v2;
	v32 =	vld.idx.msk [tilespmem:v24+s0+$0x560 ss:$0x1], $0xffff  }
0x2ad: {  	v27 =	vadd.f32 v28, v27;
	v25 =	vadd.f32 v26, v25;
	v26 =	vld.idx.msk [tilespmem:v24+s0+$0x570 ss:$0x1], $0xffff;
	_ =	sdelay $0x1  }
0x2ae: {  	v25 =	vadd.f32 v25, v27  }
0x2af: {  	v28 =	vsub.f32 v17, v34;
	v27 =	vsub.f32 v16, v33  }
0x2b0: {  	[tilespmem:v31+s25+$0x0] =	vst.idx.msk $0xffff, v25;
	v25 =	vsub.f32 v18, v35;
	v31 =	vsub.f32 v20, v36  }
0x2b1: {  	v29 =	vsub.f32 v21, v29;
	v30 =	vsub.f32 v22, v30;
	v33 =	vld.idx.msk [tilespmem:v24+s13+$0x180 ss:$0x1], $0xffff  }
0x2b2: {  	v27 =	vand.u32 $0x7FFFFFFF, v27;
	v32 =	vsub.f32 v19, v32;
	v26 =	vsub.f32 v23, v26;
	v34 =	vld.idx.msk [tilespmem:v24+s13+$0x190 ss:$0x1], $0xffff  }
0x2b3: {  	v28 =	vand.u32 $0x7FFFFFFF, v28;
	v25 =	vand.u32 $0x7FFFFFFF, v25;
	v31 =	vand.u32 $0x7FFFFFFF, v31;
	v35 =	vld.idx.msk [tilespmem:v24+s13+$0x1A0 ss:$0x1], $0xffff  }
0x2b4: {  	v29 =	vand.u32 $0x7FFFFFFF, v29;
	v30 =	vand.u32 $0x7FFFFFFF, v30;
	v32 =	vand.u32 $0x7FFFFFFF, v32;
	v36 =	vld.idx.msk [tilespmem:v24+s13+$0x1B0 ss:$0x1], $0xffff  }
0x2b5: {  	v27 =	vadd.f32 v28, v27;
	v26 =	vand.u32 $0x7FFFFFFF, v26;
	v25 =	vadd.f32 v31, v25;
	v37 =	vld.idx.msk [tilespmem:v24+s13+$0x1C0 ss:$0x1], $0xffff  }
0x2b6: {  	v29 =	vadd.f32 v30, v29;
	v26 =	vadd.f32 v26, v32;
	v28 =	vld.idx.msk [tilespmem:v24+s13+$0x1D0 ss:$0x1], $0xffff  }
0x2b7: {  	v31 =	vor.u32 s3, v10;
	v30 =	vld.idx.msk [tilespmem:v24+s13+$0x1E0 ss:$0x1], $0xffff  }
0x2b8: {  	v25 =	vadd.f32 v25, v27;
	v26 =	vadd.f32 v26, v29;
	v32 =	vld.idx.msk [tilespmem:v24+s13+$0x1F0 ss:$0x1], $0xffff;
	_ =	sdelay $0x1  }
0x2b9: {  	v25 =	vadd.f32 v26, v25  }
0x2ba: {  	v27 =	vsub.f32 v17, v34;
	v26 =	vsub.f32 v16, v33  }
0x2bb: {  	v29 =	vsub.f32 v18, v35;
	v33 =	vsub.f32 v20, v36;
	[tilespmem:v31+s25+$0x0] =	vst.idx.msk $0xffff, v25  }
0x2bc: {  	v28 =	vsub.f32 v22, v28;
	v25 =	vsub.f32 v21, v37;
	v31 =	vld.idx.msk [tilespmem:v24+s0+$0x580 ss:$0x1], $0xffff  }
0x2bd: {  	v26 =	vand.u32 $0x7FFFFFFF, v26;
	v30 =	vsub.f32 v19, v30;
	v32 =	vsub.f32 v23, v32;
	v34 =	vld.idx.msk [tilespmem:v24+s0+$0x590 ss:$0x1], $0xffff  }
0x2be: {  	v27 =	vand.u32 $0x7FFFFFFF, v27;
	v29 =	vand.u32 $0x7FFFFFFF, v29;
	v33 =	vand.u32 $0x7FFFFFFF, v33;
	v35 =	vld.idx.msk [tilespmem:v24+s0+$0x5A0 ss:$0x1], $0xffff  }
0x2bf: {  	v28 =	vand.u32 $0x7FFFFFFF, v28;
	v25 =	vand.u32 $0x7FFFFFFF, v25;
	v30 =	vand.u32 $0x7FFFFFFF, v30;
	v36 =	vld.idx.msk [tilespmem:v24+s0+$0x5B0 ss:$0x1], $0xffff  }
0x2c0: {  	v26 =	vadd.f32 v27, v26;
	v27 =	vadd.f32 v33, v29;
	v32 =	vand.u32 $0x7FFFFFFF, v32;
	v29 =	vld.idx.msk [tilespmem:v24+s0+$0x5C0 ss:$0x1], $0xffff  }
0x2c1: {  	v25 =	vadd.f32 v28, v25;
	v28 =	vadd.f32 v32, v30;
	v30 =	vld.idx.msk [tilespmem:v24+s0+$0x5D0 ss:$0x1], $0xffff  }
0x2c2: {  	v32 =	vor.u32 s16, v3;
	v33 =	vld.idx.msk [tilespmem:v24+s0+$0x5E0 ss:$0x1], $0xffff  }
0x2c3: {  	v26 =	vadd.f32 v27, v26;
	v25 =	vadd.f32 v28, v25;
	v27 =	vld.idx.msk [tilespmem:v24+s0+$0x5F0 ss:$0x1], $0xffff;
	_ =	sdelay $0x1  }
0x2c4: {  	v25 =	vadd.f32 v25, v26  }
0x2c5: {  	v28 =	vsub.f32 v17, v34;
	v26 =	vsub.f32 v16, v31  }
0x2c6: {  	v31 =	vsub.f32 v20, v36;
	[tilespmem:v32+s25+$0x0] =	vst.idx.msk $0xffff, v25;
	v25 =	vsub.f32 v18, v35  }
0x2c7: {  	v29 =	vsub.f32 v21, v29;
	v30 =	vsub.f32 v22, v30;
	v32 =	vld.idx.msk [tilespmem:v24+s13+$0x200 ss:$0x1], $0xffff  }
0x2c8: {  	v26 =	vand.u32 $0x7FFFFFFF, v26;
	v33 =	vsub.f32 v19, v33;
	v27 =	vsub.f32 v23, v27;
	v34 =	vld.idx.msk [tilespmem:v24+s13+$0x210 ss:$0x1], $0xffff  }
0x2c9: {  	v28 =	vand.u32 $0x7FFFFFFF, v28;
	v31 =	vand.u32 $0x7FFFFFFF, v31;
	v25 =	vand.u32 $0x7FFFFFFF, v25;
	v35 =	vld.idx.msk [tilespmem:v24+s13+$0x220 ss:$0x1], $0xffff  }
0x2ca: {  	v29 =	vand.u32 $0x7FFFFFFF, v29;
	v30 =	vand.u32 $0x7FFFFFFF, v30;
	v33 =	vand.u32 $0x7FFFFFFF, v33;
	v36 =	vld.idx.msk [tilespmem:v24+s13+$0x230 ss:$0x1], $0xffff  }
0x2cb: {  	v26 =	vadd.f32 v28, v26;
	v27 =	vand.u32 $0x7FFFFFFF, v27;
	v25 =	vadd.f32 v31, v25;
	v37 =	vld.idx.msk [tilespmem:v24+s13+$0x240 ss:$0x1], $0xffff  }
0x2cc: {  	v29 =	vadd.f32 v30, v29;
	v27 =	vadd.f32 v27, v33;
	v28 =	vld.idx.msk [tilespmem:v24+s13+$0x250 ss:$0x1], $0xffff  }
0x2cd: {  	v31 =	vor.u32 s3, v11;
	v30 =	vld.idx.msk [tilespmem:v24+s13+$0x260 ss:$0x1], $0xffff  }
0x2ce: {  	v25 =	vadd.f32 v25, v26;
	v26 =	vadd.f32 v27, v29;
	v33 =	vld.idx.msk [tilespmem:v24+s13+$0x270 ss:$0x1], $0xffff;
	_ =	sdelay $0x1  }
0x2cf: {  	v25 =	vadd.f32 v26, v25  }
0x2d0: {  	v27 =	vsub.f32 v17, v34;
	v26 =	vsub.f32 v16, v32  }
0x2d1: {  	v29 =	vsub.f32 v18, v35;
	v32 =	vsub.f32 v20, v36;
	[tilespmem:v31+s25+$0x0] =	vst.idx.msk $0xffff, v25  }
0x2d2: {  	v28 =	vsub.f32 v22, v28;
	v25 =	vsub.f32 v21, v37;
	v31 =	vld.idx.msk [tilespmem:v24+s0+$0x600 ss:$0x1], $0xffff  }
0x2d3: {  	v26 =	vand.u32 $0x7FFFFFFF, v26;
	v30 =	vsub.f32 v19, v30;
	v33 =	vsub.f32 v23, v33;
	v34 =	vld.idx.msk [tilespmem:v24+s0+$0x610 ss:$0x1], $0xffff  }
0x2d4: {  	v27 =	vand.u32 $0x7FFFFFFF, v27;
	v29 =	vand.u32 $0x7FFFFFFF, v29;
	v32 =	vand.u32 $0x7FFFFFFF, v32;
	v35 =	vld.idx.msk [tilespmem:v24+s0+$0x620 ss:$0x1], $0xffff  }
0x2d5: {  	v28 =	vand.u32 $0x7FFFFFFF, v28;
	v25 =	vand.u32 $0x7FFFFFFF, v25;
	v30 =	vand.u32 $0x7FFFFFFF, v30;
	v36 =	vld.idx.msk [tilespmem:v24+s0+$0x630 ss:$0x1], $0xffff  }
0x2d6: {  	v26 =	vadd.f32 v27, v26;
	v27 =	vadd.f32 v32, v29;
	v33 =	vand.u32 $0x7FFFFFFF, v33;
	v29 =	vld.idx.msk [tilespmem:v24+s0+$0x640 ss:$0x1], $0xffff  }
0x2d7: {  	v25 =	vadd.f32 v28, v25;
	v28 =	vadd.f32 v33, v30;
	v30 =	vld.idx.msk [tilespmem:v24+s0+$0x650 ss:$0x1], $0xffff  }
0x2d8: {  	v32 =	vor.u32 s16, v4;
	v33 =	vld.idx.msk [tilespmem:v24+s0+$0x660 ss:$0x1], $0xffff  }
0x2d9: {  	v26 =	vadd.f32 v27, v26;
	v25 =	vadd.f32 v28, v25;
	v27 =	vld.idx.msk [tilespmem:v24+s0+$0x670 ss:$0x1], $0xffff;
	_ =	sdelay $0x1  }
0x2da: {  	v25 =	vadd.f32 v25, v26  }
0x2db: {  	v28 =	vsub.f32 v17, v34;
	v26 =	vsub.f32 v16, v31  }
0x2dc: {  	v31 =	vsub.f32 v20, v36;
	[tilespmem:v32+s25+$0x0] =	vst.idx.msk $0xffff, v25;
	v25 =	vsub.f32 v18, v35  }
0x2dd: {  	v29 =	vsub.f32 v21, v29;
	v30 =	vsub.f32 v22, v30;
	v32 =	vld.idx.msk [tilespmem:v24+s13+$0x280 ss:$0x1], $0xffff  }
0x2de: {  	v26 =	vand.u32 $0x7FFFFFFF, v26;
	v33 =	vsub.f32 v19, v33;
	v27 =	vsub.f32 v23, v27;
	v34 =	vld.idx.msk [tilespmem:v24+s13+$0x290 ss:$0x1], $0xffff  }
0x2df: {  	v28 =	vand.u32 $0x7FFFFFFF, v28;
	v31 =	vand.u32 $0x7FFFFFFF, v31;
	v25 =	vand.u32 $0x7FFFFFFF, v25;
	v35 =	vld.idx.msk [tilespmem:v24+s13+$0x2A0 ss:$0x1], $0xffff  }
0x2e0: {  	v29 =	vand.u32 $0x7FFFFFFF, v29;
	v30 =	vand.u32 $0x7FFFFFFF, v30;
	v33 =	vand.u32 $0x7FFFFFFF, v33;
	v36 =	vld.idx.msk [tilespmem:v24+s13+$0x2B0 ss:$0x1], $0xffff  }
0x2e1: {  	v26 =	vadd.f32 v28, v26;
	v27 =	vand.u32 $0x7FFFFFFF, v27;
	v25 =	vadd.f32 v31, v25;
	v37 =	vld.idx.msk [tilespmem:v24+s13+$0x2C0 ss:$0x1], $0xffff  }
0x2e2: {  	v29 =	vadd.f32 v30, v29;
	v27 =	vadd.f32 v27, v33;
	v28 =	vld.idx.msk [tilespmem:v24+s13+$0x2D0 ss:$0x1], $0xffff  }
0x2e3: {  	v31 =	vor.u32 s3, v12;
	v30 =	vld.idx.msk [tilespmem:v24+s13+$0x2E0 ss:$0x1], $0xffff  }
0x2e4: {  	v25 =	vadd.f32 v25, v26;
	v26 =	vadd.f32 v27, v29;
	v33 =	vld.idx.msk [tilespmem:v24+s13+$0x2F0 ss:$0x1], $0xffff;
	_ =	sdelay $0x1  }
0x2e5: {  	v25 =	vadd.f32 v26, v25  }
0x2e6: {  	v27 =	vsub.f32 v17, v34;
	v26 =	vsub.f32 v16, v32  }
.Ltmp1:
0x2e7: {  	v32 =	vsub.f32 v18, v35;
	v34 =	vsub.f32 v20, v36;
	[tilespmem:v31+s25+$0x0] =	vst.idx.msk $0xffff, v25;
	(pc) =	sbr.rel @p0 .LBB2_5-.Ltmp1, $4  }
0x2e8: {  	v35 =	vsub.f32 v21, v37;
	v28 =	vsub.f32 v22, v28;
	v25 =	vld.idx.msk [tilespmem:v24+s0+$0x680 ss:$0x1], $0xffff  }
0x2e9: {  	v29 =	vand.u32 $0x7FFFFFFF, v26;
	v36 =	vsub.f32 v19, v30;
	v30 =	vsub.f32 v23, v33;
	v26 =	vld.idx.msk [tilespmem:v24+s0+$0x690 ss:$0x1], $0xffff  }
0x2ea: {  	v32 =	vand.u32 $0x7FFFFFFF, v32;
	v31 =	vand.u32 $0x7FFFFFFF, v27;
	v33 =	vand.u32 $0x7FFFFFFF, v34;
	v27 =	vld.idx.msk [tilespmem:v24+s0+$0x6A0 ss:$0x1], $0xffff  }
0x2eb: {  	s18 =	sadd.s32 $0x10, s18;
	v34 =	vand.u32 $0x7FFFFFFF, v35;
	v35 =	vand.u32 $0x7FFFFFFF, v28;
	v36 =	vand.u32 $0x7FFFFFFF, v36;
	v28 =	vld.idx.msk [tilespmem:v24+s0+$0x6B0 ss:$0x1], $0xffff  }
0x2ec: {  	v30 =	vand.u32 $0x7FFFFFFF, v30;
	v29 =	vadd.f32 v31, v29;
	v37 =	vadd.f32 v33, v32  }
0x2ed: {  	v38 =	vadd.f32 v35, v34;
	v30 =	vadd.f32 v30, v36  }
0x2ee: {  	v39 =	vor.u32 s16, v5  }
0x2ef: {  	v29 =	vadd.f32 v37, v29;
	v30 =	vadd.f32 v30, v38;
	_ =	sdelay $0x1  }
0x2f0: {  	v29 =	vadd.f32 v30, v29;
	_ =	sdelay $0x1  }
0x2f1: {  	[tilespmem:v39+s25+$0x0] =	vst.idx.msk $0xffff, v29  }
0x2f2: {  	v29 =	vld.idx.msk [tilespmem:v24+s13+$0x300 ss:$0x1], $0xffff  }
0x2f3: {  	v40 =	vld.idx.msk [tilespmem:v24+s13+$0x310 ss:$0x1], $0xffff  }
0x2f4: {  	v41 =	vld.idx.msk [tilespmem:v24+s13+$0x320 ss:$0x1], $0xffff  }
0x2f5: {  	v42 =	vld.idx.msk [tilespmem:v24+s13+$0x330 ss:$0x1], $0xffff  }
0x2f6: {  	v33 =	vld.idx.msk [tilespmem:v24+s13+$0x340 ss:$0x1], $0xffff  }
0x2f7: {  	v43 =	vld.idx.msk [tilespmem:v24+s13+$0x350 ss:$0x1], $0xffff  }
0x2f8: {  	v44 =	vld.idx.msk [tilespmem:v24+s13+$0x360 ss:$0x1], $0xffff  }
0x2f9: {  	v45 =	vld.idx.msk [tilespmem:v24+s13+$0x370 ss:$0x1], $0xffff;
	_ =	sdelay $0x1  }
0x2fa: {  	v29 =	vsub.f32 v16, v29;
	v30 =	vsub.f32 v17, v40  }
0x2fb: {  	v31 =	vsub.f32 v18, v41;
	v32 =	vsub.f32 v20, v42  }
0x2fc: {  	v33 =	vsub.f32 v21, v33;
	v34 =	vsub.f32 v22, v43  }
0x2fd: {  	v35 =	vsub.f32 v19, v44;
	v36 =	vsub.f32 v23, v45;
	v29 =	vand.u32 $0x7FFFFFFF, v29  }
0x2fe: {  	v30 =	vand.u32 $0x7FFFFFFF, v30;
	v31 =	vand.u32 $0x7FFFFFFF, v31;
	v32 =	vand.u32 $0x7FFFFFFF, v32  }
0x2ff: {  	v33 =	vand.u32 $0x7FFFFFFF, v33;
	v34 =	vand.u32 $0x7FFFFFFF, v34;
	v35 =	vand.u32 $0x7FFFFFFF, v35  }
0x300: {  	v36 =	vand.u32 $0x7FFFFFFF, v36;
	v29 =	vadd.f32 v30, v29;
	v46 =	vadd.f32 v32, v31  }
0x301: {  	v47 =	vadd.f32 v34, v33;
	v48 =	vadd.f32 v36, v35  }
0x302: {  	v49 =	vor.u32 s16, v6  }
0x303: {  	v29 =	vadd.f32 v46, v29;
	v50 =	vadd.f32 v48, v47;
	_ =	sdelay $0x1  }
0x304: {  	v29 =	vadd.f32 v50, v29;
	_ =	sdelay $0x1  }
0x305: {  	[tilespmem:v49+s25+$0x0] =	vst.idx.msk $0xffff, v29  }
0x306: {  	v29 =	vld.idx.msk [tilespmem:v24+s13+$0x380 ss:$0x1], $0xffff  }
0x307: {  	v51 =	vld.idx.msk [tilespmem:v24+s13+$0x390 ss:$0x1], $0xffff  }
0x308: {  	v52 =	vld.idx.msk [tilespmem:v24+s13+$0x3A0 ss:$0x1], $0xffff  }
0x309: {  	v53 =	vld.idx.msk [tilespmem:v24+s13+$0x3B0 ss:$0x1], $0xffff  }
0x30a: {  	v33 =	vld.idx.msk [tilespmem:v24+s13+$0x3C0 ss:$0x1], $0xffff  }
0x30b: {  	v54 =	vld.idx.msk [tilespmem:v24+s13+$0x3D0 ss:$0x1], $0xffff  }
0x30c: {  	v55 =	vld.idx.msk [tilespmem:v24+s13+$0x3E0 ss:$0x1], $0xffff  }
0x30d: {  	v56 =	vld.idx.msk [tilespmem:v24+s13+$0x3F0 ss:$0x1], $0xffff;
	_ =	sdelay $0x1  }
0x30e: {  	v29 =	vsub.f32 v16, v29;
	v30 =	vsub.f32 v17, v51  }
0x30f: {  	v31 =	vsub.f32 v18, v52;
	v32 =	vsub.f32 v20, v53  }
0x310: {  	v33 =	vsub.f32 v21, v33;
	v34 =	vsub.f32 v22, v54  }
0x311: {  	v35 =	vsub.f32 v19, v55;
	v36 =	vsub.f32 v23, v56;
	v29 =	vand.u32 $0x7FFFFFFF, v29  }
0x312: {  	v30 =	vand.u32 $0x7FFFFFFF, v30;
	v31 =	vand.u32 $0x7FFFFFFF, v31;
	v32 =	vand.u32 $0x7FFFFFFF, v32  }
0x313: {  	v33 =	vand.u32 $0x7FFFFFFF, v33;
	v34 =	vand.u32 $0x7FFFFFFF, v34;
	v35 =	vand.u32 $0x7FFFFFFF, v35  }
0x314: {  	v36 =	vand.u32 $0x7FFFFFFF, v36;
	v29 =	vadd.f32 v30, v29;
	v57 =	vadd.f32 v32, v31  }
0x315: {  	v58 =	vadd.f32 v34, v33;
	v59 =	vadd.f32 v36, v35  }
0x316: {  	v60 =	vor.u32 s16, v7  }
0x317: {  	v29 =	vadd.f32 v57, v29;
	v61 =	vadd.f32 v59, v58;
	_ =	sdelay $0x1  }
0x318: {  	v29 =	vadd.f32 v61, v29;
	_ =	sdelay $0x1  }
0x319: {  	[tilespmem:v60+s25+$0x0] =	vst.idx.msk $0xffff, v29  }
0x31a: {  	v29 =	vld.idx.msk [tilespmem:v24+s13+$0x400 ss:$0x1], $0xffff  }
0x31b: {  	v62 =	vld.idx.msk [tilespmem:v24+s13+$0x410 ss:$0x1], $0xffff  }
0x31c: {  	v63 =	vld.idx.msk [tilespmem:v24+s13+$0x420 ss:$0x1], $0xffff  }
0x31d: {  	v40 =	vld.idx.msk [tilespmem:v24+s13+$0x430 ss:$0x1], $0xffff  }
0x31e: {  	v33 =	vld.idx.msk [tilespmem:v24+s13+$0x440 ss:$0x1], $0xffff  }
0x31f: {  	v41 =	vld.idx.msk [tilespmem:v24+s13+$0x450 ss:$0x1], $0xffff  }
0x320: {  	v42 =	vld.idx.msk [tilespmem:v24+s13+$0x460 ss:$0x1], $0xffff  }
0x321: {  	v43 =	vld.idx.msk [tilespmem:v24+s13+$0x470 ss:$0x1], $0xffff;
	_ =	sdelay $0x1  }
0x322: {  	v29 =	vsub.f32 v16, v29;
	v30 =	vsub.f32 v17, v62  }
0x323: {  	v31 =	vsub.f32 v18, v63;
	v32 =	vsub.f32 v20, v40  }
0x324: {  	v33 =	vsub.f32 v21, v33;
	v34 =	vsub.f32 v22, v41  }
0x325: {  	v35 =	vsub.f32 v19, v42;
	v36 =	vsub.f32 v23, v43;
	v29 =	vand.u32 $0x7FFFFFFF, v29  }
0x326: {  	v30 =	vand.u32 $0x7FFFFFFF, v30;
	v31 =	vand.u32 $0x7FFFFFFF, v31;
	v32 =	vand.u32 $0x7FFFFFFF, v32  }
0x327: {  	v33 =	vand.u32 $0x7FFFFFFF, v33;
	v34 =	vand.u32 $0x7FFFFFFF, v34;
	v35 =	vand.u32 $0x7FFFFFFF, v35  }
0x328: {  	v36 =	vand.u32 $0x7FFFFFFF, v36;
	v29 =	vadd.f32 v30, v29;
	v44 =	vadd.f32 v32, v31  }
0x329: {  	v45 =	vadd.f32 v34, v33;
	v46 =	vadd.f32 v36, v35  }
0x32a: {  	v47 =	vor.u32 s17, v8  }
0x32b: {  	v29 =	vadd.f32 v44, v29;
	v48 =	vadd.f32 v46, v45;
	_ =	sdelay $0x1  }
0x32c: {  	v29 =	vadd.f32 v48, v29;
	_ =	sdelay $0x1  }
0x32d: {  	[tilespmem:v47+s25+$0x0] =	vst.idx.msk $0xffff, v29  }
0x32e: {  	v29 =	vld.idx.msk [tilespmem:v24+s13+$0x480 ss:$0x1], $0xffff  }
0x32f: {  	v49 =	vld.idx.msk [tilespmem:v24+s13+$0x490 ss:$0x1], $0xffff  }
0x330: {  	v50 =	vld.idx.msk [tilespmem:v24+s13+$0x4A0 ss:$0x1], $0xffff  }
0x331: {  	v51 =	vld.idx.msk [tilespmem:v24+s13+$0x4B0 ss:$0x1], $0xffff  }
0x332: {  	v33 =	vld.idx.msk [tilespmem:v24+s13+$0x4C0 ss:$0x1], $0xffff  }
0x333: {  	v52 =	vld.idx.msk [tilespmem:v24+s13+$0x4D0 ss:$0x1], $0xffff  }
0x334: {  	v53 =	vld.idx.msk [tilespmem:v24+s13+$0x4E0 ss:$0x1], $0xffff  }
0x335: {  	v54 =	vld.idx.msk [tilespmem:v24+s13+$0x4F0 ss:$0x1], $0xffff;
	_ =	sdelay $0x1  }
0x336: {  	v29 =	vsub.f32 v16, v29;
	v30 =	vsub.f32 v17, v49  }
0x337: {  	v31 =	vsub.f32 v18, v50;
	v32 =	vsub.f32 v20, v51  }
0x338: {  	v33 =	vsub.f32 v21, v33;
	v34 =	vsub.f32 v22, v52  }
0x339: {  	v35 =	vsub.f32 v19, v53;
	v36 =	vsub.f32 v23, v54;
	v29 =	vand.u32 $0x7FFFFFFF, v29  }
0x33a: {  	v30 =	vand.u32 $0x7FFFFFFF, v30;
	v31 =	vand.u32 $0x7FFFFFFF, v31;
	v32 =	vand.u32 $0x7FFFFFFF, v32  }
0x33b: {  	v33 =	vand.u32 $0x7FFFFFFF, v33;
	v34 =	vand.u32 $0x7FFFFFFF, v34;
	v35 =	vand.u32 $0x7FFFFFFF, v35  }
0x33c: {  	v55 =	vand.u32 $0x7FFFFFFF, v36;
	v29 =	vadd.f32 v30, v29;
	v31 =	vadd.f32 v32, v31  }
0x33d: {  	v56 =	vadd.f32 v34, v33;
	v30 =	vadd.f32 v55, v35  }
0x33e: {  	v57 =	vor.u32 s17, v9  }
0x33f: {  	v29 =	vadd.f32 v31, v29;
	v30 =	vadd.f32 v30, v56;
	_ =	sdelay $0x1  }
0x340: {  	v29 =	vadd.f32 v30, v29;
	_ =	sdelay $0x1  }
0x341: {  	[tilespmem:v57+s25+$0x0] =	vst.idx.msk $0xffff, v29  }
0x342: {  	v29 =	vld.idx.msk [tilespmem:v24+s13+$0x500 ss:$0x1], $0xffff  }
0x343: {  	v58 =	vld.idx.msk [tilespmem:v24+s13+$0x510 ss:$0x1], $0xffff  }
0x344: {  	v59 =	vld.idx.msk [tilespmem:v24+s13+$0x520 ss:$0x1], $0xffff  }
0x345: {  	v60 =	vld.idx.msk [tilespmem:v24+s13+$0x530 ss:$0x1], $0xffff  }
0x346: {  	v33 =	vld.idx.msk [tilespmem:v24+s13+$0x540 ss:$0x1], $0xffff  }
0x347: {  	v61 =	vld.idx.msk [tilespmem:v24+s13+$0x550 ss:$0x1], $0xffff  }
0x348: {  	v62 =	vld.idx.msk [tilespmem:v24+s13+$0x560 ss:$0x1], $0xffff  }
0x349: {  	v63 =	vld.idx.msk [tilespmem:v24+s13+$0x570 ss:$0x1], $0xffff;
	_ =	sdelay $0x1  }
0x34a: {  	v29 =	vsub.f32 v16, v29;
	v30 =	vsub.f32 v17, v58  }
0x34b: {  	v31 =	vsub.f32 v18, v59;
	v32 =	vsub.f32 v20, v60  }
0x34c: {  	v33 =	vsub.f32 v21, v33;
	v34 =	vsub.f32 v22, v61  }
0x34d: {  	v35 =	vsub.f32 v19, v62;
	v36 =	vsub.f32 v23, v63;
	v29 =	vand.u32 $0x7FFFFFFF, v29  }
0x34e: {  	v30 =	vand.u32 $0x7FFFFFFF, v30;
	v31 =	vand.u32 $0x7FFFFFFF, v31;
	v32 =	vand.u32 $0x7FFFFFFF, v32  }
0x34f: {  	v33 =	vand.u32 $0x7FFFFFFF, v33;
	v34 =	vand.u32 $0x7FFFFFFF, v34;
	v35 =	vand.u32 $0x7FFFFFFF, v35  }
0x350: {  	v36 =	vand.u32 $0x7FFFFFFF, v36;
	v29 =	vadd.f32 v30, v29;
	v37 =	vadd.f32 v32, v31  }
0x351: {  	v38 =	vadd.f32 v34, v33;
	v39 =	vadd.f32 v36, v35  }
0x352: {  	v40 =	vor.u32 s17, v10  }
0x353: {  	v29 =	vadd.f32 v37, v29;
	v41 =	vadd.f32 v39, v38;
	_ =	sdelay $0x1  }
0x354: {  	v29 =	vadd.f32 v41, v29;
	_ =	sdelay $0x1  }
0x355: {  	[tilespmem:v40+s25+$0x0] =	vst.idx.msk $0xffff, v29  }
0x356: {  	v29 =	vld.idx.msk [tilespmem:v24+s13+$0x580 ss:$0x1], $0xffff  }
0x357: {  	v42 =	vld.idx.msk [tilespmem:v24+s13+$0x590 ss:$0x1], $0xffff  }
0x358: {  	v43 =	vld.idx.msk [tilespmem:v24+s13+$0x5A0 ss:$0x1], $0xffff  }
0x359: {  	v44 =	vld.idx.msk [tilespmem:v24+s13+$0x5B0 ss:$0x1], $0xffff  }
0x35a: {  	v33 =	vld.idx.msk [tilespmem:v24+s13+$0x5C0 ss:$0x1], $0xffff  }
0x35b: {  	v45 =	vld.idx.msk [tilespmem:v24+s13+$0x5D0 ss:$0x1], $0xffff  }
0x35c: {  	v46 =	vld.idx.msk [tilespmem:v24+s13+$0x5E0 ss:$0x1], $0xffff  }
0x35d: {  	v47 =	vld.idx.msk [tilespmem:v24+s13+$0x5F0 ss:$0x1], $0xffff;
	_ =	sdelay $0x1  }
0x35e: {  	v29 =	vsub.f32 v16, v29;
	v30 =	vsub.f32 v17, v42  }
0x35f: {  	v31 =	vsub.f32 v18, v43;
	v32 =	vsub.f32 v20, v44  }
0x360: {  	v33 =	vsub.f32 v21, v33;
	v34 =	vsub.f32 v22, v45  }
0x361: {  	v35 =	vsub.f32 v19, v46;
	v36 =	vsub.f32 v23, v47;
	v29 =	vand.u32 $0x7FFFFFFF, v29  }
0x362: {  	v30 =	vand.u32 $0x7FFFFFFF, v30;
	v31 =	vand.u32 $0x7FFFFFFF, v31;
	v32 =	vand.u32 $0x7FFFFFFF, v32  }
0x363: {  	v33 =	vand.u32 $0x7FFFFFFF, v33;
	v34 =	vand.u32 $0x7FFFFFFF, v34;
	v35 =	vand.u32 $0x7FFFFFFF, v35  }
0x364: {  	v36 =	vand.u32 $0x7FFFFFFF, v36;
	v29 =	vadd.f32 v30, v29;
	v48 =	vadd.f32 v32, v31  }
0x365: {  	v49 =	vadd.f32 v34, v33;
	v50 =	vadd.f32 v36, v35  }
0x366: {  	v51 =	vor.u32 s17, v11  }
0x367: {  	v29 =	vadd.f32 v48, v29;
	v52 =	vadd.f32 v50, v49;
	_ =	sdelay $0x1  }
0x368: {  	v29 =	vadd.f32 v52, v29;
	_ =	sdelay $0x1  }
0x369: {  	[tilespmem:v51+s25+$0x0] =	vst.idx.msk $0xffff, v29  }
0x36a: {  	v29 =	vld.idx.msk [tilespmem:v24+s13+$0x600 ss:$0x1], $0xffff  }
0x36b: {  	v53 =	vld.idx.msk [tilespmem:v24+s13+$0x610 ss:$0x1], $0xffff  }
0x36c: {  	v54 =	vld.idx.msk [tilespmem:v24+s13+$0x620 ss:$0x1], $0xffff  }
0x36d: {  	v55 =	vld.idx.msk [tilespmem:v24+s13+$0x630 ss:$0x1], $0xffff  }
0x36e: {  	v33 =	vld.idx.msk [tilespmem:v24+s13+$0x640 ss:$0x1], $0xffff  }
0x36f: {  	v56 =	vld.idx.msk [tilespmem:v24+s13+$0x650 ss:$0x1], $0xffff  }
0x370: {  	v57 =	vld.idx.msk [tilespmem:v24+s13+$0x660 ss:$0x1], $0xffff  }
0x371: {  	v58 =	vld.idx.msk [tilespmem:v24+s13+$0x670 ss:$0x1], $0xffff;
	_ =	sdelay $0x1  }
0x372: {  	v29 =	vsub.f32 v16, v29;
	v30 =	vsub.f32 v17, v53  }
0x373: {  	v31 =	vsub.f32 v18, v54;
	v32 =	vsub.f32 v20, v55  }
0x374: {  	v33 =	vsub.f32 v21, v33;
	v34 =	vsub.f32 v22, v56  }
0x375: {  	v35 =	vsub.f32 v19, v57;
	v36 =	vsub.f32 v23, v58;
	v29 =	vand.u32 $0x7FFFFFFF, v29  }
0x376: {  	v30 =	vand.u32 $0x7FFFFFFF, v30;
	v31 =	vand.u32 $0x7FFFFFFF, v31;
	v32 =	vand.u32 $0x7FFFFFFF, v32  }
0x377: {  	v33 =	vand.u32 $0x7FFFFFFF, v33;
	v34 =	vand.u32 $0x7FFFFFFF, v34;
	v35 =	vand.u32 $0x7FFFFFFF, v35  }
0x378: {  	v36 =	vand.u32 $0x7FFFFFFF, v36;
	v29 =	vadd.f32 v30, v29;
	v59 =	vadd.f32 v32, v31  }
0x379: {  	v60 =	vld.idx.msk [tilespmem:v24+s0+$0x6D0 ss:$0x1], $0xffff;
	v61 =	vadd.f32 v34, v33;
	v62 =	vadd.f32 v36, v35  }
0x37a: {  	v63 =	vld.idx.msk [tilespmem:v24+s0+$0x6E0 ss:$0x1], $0xffff;
	v40 =	vor.u32 s17, v12  }
0x37b: {  	v37 =	vld.idx.msk [tilespmem:v24+s0+$0x6C0 ss:$0x1], $0xffff;
	v29 =	vadd.f32 v59, v29;
	v42 =	vadd.f32 v62, v61  }
0x37c: {  	v25 =	vsub.f32 v16, v25;
	v41 =	vld.idx.msk [tilespmem:v24+s0+$0x6F0 ss:$0x1], $0xffff  }
0x37d: {  	v26 =	vsub.f32 v17, v26;
	v29 =	vadd.f32 v42, v29  }
0x37e: {  	v27 =	vsub.f32 v18, v27  }
0x37f: {  	v25 =	vand.u32 $0x7FFFFFFF, v25;
	v28 =	vsub.f32 v20, v28;
	v26 =	vand.u32 $0x7FFFFFFF, v26;
	[tilespmem:v40+s25+$0x0] =	vst.idx.msk $0xffff, v29  }
0x380: {  	v27 =	vand.u32 $0x7FFFFFFF, v27;
	v43 =	vsub.f32 v21, v37;
	v44 =	vsub.f32 v19, v63;
	v46 =	vld.idx.msk [tilespmem:v24+s13+$0x680 ss:$0x1], $0xffff  }
0x381: {  	v28 =	vand.u32 $0x7FFFFFFF, v28;
	v45 =	vsub.f32 v23, v41;
	v31 =	vsub.f32 v22, v60;
	v47 =	vld.idx.msk [tilespmem:v24+s13+$0x690 ss:$0x1], $0xffff  }
0x382: {  	v25 =	vadd.f32 v26, v25;
	v48 =	vadd.f32 v28, v27;
	v30 =	vand.u32 $0x7FFFFFFF, v43;
	v35 =	vld.idx.msk [tilespmem:v24+s13+$0x6A0 ss:$0x1], $0xffff  }
0x383: {  	v32 =	vand.u32 $0x7FFFFFFF, v45;
	v31 =	vand.u32 $0x7FFFFFFF, v31;
	v29 =	vand.u32 $0x7FFFFFFF, v44;
	v49 =	vld.idx.msk [tilespmem:v24+s13+$0x6B0 ss:$0x1], $0xffff  }
0x384: {  	v50 =	vadd.f32 v31, v30;
	v29 =	vadd.f32 v32, v29;
	v51 =	vld.idx.msk [tilespmem:v24+s13+$0x6C0 ss:$0x1], $0xffff  }
0x385: {  	v52 =	vor.u32 s3, v13;
	v53 =	vld.idx.msk [tilespmem:v24+s13+$0x6D0 ss:$0x1], $0xffff  }
0x386: {  	v25 =	vadd.f32 v48, v25;
	v55 =	vld.idx.msk [tilespmem:v24+s13+$0x6E0 ss:$0x1], $0xffff;
	v54 =	vadd.f32 v29, v50  }
0x387: {  	v56 =	vld.idx.msk [tilespmem:v24+s13+$0x6F0 ss:$0x1], $0xffff  }
0x388: {  	v25 =	vadd.f32 v54, v25  }
0x389: {  	v57 =	vsub.f32 v16, v46;
	v58 =	vsub.f32 v17, v47  }
0x38a: {  	v59 =	vsub.f32 v18, v35;
	v27 =	vsub.f32 v20, v49;
	[tilespmem:v52+s25+$0x0] =	vst.idx.msk $0xffff, v25  }
0x38b: {  	v30 =	vsub.f32 v21, v51;
	v32 =	vsub.f32 v22, v53;
	v31 =	vld.idx.msk [tilespmem:v24+s0+$0x700 ss:$0x1], $0xffff  }
0x38c: {  	v28 =	vsub.f32 v19, v55;
	v29 =	vsub.f32 v23, v56;
	v60 =	vld.idx.msk [tilespmem:v24+s0+$0x710 ss:$0x1], $0xffff;
	v26 =	vand.u32 $0x7FFFFFFF, v57  }
0x38d: {  	v61 =	vld.idx.msk [tilespmem:v24+s0+$0x720 ss:$0x1], $0xffff;
	v33 =	vand.u32 $0x7FFFFFFF, v58;
	v25 =	vand.u32 $0x7FFFFFFF, v59;
	v27 =	vand.u32 $0x7FFFFFFF, v27  }
0x38e: {  	v62 =	vld.idx.msk [tilespmem:v24+s0+$0x730 ss:$0x1], $0xffff;
	v30 =	vand.u32 $0x7FFFFFFF, v30;
	v32 =	vand.u32 $0x7FFFFFFF, v32;
	v28 =	vand.u32 $0x7FFFFFFF, v28  }
0x38f: {  	v63 =	vld.idx.msk [tilespmem:v24+s0+$0x740 ss:$0x1], $0xffff;
	v29 =	vand.u32 $0x7FFFFFFF, v29;
	v26 =	vadd.f32 v33, v26;
	v25 =	vadd.f32 v27, v25  }
0x390: {  	v39 =	vld.idx.msk [tilespmem:v24+s0+$0x750 ss:$0x1], $0xffff;
	v30 =	vadd.f32 v32, v30;
	v28 =	vadd.f32 v29, v28  }
0x391: {  	v41 =	vor.u32 s17, v13;
	v40 =	vld.idx.msk [tilespmem:v24+s0+$0x760 ss:$0x1], $0xffff  }
0x392: {  	v42 =	vld.idx.msk [tilespmem:v24+s0+$0x770 ss:$0x1], $0xffff;
	v25 =	vadd.f32 v25, v26;
	v43 =	vadd.f32 v28, v30  }
0x393: {  	v44 =	vsub.f32 v16, v31  }
0x394: {  	v45 =	vsub.f32 v17, v60;
	v25 =	vadd.f32 v43, v25  }
0x395: {  	v46 =	vsub.f32 v18, v61;
	v47 =	vsub.f32 v20, v62  }
0x396: {  	v48 =	vsub.f32 v21, v63;
	v27 =	vsub.f32 v22, v39;
	[tilespmem:v41+s25+$0x0] =	vst.idx.msk $0xffff, v25  }
0x397: {  	v50 =	vsub.f32 v19, v40;
	v51 =	vsub.f32 v23, v42;
	v49 =	vand.u32 $0x7FFFFFFF, v44;
	v32 =	vld.idx.msk [tilespmem:v24+s13+$0x700 ss:$0x1], $0xffff  }
0x398: {  	v30 =	vand.u32 $0x7FFFFFFF, v45;
	v26 =	vand.u32 $0x7FFFFFFF, v46;
	v31 =	vand.u32 $0x7FFFFFFF, v47;
	v52 =	vld.idx.msk [tilespmem:v24+s13+$0x710 ss:$0x1], $0xffff  }
0x399: {  	v34 =	vand.u32 $0x7FFFFFFF, v48;
	v27 =	vand.u32 $0x7FFFFFFF, v27;
	v28 =	vand.u32 $0x7FFFFFFF, v50;
	v53 =	vld.idx.msk [tilespmem:v24+s13+$0x720 ss:$0x1], $0xffff  }
0x39a: {  	v29 =	vand.u32 $0x7FFFFFFF, v51;
	v25 =	vadd.f32 v30, v49;
	v26 =	vadd.f32 v31, v26;
	v54 =	vld.idx.msk [tilespmem:v24+s13+$0x730 ss:$0x1], $0xffff  }
0x39b: {  	v27 =	vadd.f32 v27, v34;
	v28 =	vadd.f32 v29, v28;
	v55 =	vld.idx.msk [tilespmem:v24+s13+$0x740 ss:$0x1], $0xffff  }
0x39c: {  	v56 =	vld.idx.msk [tilespmem:v24+s13+$0x750 ss:$0x1], $0xffff  }
0x39d: {  	v58 =	vld.idx.msk [tilespmem:v24+s13+$0x760 ss:$0x1], $0xffff;
	v25 =	vadd.f32 v26, v25;
	v57 =	vadd.f32 v28, v27  }
0x39e: {  	v59 =	vor.u32 s3, v14;
	v60 =	vld.idx.msk [tilespmem:v24+s13+$0x770 ss:$0x1], $0xffff  }
0x39f: {  	v25 =	vadd.f32 v57, v25  }
0x3a0: {  	v61 =	vsub.f32 v16, v32;
	v62 =	vsub.f32 v17, v52  }
0x3a1: {  	v63 =	vsub.f32 v18, v53;
	v30 =	vsub.f32 v20, v54  }
0x3a2: {  	v29 =	vsub.f32 v21, v55;
	v31 =	vsub.f32 v22, v56  }
0x3a3: {  	v37 =	vsub.f32 v19, v58;
	v38 =	vsub.f32 v23, v60;
	[tilespmem:v59+s25+$0x0] =	vst.idx.msk $0xffff, v25;
	v36 =	vand.u32 $0x7FFFFFFF, v61  }
0x3a4: {  	v28 =	vld.idx.msk [tilespmem:v24+s0+$0x780 ss:$0x1], $0xffff;
	v32 =	vand.u32 $0x7FFFFFFF, v62;
	v33 =	vand.u32 $0x7FFFFFFF, v63;
	v30 =	vand.u32 $0x7FFFFFFF, v30  }
0x3a5: {  	v39 =	vld.idx.msk [tilespmem:v24+s0+$0x790 ss:$0x1], $0xffff;
	v29 =	vand.u32 $0x7FFFFFFF, v29;
	v31 =	vand.u32 $0x7FFFFFFF, v31;
	v26 =	vand.u32 $0x7FFFFFFF, v37  }
0x3a6: {  	v40 =	vld.idx.msk [tilespmem:v24+s0+$0x7A0 ss:$0x1], $0xffff;
	v27 =	vand.u32 $0x7FFFFFFF, v38;
	v25 =	vadd.f32 v32, v36;
	v30 =	vadd.f32 v30, v33  }
0x3a7: {  	v41 =	vld.idx.msk [tilespmem:v24+s0+$0x7B0 ss:$0x1], $0xffff;
	v29 =	vadd.f32 v31, v29;
	v26 =	vadd.f32 v27, v26  }
0x3a8: {  	v43 =	vor.u32 s17, v14;
	v42 =	vld.idx.msk [tilespmem:v24+s0+$0x7C0 ss:$0x1], $0xffff  }
0x3a9: {  	v44 =	vld.idx.msk [tilespmem:v24+s0+$0x7D0 ss:$0x1], $0xffff;
	v25 =	vadd.f32 v30, v25;
	v26 =	vadd.f32 v26, v29  }
0x3aa: {  	v45 =	vld.idx.msk [tilespmem:v24+s0+$0x7E0 ss:$0x1], $0xffff  }
0x3ab: {  	v46 =	vld.idx.msk [tilespmem:v24+s0+$0x7F0 ss:$0x1], $0xffff;
	v25 =	vadd.f32 v26, v25;
	_ =	sdelay $0x1  }
0x3ac: {  	v47 =	vsub.f32 v16, v28;
	v48 =	vsub.f32 v17, v39;
	[tilespmem:v43+s25+$0x0] =	vst.idx.msk $0xffff, v25  }
0x3ad: {  	v49 =	vsub.f32 v18, v40;
	v50 =	vsub.f32 v20, v41;
	v51 =	vld.idx.msk [tilespmem:v24+s13+$0x780 ss:$0x1], $0xffff  }
0x3ae: {  	v27 =	vsub.f32 v21, v42;
	v33 =	vsub.f32 v22, v44;
	v52 =	vld.idx.msk [tilespmem:v24+s13+$0x790 ss:$0x1], $0xffff  }
0x3af: {  	v29 =	vsub.f32 v19, v45;
	v30 =	vsub.f32 v23, v46;
	v26 =	vand.u32 $0x7FFFFFFF, v47;
	v53 =	vld.idx.msk [tilespmem:v24+s13+$0x7A0 ss:$0x1], $0xffff  }
0x3b0: {  	v28 =	vand.u32 $0x7FFFFFFF, v48;
	v25 =	vand.u32 $0x7FFFFFFF, v49;
	v31 =	vand.u32 $0x7FFFFFFF, v50;
	v54 =	vld.idx.msk [tilespmem:v24+s13+$0x7B0 ss:$0x1], $0xffff  }
0x3b1: {  	v27 =	vand.u32 $0x7FFFFFFF, v27;
	v33 =	vand.u32 $0x7FFFFFFF, v33;
	v29 =	vand.u32 $0x7FFFFFFF, v29;
	v55 =	vld.idx.msk [tilespmem:v24+s13+$0x7C0 ss:$0x1], $0xffff  }
0x3b2: {  	v30 =	vand.u32 $0x7FFFFFFF, v30;
	v26 =	vadd.f32 v28, v26;
	v25 =	vadd.f32 v31, v25;
	v56 =	vld.idx.msk [tilespmem:v24+s13+$0x7D0 ss:$0x1], $0xffff  }
0x3b3: {  	v27 =	vadd.f32 v33, v27;
	v29 =	vadd.f32 v30, v29;
	v57 =	vld.idx.msk [tilespmem:v24+s13+$0x7E0 ss:$0x1], $0xffff  }
0x3b4: {  	v58 =	vld.idx.msk [tilespmem:v24+s13+$0x7F0 ss:$0x1], $0xffff  }
0x3b5: {  	v25 =	vadd.f32 v25, v26;
	v59 =	vadd.f32 v29, v27  }
0x3b6: {  	v16 =	vsub.f32 v16, v51;
	v17 =	vsub.f32 v17, v52  }
0x3b7: {  	v60 =	vsub.f32 v18, v53;
	v61 =	vsub.f32 v20, v54  }
0x3b8: {  	v62 =	vor.u32 s3, v15;
	v63 =	vsub.f32 v21, v55;
	v29 =	vsub.f32 v22, v56  }
0x3b9: {  	v31 =	vsub.f32 v19, v57;
	v32 =	vsub.f32 v23, v58;
	v16 =	vand.u32 $0x7FFFFFFF, v16  }
0x3ba: {  	v17 =	vand.u32 $0x7FFFFFFF, v17;
	v18 =	vand.u32 $0x7FFFFFFF, v60;
	v20 =	vand.u32 $0x7FFFFFFF, v61  }
0x3bb: {  	v21 =	vand.u32 $0x7FFFFFFF, v63;
	v22 =	vand.u32 $0x7FFFFFFF, v29;
	v19 =	vand.u32 $0x7FFFFFFF, v31  }
0x3bc: {  	v23 =	vand.u32 $0x7FFFFFFF, v32;
	v16 =	vadd.f32 v17, v16;
	v17 =	vadd.f32 v20, v18  }
0x3bd: {  	v33 =	vadd.f32 v22, v21;
	v19 =	vadd.f32 v23, v19  }
0x3be: {  	v35 =	vor.u32 s17, v15;
	v34 =	vadd.f32 v59, v25  }
0x3bf: {  	v16 =	vadd.f32 v17, v16;
	v17 =	vadd.f32 v19, v33;
	_ =	sdelay $0x1  }
0x3c0: {  	s14 =	sadd.s32 $0x100, s14;
	[tilespmem:v62+s25+$0x0] =	vst.idx.msk $0xffff, v34;
	v16 =	vadd.f32 v17, v16  }
0x3c1: {  	v36 =	vld [tilespmem:s14+$0xFFFFFF90]  }
0x3c2: {  	s16 =	sadd.s32 $0x100, s14;
	v17 =	vld [tilespmem:s14+$0xFFFFFF80];
	[tilespmem:v35+s25+$0x0] =	vst.idx.msk $0xffff, v16  }
0x3c3: {  	v16 =	vld [tilespmem:s16+$0xFFFFFF80]  }
0x3c4: {  	v37 =	vld [tilespmem:s16+$0xFFFFFF90]  }
0x3c5: {  	v20 =	vld [tilespmem:s14+$0xFFFFFFA0]  }
0x3c6: {  	v21 =	vld [tilespmem:s16+$0xFFFFFFA0]  }
0x3c7: {  	v38 =	vld [tilespmem:s14+$0xFFFFFFB0]  }
0x3c8: {  	v39 =	vld [tilespmem:s16+$0xFFFFFFB0];
	v17 =	vadd.f32 v36, v17  }
0x3c9: {  	v40 =	vld [tilespmem:s14+$0xFFFFFFC0];
	v16 =	vadd.f32 v37, v16  }
0x3ca: {  	v41 =	vld [tilespmem:s16+$0xFFFFFFC0];
	v17 =	vadd.f32 v20, v17  }
0x3cb: {  	v42 =	vld [tilespmem:s14+$0xFFFFFFD0];
	v16 =	vadd.f32 v21, v16  }
0x3cc: {  	v43 =	vld [tilespmem:s16+$0xFFFFFFD0];
	v17 =	vadd.f32 v38, v17  }
0x3cd: {  	v44 =	vld [tilespmem:s14+$0xFFFFFFE0];
	v16 =	vadd.f32 v39, v16  }
0x3ce: {  	v45 =	vld [tilespmem:s16+$0xFFFFFFE0];
	v17 =	vadd.f32 v40, v17  }
0x3cf: {  	v46 =	vld [tilespmem:s14+$0xFFFFFFF0];
	v16 =	vadd.f32 v41, v16  }
0x3d0: {  	v47 =	vld [tilespmem:s16+$0xFFFFFFF0];
	v17 =	vadd.f32 v42, v17  }
0x3d1: {  	v48 =	vld [tilespmem:s14+$0x0];
	v16 =	vadd.f32 v43, v16  }
0x3d2: {  	v49 =	vld [tilespmem:s16+$0x0];
	v17 =	vadd.f32 v44, v17  }
0x3d3: {  	v50 =	vld [tilespmem:s14+$0x10];
	v16 =	vadd.f32 v45, v16  }
0x3d4: {  	v51 =	vld [tilespmem:s16+$0x10];
	v17 =	vadd.f32 v46, v17  }
0x3d5: {  	v52 =	vld [tilespmem:s14+$0x20];
	v16 =	vadd.f32 v47, v16  }
0x3d6: {  	v53 =	vld [tilespmem:s16+$0x20];
	v17 =	vadd.f32 v48, v17  }
0x3d7: {  	v54 =	vld [tilespmem:s14+$0x30];
	v16 =	vadd.f32 v49, v16  }
0x3d8: {  	v55 =	vld [tilespmem:s16+$0x30];
	v17 =	vadd.f32 v50, v17  }
0x3d9: {  	v56 =	vld [tilespmem:s14+$0x40];
	v16 =	vadd.f32 v51, v16  }
0x3da: {  	v57 =	vld [tilespmem:s16+$0x40];
	v17 =	vadd.f32 v52, v17  }
0x3db: {  	v58 =	vld [tilespmem:s14+$0x50];
	v16 =	vadd.f32 v53, v16  }
0x3dc: {  	v59 =	vld [tilespmem:s16+$0x50];
	v17 =	vadd.f32 v54, v17  }
0x3dd: {  	v60 =	vld [tilespmem:s14+$0x60];
	v16 =	vadd.f32 v55, v16  }
0x3de: {  	v61 =	vld [tilespmem:s16+$0x60];
	v17 =	vadd.f32 v56, v17  }
0x3df: {  	v62 =	vld [tilespmem:s14+$0x70];
	v16 =	vadd.f32 v57, v16  }
0x3e0: {  	v63 =	vld [tilespmem:s16+$0x70];
	v17 =	vadd.f32 v58, v17  }
0x3e1: {  	v16 =	vadd.f32 v59, v16  }
0x3e2: {  	v17 =	vadd.f32 v60, v17  }
0x3e3: {  	s30 =	sadd.s32 $0x1, s30;
	v16 =	vadd.f32 v61, v16  }
0x3e4: {  	p0 =	sne.s32 s30, $0x20;
	s17 =	sshll.u32 s31, $0x3;
	v17 =	vadd.f32 v62, v17  }
.Ltmp2:
0x3e5: {  	s19 =	sshll.u32 s2, $0x3;
	s0 =	sand.u32 $0x400, s17;
	v16 =	vadd.f32 v63, v16;
	(pc) =	sbr.rel @p0 .LBB2_4-.Ltmp2, $4  }
0x3e6: {  	s18 =	sand.u32 $0x78, s31;
	s22 =	sand.u32 $0x400, s19;
	s0 =	sadd.s32 s0, s15;
	v17 =	vsub.f32 $1.200000000e+01, v17  }
0x3e7: {  	s24 =	sand.u32 $0x78, s2;
	s3 =	sadd.s32 s22, s15;
	s0 =	sadd.s32 s18, s0;
	v16 =	vsub.f32 $1.200000000e+01, v16  }
0x3e8: {  	s31 =	sadd.s32 s24, s3;
	[tilespmem:s0+$0x0] =	vst v17  }
0x3e9: {  	[tilespmem:s31+$0x0] =	vst v16  }
0x3ea: {  	s28 =	sadd.s32 $0x1, s28  }
0x3eb: {  	p0 =	sne.s32 s28, s9  }
.Ltmp3:
0x3ec: {  	_ = 	snop;
	(pc) =	sbr.rel @p0 .LBB2_1-.Ltmp3, $4  }
0x3ed: {  	[hbm4b:s8+s4] =	stream.linear.scatter [tilespmem:s26], [sflag:$0x5], $0x2000, $0x38;
	[tilespmem:$0x19A00] =	vst v63  }
0x3ee: {  	_ =	swait.ge [sflag:s11], $0x2000  }
0x3ef: {  	[sflag:s11] =	ssyncset.done $0x0  }
0x3f0: {  	[sflag:s11] =	ssyncadd.s32 $0xFFFFE000  }
0x3f1: {  	_ =	sfence.sel $0x180000  }
0x3f2: {  	[bflag:$0x0] =	sbarrier.arrive $0xFFFF  }
0x3f3: {  	_ =	strace $0x90000047  }
0x3f4: {  	s0 =	stileid.u32;
	[bflag:$0x2] =	sbarrier.arrive $0xFFFF  }
0x3f5: {  	p0 =	sne.s32 s0, $0x0;
	s0 =	rddreg [dreg:$0x4]  }
0x3f6: {  	s0 =	sadd.s32 @!p0 $0x100000, s0  }
0x3f7: {  	[sflag:s0] =	ssyncadd.tile.s32 @!p0 $0x1;
	_ =	shalt  }
.Lfunc_end2:
_tile_overlayer_lowered:
.L_overlay_start_2:
0x3f8: {  	(tag) =	ssettag $0x2  }
0x3f9: {  	s0 =	rddreg [dreg:$0x0];
	s2 =	stileid.u32  }
0x3fa: {  	s1 =	rddreg [dreg:$0x1];
	p0 =	sne.s32 s2, $0x0  }
0x3fb: {  	s3 =	rddreg [dreg:$0x2];
	[bflag:$0x3] =	sbarrier.arrive $0xFFFF;
	s2 =	simm.s32 @!p0 $0x1C05  }
0x3fc: {  	[timem:s3], [sflag:s2] =	dma.local @!p0 [hbm:s0], s1  }
0x3fd: {  	s0 =	simm.s32 @!p0 $0x5  }
0x3fe: {  	_ =	swait.ge @!p0 [sflag:s0], s1  }
0x3ff: {  	s1 =	ssub.s32 @!p0 $0x0, s1;
	[sflag:s0] =	ssyncset.done @!p0 $0x0  }
0x400: {  	[sflag:s0] =	ssyncadd.s32 @!p0 s1  }
0x401: {  	[bflag:$0x3] =	sbarrier.arrive $0xFFFF  }
0x402: {  	_ =	shalt  }

</sc_bundles>
